<compile_context>
chip_gen: v7x
topology: tpu7x:2x2x1
jax: 0.10.2.dev20260603
libtpu: 0.0.44.dev20260713+nightly
codegen_flags: <defaults>
</compile_context>

<pallas_src>
import jax
import jax.numpy as jnp
from jax import lax
from jax.experimental import pallas as pl
from jax.experimental.pallas import tpu as pltpu
from jax.experimental.pallas import tpu_sc as plsc

N_NODES = 10000
N_EDGES = 320000
D = 128
H = 128


_NB = 2000


def _proj_body(nf_ref, ws_ref, wd_ref, ps_ref, pd_ref):
    x = nf_ref[...]
    ps_ref[...] = jnp.dot(x, ws_ref[...], preferred_element_type=jnp.float32)
    pd_ref[...] = jnp.dot(x, wd_ref[...], preferred_element_type=jnp.float32)


def _project_nodes(nfeat, W_s, W_d):
    return pl.pallas_call(
        _proj_body,
        grid=(N_NODES // _NB,),
        in_specs=[
            pl.BlockSpec((_NB, D), lambda i: (i, 0)),
            pl.BlockSpec((D, H), lambda i: (0, 0)),
            pl.BlockSpec((D, H), lambda i: (0, 0)),
        ],
        out_specs=[
            pl.BlockSpec((_NB, H), lambda i: (i, 0)),
            pl.BlockSpec((_NB, H), lambda i: (i, 0)),
        ],
        out_shape=[
            jax.ShapeDtypeStruct((N_NODES, H), jnp.float32),
            jax.ShapeDtypeStruct((N_NODES, H), jnp.float32),
        ],
    )(nfeat, W_s, W_d)



_NC = 2
_NS = 16
_NW = _NC * _NS
_C = 128
_NHALF = 4
_TPW = 20
_EPW = _TPW * _C
_EH = _NW * _EPW
_EHR = N_EDGES // _NHALF


def _gather_body(src_hbm, dst_hbm, ps_hbm, pd_hbm, out_hbm,
                 isrc0, idst0, ra0, rb0,
                 isrc1, idst1, ra1, rb1,
                 gsem0, gsem1):
    wid = lax.axis_index("s") * _NC + lax.axis_index("c")
    base = wid * _EPW
    slots = ((isrc0, idst0, ra0, rb0, gsem0),
             (isrc1, idst1, ra1, rb1, gsem1))

    def g_start(k, s):
        isrc, idst, ra, rb, gsem = slots[s]
        off = base + k * _C
        pltpu.sync_copy(src_hbm.at[pl.ds(off, _C)], isrc)
        pltpu.sync_copy(dst_hbm.at[pl.ds(off, _C)], idst)
        pltpu.async_copy(ps_hbm.at[isrc], ra, gsem)
        pltpu.async_copy(pd_hbm.at[idst], rb, gsem)

    def g_wait(s):
        isrc, idst, ra, rb, gsem = slots[s]
        pltpu.make_async_copy(ps_hbm.at[isrc], ra, gsem).wait()
        pltpu.make_async_copy(pd_hbm.at[idst], rb, gsem).wait()

    def add(s):
        _, _, ra, rb, _ = slots[s]

        def add_row(e, c2):
            for j in range(H // 16):
                sl = pl.ds(j * 16, 16)
                ra[e, sl] = ra[e, sl] + rb[e, sl]
            return c2

        lax.fori_loop(0, _C, add_row, 0)

    def wb_sync(k, s):
        _, _, ra, _, _ = slots[s]
        off = base + k * _C
        pltpu.sync_copy(ra, out_hbm.at[pl.ds(off, _C)])

    g_start(0, 0)

    def step(k2, carry):
        a = 2 * k2
        g_start(a + 1, 1)
        g_wait(0)
        add(0)
        wb_sync(a, 0)

        @pl.when(k2 < _TPW // 2 - 1)
        def _():
            g_start(a + 2, 0)

        g_wait(1)
        add(1)
        wb_sync(a + 1, 1)
        return carry

    lax.fori_loop(0, _TPW // 2, step, 0)


def _gather_sum_half(src_h, dst_h, ps, pd):
    mesh = plsc.VectorSubcoreMesh(core_axis_name="c", subcore_axis_name="s")
    f = pl.kernel(
        _gather_body,
        mesh=mesh,
        out_type=jax.ShapeDtypeStruct((_EH, H), jnp.float32),
        scratch_types=[
            pltpu.VMEM((_C,), jnp.int32),
            pltpu.VMEM((_C,), jnp.int32),
            pltpu.VMEM((_C, H), jnp.float32),
            pltpu.VMEM((_C, H), jnp.float32),
            pltpu.VMEM((_C,), jnp.int32),
            pltpu.VMEM((_C,), jnp.int32),
            pltpu.VMEM((_C, H), jnp.float32),
            pltpu.VMEM((_C, H), jnp.float32),
            pltpu.SemaphoreType.DMA,
            pltpu.SemaphoreType.DMA,
        ],
    )
    return f(src_h, dst_h, ps, pd)





_EB = 8000
_NBLK = (N_EDGES // _NHALF) // _EB


def _edge_compute(ef, g, we, wo, b1, bo, gm, bt):
    pre = jnp.dot(ef, we, preferred_element_type=jnp.float32) + g + b1
    h = pre * (1.0 / (1.0 + jnp.exp(-pre)))
    o = jnp.dot(h, wo, preferred_element_type=jnp.float32) + bo
    mean = jnp.mean(o, axis=-1, keepdims=True)
    cent = o - mean
    var = jnp.mean(cent * cent, axis=-1, keepdims=True)
    return gm * cent * lax.rsqrt(var + 1e-5) + bt + ef


def _edge_body(ef_ref, g_ref, we_ref, wo_ref, b1_ref, bo_ref, gm_ref, bt_ref,
               out_ref):
    out_ref[...] = _edge_compute(
        ef_ref[...], g_ref[...], we_ref[...], wo_ref[...], b1_ref[...],
        bo_ref[...], gm_ref[...], bt_ref[...])


def _edge_body_alias(ef_ref, g_ref, we_ref, wo_ref, b1_ref, bo_ref, gm_ref,
                     bt_ref, prev_ref, out_ref):
    del prev_ref
    out_ref[...] = _edge_compute(
        ef_ref[...], g_ref[...], we_ref[...], wo_ref[...], b1_ref[...],
        bo_ref[...], gm_ref[...], bt_ref[...])


def _edge_mlp_half(efeat, gsum_h, W_e, W_out, b1, b_out, gamma, beta, half,
                   prev=None):
    vec = lambda: pl.BlockSpec((1, D), lambda i: (0, 0))
    off = half * _NBLK
    in_specs = [
        pl.BlockSpec((_EB, D), lambda i: (off + i, 0)),
        pl.BlockSpec((_EB, H), lambda i: (i, 0)),
        pl.BlockSpec((D, H), lambda i: (0, 0)),
        pl.BlockSpec((H, D), lambda i: (0, 0)),
        vec(), vec(), vec(), vec(),
    ]
    inputs = [efeat, gsum_h, W_e, W_out,
              b1.reshape(1, D), b_out.reshape(1, D),
              gamma.reshape(1, D), beta.reshape(1, D)]
    body = _edge_body
    io_alias = {}
    if prev is not None:
        in_specs.append(pl.BlockSpec(memory_space=pl.ANY))
        inputs.append(prev)
        body = _edge_body_alias
        io_alias = {8: 0}
    return pl.pallas_call(
        body,
        grid=(_NBLK,),
        in_specs=in_specs,
        out_specs=pl.BlockSpec((_EB, D), lambda i: (off + i, 0)),
        out_shape=jax.ShapeDtypeStruct((N_EDGES, D), jnp.float32),
        input_output_aliases=io_alias,
    )(*inputs)


def kernel(efeat, nfeat, edge_index, W_e, W_s, W_d, b1, W_out, b_out, gamma,
           beta):
    src = edge_index[0].astype(jnp.int32)
    dst = edge_index[1].astype(jnp.int32)
    fill = jnp.arange(_EH - _EHR, dtype=jnp.int32) % N_NODES
    halves = [
        (jnp.concatenate([src[h * _EHR:(h + 1) * _EHR], fill]),
         jnp.concatenate([dst[h * _EHR:(h + 1) * _EHR], fill]))
        for h in range(_NHALF)
    ]

    ps, pd = _project_nodes(nfeat, W_s, W_d)
    gs = [_gather_sum_half(s_h, d_h, ps, pd) for s_h, d_h in halves]
    out = None
    for h in range(_NHALF):
        out = _edge_mlp_half(efeat, gs[h], W_e, W_out, b1, b_out, gamma,
                             beta, h, prev=out)
    return (out, nfeat)

# --- scband reference (transcript-rebuilt; emitter-appended) ---
"""Pipeline reference for scband-mesh-edge-block-sum-79156247265437 (READ-ONLY COPY).

The authoritative reference and input builder live on the scoring server;
editing this copy changes nothing except your own understanding.
"""

import jax, jax.numpy as jnp
import numpy as np

N_NODES = 10000
N_EDGES = 320000
D_NODE = 128
D_EDGE = 128
HIDDEN = 128
D_OUT = 128


def setup_inputs(seed: int = 0) -> dict:
    key = jax.random.key(seed)
    ks = jax.random.split(key, 12)
    efeat = jax.random.normal(ks[0], (N_EDGES, D_EDGE), dtype=jnp.float32)
    nfeat = jax.random.normal(ks[1], (N_NODES, D_NODE), dtype=jnp.float32)
    edge_index = jax.random.randint(ks[2], (2, N_EDGES), 0, N_NODES, dtype=jnp.int64)
    s_e = 1.0 / np.sqrt(D_EDGE)
    s_n = 1.0 / np.sqrt(D_NODE)
    s_h = 1.0 / np.sqrt(HIDDEN)
    # Concat-trick: the first linear of the MLP (which in the vanilla version acts on
    # concat([efeat, nfeat[src], nfeat[dst]])) is split into three partial matmuls.
    W_e = jax.random.uniform(ks[3], (D_EDGE, HIDDEN), minval=-s_e, maxval=s_e, dtype=jnp.float32)
    W_s = jax.random.uniform(ks[4], (D_NODE, HIDDEN), minval=-s_n, maxval=s_n, dtype=jnp.float32)
    W_d = jax.random.uniform(ks[5], (D_NODE, HIDDEN), minval=-s_n, maxval=s_n, dtype=jnp.float32)
    b1 = jax.random.uniform(ks[6], (HIDDEN,), minval=-s_e, maxval=s_e, dtype=jnp.float32)
    # hidden_layers=1 -> one (hidden, act) block then the output projection
    W_out = jax.random.uniform(ks[7], (HIDDEN, D_OUT), minval=-s_h, maxval=s_h, dtype=jnp.float32)
    b_out = jax.random.uniform(ks[8], (D_OUT,), minval=-s_h, maxval=s_h, dtype=jnp.float32)
    gamma = jnp.ones((D_OUT,), dtype=jnp.float32)
    beta = jnp.zeros((D_OUT,), dtype=jnp.float32)
    return {
        "efeat": efeat,
        "nfeat": nfeat,
        "edge_index": edge_index,
        "W_e": W_e,
        "W_s": W_s,
        "W_d": W_d,
        "b1": b1,
        "W_out": W_out,
        "b_out": b_out,
        "gamma": gamma,
        "beta": beta,
    }


def _layer_norm(x, gamma, beta, eps=1e-5):
    mean = jnp.mean(x, axis=-1, keepdims=True)
    var = jnp.mean((x - mean) ** 2, axis=-1, keepdims=True)
    return gamma * (x - mean) / jnp.sqrt(var + eps) + beta


def reference(efeat, nfeat, edge_index, W_e, W_s, W_d, b1, W_out, b_out, gamma, beta):
    src = edge_index[0]
    dst = edge_index[1]
    # Project node features once per node, then gather per edge (MMA + gather + sum)
    mlp_src = nfeat @ W_s        # [N, H]
    mlp_dst = nfeat @ W_d        # [N, H]
    mlp_e = efeat @ W_e          # [E, H]
    h = mlp_e + jnp.take(mlp_src, src, axis=0) + jnp.take(mlp_dst, dst, axis=0) + b1
    h = jax.nn.silu(h)
    out = h @ W_out + b_out
    out = _layer_norm(out, gamma, beta)
    efeat_new = out + efeat      # residual
    return (efeat_new, nfeat)

if __name__ == "__main__":
    import jax
    _d = setup_inputs()
    print(jax.jit(kernel)(*tuple(_d.values())))

</pallas_src>

<mosaic_0001>
#map = affine_map<(d0, d1) -> (0)>
#map1 = affine_map<(d0, d1) -> (0, 0)>
module attributes {stable_mosaic.version = 14 : i64} {
  func.func @_gather_body(%arg0: i32, %arg1: i32, %arg2: memref<81920xi32, #tpu.memory_space<hbm>>, %arg3: memref<81920xi32, #tpu.memory_space<hbm>>, %arg4: memref<10000x128xf32, #tpu.memory_space<hbm>>, %arg5: memref<10000x128xf32, #tpu.memory_space<hbm>>, %arg6: memref<81920x128xf32, #tpu.memory_space<hbm>>, %arg7: memref<128xi32, #tpu.memory_space<vmem>>, %arg8: memref<128xi32, #tpu.memory_space<vmem>>, %arg9: memref<128x128xf32, #tpu.memory_space<vmem>>, %arg10: memref<128x128xf32, #tpu.memory_space<vmem>>, %arg11: memref<128xi32, #tpu.memory_space<vmem>>, %arg12: memref<128xi32, #tpu.memory_space<vmem>>, %arg13: memref<128x128xf32, #tpu.memory_space<vmem>>, %arg14: memref<128x128xf32, #tpu.memory_space<vmem>>, %arg15: memref<!tpu.dma_semaphore, #tpu.memory_space<semaphore_mem>>, %arg16: memref<!tpu.dma_semaphore, #tpu.memory_space<semaphore_mem>>) attributes {dimension_semantics = [#tpu.dimension_semantics<core_parallel>, #tpu.dimension_semantics<subcore_parallel>], iteration_bounds = array<i64: 2, 16>, scalar_prefetch = 0 : i64, scratch_operands = 10 : i64, tpu.core_type = #tpu.core_type<sc_vector_subcore>, window_params = [{transform_indices = #map}, {transform_indices = #map}, {transform_indices = #map1}, {transform_indices = #map1}, {transform_indices = #map1}]} {
    %mul3A = arith.constant 2 : i32
    %mul3A_0 = arith.muli %arg1, %mul3A : i32
    %add3A = arith.addi %mul3A_0, %arg0 : i32
    %mul3A_1 = arith.constant 2560 : i32
    %mul3A_2 = arith.muli %add3A, %mul3A_1 : i32
    %add3A_3 = arith.constant 0 : i32
    %add3A_4 = arith.addi %mul3A_2, %add3A_3 : i32
    "tpu.region"() ({
      %run_scoped3A = tpu.sem_alloc : memref<!tpu.dma_semaphore, #tpu.memory_space<semaphore_mem>>
      %dma_start3A_15 = tpu.memref_slice %arg2[%add3A_4] : memref<81920xi32, #tpu.memory_space<hbm>> -> memref<128xi32, #tpu.memory_space<hbm>>
      %dma_start3A_16 = tpu.memref_slice %arg2[%add3A_4] : memref<81920xi32, #tpu.memory_space<hbm>> -> memref<128xi32, #tpu.memory_space<hbm>>
      tpu.enqueue_dma source(%dma_start3A_16 : memref<128xi32, #tpu.memory_space<hbm>>) target(%arg7 : memref<128xi32, #tpu.memory_space<vmem>>) target_semaphore(%run_scoped3A : memref<!tpu.dma_semaphore, #tpu.memory_space<semaphore_mem>>)
      %dma_wait3A = tpu.memref_slice %arg2[%add3A_4] : memref<81920xi32, #tpu.memory_space<hbm>> -> memref<128xi32, #tpu.memory_space<hbm>>
      %dma_wait3A_17 = tpu.memref_slice %arg2[%add3A_4] : memref<81920xi32, #tpu.memory_space<hbm>> -> memref<128xi32, #tpu.memory_space<hbm>>
      tpu.wait_dma2 semaphore(%run_scoped3A : memref<!tpu.dma_semaphore, #tpu.memory_space<semaphore_mem>>) src(%dma_wait3A_17 : memref<128xi32, #tpu.memory_space<hbm>>) dst(%arg7 : memref<128xi32, #tpu.memory_space<vmem>>)
      tpu.yield
    }) : () -> ()
    "tpu.region"() ({
      %run_scoped3A = tpu.sem_alloc : memref<!tpu.dma_semaphore, #tpu.memory_space<semaphore_mem>>
      %dma_start3A_15 = tpu.memref_slice %arg3[%add3A_4] : memref<81920xi32, #tpu.memory_space<hbm>> -> memref<128xi32, #tpu.memory_space<hbm>>
      %dma_start3A_16 = tpu.memref_slice %arg3[%add3A_4] : memref<81920xi32, #tpu.memory_space<hbm>> -> memref<128xi32, #tpu.memory_space<hbm>>
      tpu.enqueue_dma source(%dma_start3A_16 : memref<128xi32, #tpu.memory_space<hbm>>) target(%arg8 : memref<128xi32, #tpu.memory_space<vmem>>) target_semaphore(%run_scoped3A : memref<!tpu.dma_semaphore, #tpu.memory_space<semaphore_mem>>)
      %dma_wait3A = tpu.memref_slice %arg3[%add3A_4] : memref<81920xi32, #tpu.memory_space<hbm>> -> memref<128xi32, #tpu.memory_space<hbm>>
      %dma_wait3A_17 = tpu.memref_slice %arg3[%add3A_4] : memref<81920xi32, #tpu.memory_space<hbm>> -> memref<128xi32, #tpu.memory_space<hbm>>
      tpu.wait_dma2 semaphore(%run_scoped3A : memref<!tpu.dma_semaphore, #tpu.memory_space<semaphore_mem>>) src(%dma_wait3A_17 : memref<128xi32, #tpu.memory_space<hbm>>) dst(%arg8 : memref<128xi32, #tpu.memory_space<vmem>>)
      tpu.yield
    }) : () -> ()
    %dma_start3A = arith.constant 0 : i32
    %dma_start3A_5 = arith.constant 0 : i32
    %dma_start3A_6 = tpu.memref_slice %arg4[%dma_start3A, %dma_start3A_5] : memref<10000x128xf32, #tpu.memory_space<hbm>> -> memref<10000x128xf32, #tpu.memory_space<hbm>>
    tpu.enqueue_indirect_dma source(%dma_start3A_6 : memref<10000x128xf32, #tpu.memory_space<hbm>>) target(%arg9 : memref<128x128xf32, #tpu.memory_space<vmem>>) offsets(%arg7 : memref<128xi32, #tpu.memory_space<vmem>>) semaphore(%arg15 : memref<!tpu.dma_semaphore, #tpu.memory_space<semaphore_mem>>)
    %dma_start3A_7 = arith.constant 0 : i32
    %dma_start3A_8 = arith.constant 0 : i32
    %dma_start3A_9 = tpu.memref_slice %arg5[%dma_start3A_7, %dma_start3A_8] : memref<10000x128xf32, #tpu.memory_space<hbm>> -> memref<10000x128xf32, #tpu.memory_space<hbm>>
    tpu.enqueue_indirect_dma source(%dma_start3A_9 : memref<10000x128xf32, #tpu.memory_space<hbm>>) target(%arg10 : memref<128x128xf32, #tpu.memory_space<vmem>>) offsets(%arg8 : memref<128xi32, #tpu.memory_space<vmem>>) semaphore(%arg15 : memref<!tpu.dma_semaphore, #tpu.memory_space<semaphore_mem>>)
    %scan3A = arith.constant 0 : i32
    %scan3A_10 = arith.constant 0 : i32
    %scan3A_11 = arith.constant 10 : i32
    %scan3A_12 = arith.addi %scan3A_10, %scan3A_11 : i32
    %scan3A_13 = arith.constant 1 : i32
    scf.for %scan3A_15 = %scan3A_10 to %scan3A_12 step %scan3A_13  : i32 {
      %mul3A_16 = arith.constant 2 : i32
      %mul3A_17 = arith.muli %mul3A_16, %scan3A_15 : i32
      %add3A_18 = arith.constant 1 : i32
      %add3A_19 = arith.addi %mul3A_17, %add3A_18 : i32
      %mul3A_20 = arith.constant 128 : i32
      %mul3A_21 = arith.muli %add3A_19, %mul3A_20 : i32
      %add3A_22 = arith.addi %mul3A_2, %mul3A_21 : i32
      "tpu.region"() ({
        %run_scoped3A = tpu.sem_alloc : memref<!tpu.dma_semaphore, #tpu.memory_space<semaphore_mem>>
        %dma_start3A_62 = tpu.memref_slice %arg2[%add3A_22] : memref<81920xi32, #tpu.memory_space<hbm>> -> memref<128xi32, #tpu.memory_space<hbm>>
        %dma_start3A_63 = tpu.memref_slice %arg2[%add3A_22] : memref<81920xi32, #tpu.memory_space<hbm>> -> memref<128xi32, #tpu.memory_space<hbm>>
        tpu.enqueue_dma source(%dma_start3A_63 : memref<128xi32, #tpu.memory_space<hbm>>) target(%arg11 : memref<128xi32, #tpu.memory_space<vmem>>) target_semaphore(%run_scoped3A : memref<!tpu.dma_semaphore, #tpu.memory_space<semaphore_mem>>)
        %dma_wait3A_64 = tpu.memref_slice %arg2[%add3A_22] : memref<81920xi32, #tpu.memory_space<hbm>> -> memref<128xi32, #tpu.memory_space<hbm>>
        %dma_wait3A_65 = tpu.memref_slice %arg2[%add3A_22] : memref<81920xi32, #tpu.memory_space<hbm>> -> memref<128xi32, #tpu.memory_space<hbm>>
        tpu.wait_dma2 semaphore(%run_scoped3A : memref<!tpu.dma_semaphore, #tpu.memory_space<semaphore_mem>>) src(%dma_wait3A_65 : memref<128xi32, #tpu.memory_space<hbm>>) dst(%arg11 : memref<128xi32, #tpu.memory_space<vmem>>)
        tpu.yield
      }) : () -> ()
      "tpu.region"() ({
        %run_scoped3A = tpu.sem_alloc : memref<!tpu.dma_semaphore, #tpu.memory_space<semaphore_mem>>
        %dma_start3A_62 = tpu.memref_slice %arg3[%add3A_22] : memref<81920xi32, #tpu.memory_space<hbm>> -> memref<128xi32, #tpu.memory_space<hbm>>
        %dma_start3A_63 = tpu.memref_slice %arg3[%add3A_22] : memref<81920xi32, #tpu.memory_space<hbm>> -> memref<128xi32, #tpu.memory_space<hbm>>
        tpu.enqueue_dma source(%dma_start3A_63 : memref<128xi32, #tpu.memory_space<hbm>>) target(%arg12 : memref<128xi32, #tpu.memory_space<vmem>>) target_semaphore(%run_scoped3A : memref<!tpu.dma_semaphore, #tpu.memory_space<semaphore_mem>>)
        %dma_wait3A_64 = tpu.memref_slice %arg3[%add3A_22] : memref<81920xi32, #tpu.memory_space<hbm>> -> memref<128xi32, #tpu.memory_space<hbm>>
        %dma_wait3A_65 = tpu.memref_slice %arg3[%add3A_22] : memref<81920xi32, #tpu.memory_space<hbm>> -> memref<128xi32, #tpu.memory_space<hbm>>
        tpu.wait_dma2 semaphore(%run_scoped3A : memref<!tpu.dma_semaphore, #tpu.memory_space<semaphore_mem>>) src(%dma_wait3A_65 : memref<128xi32, #tpu.memory_space<hbm>>) dst(%arg12 : memref<128xi32, #tpu.memory_space<vmem>>)
        tpu.yield
      }) : () -> ()
      %dma_start3A_23 = arith.constant 0 : i32
      %dma_start3A_24 = arith.constant 0 : i32
      %dma_start3A_25 = tpu.memref_slice %arg4[%dma_start3A_23, %dma_start3A_24] : memref<10000x128xf32, #tpu.memory_space<hbm>> -> memref<10000x128xf32, #tpu.memory_space<hbm>>
      tpu.enqueue_indirect_dma source(%dma_start3A_25 : memref<10000x128xf32, #tpu.memory_space<hbm>>) target(%arg13 : memref<128x128xf32, #tpu.memory_space<vmem>>) offsets(%arg11 : memref<128xi32, #tpu.memory_space<vmem>>) semaphore(%arg16 : memref<!tpu.dma_semaphore, #tpu.memory_space<semaphore_mem>>)
      %dma_start3A_26 = arith.constant 0 : i32
      %dma_start3A_27 = arith.constant 0 : i32
      %dma_start3A_28 = tpu.memref_slice %arg5[%dma_start3A_26, %dma_start3A_27] : memref<10000x128xf32, #tpu.memory_space<hbm>> -> memref<10000x128xf32, #tpu.memory_space<hbm>>
      tpu.enqueue_indirect_dma source(%dma_start3A_28 : memref<10000x128xf32, #tpu.memory_space<hbm>>) target(%arg14 : memref<128x128xf32, #tpu.memory_space<vmem>>) offsets(%arg12 : memref<128xi32, #tpu.memory_space<vmem>>) semaphore(%arg16 : memref<!tpu.dma_semaphore, #tpu.memory_space<semaphore_mem>>)
      %dma_wait3A = arith.constant 0 : i32
      %dma_wait3A_29 = arith.constant 0 : i32
      %dma_wait3A_30 = tpu.memref_slice %arg4[%dma_wait3A, %dma_wait3A_29] : memref<10000x128xf32, #tpu.memory_space<hbm>> -> memref<10000x128xf32, #tpu.memory_space<hbm>>
      tpu.wait_indirect_dma semaphore(%arg15 : memref<!tpu.dma_semaphore, #tpu.memory_space<semaphore_mem>>) src(%dma_wait3A_30 : memref<10000x128xf32, #tpu.memory_space<hbm>>) dst(%arg9 : memref<128x128xf32, #tpu.memory_space<vmem>>)
      %dma_wait3A_31 = arith.constant 0 : i32
      %dma_wait3A_32 = arith.constant 0 : i32
      %dma_wait3A_33 = tpu.memref_slice %arg5[%dma_wait3A_31, %dma_wait3A_32] : memref<10000x128xf32, #tpu.memory_space<hbm>> -> memref<10000x128xf32, #tpu.memory_space<hbm>>
      tpu.wait_indirect_dma semaphore(%arg15 : memref<!tpu.dma_semaphore, #tpu.memory_space<semaphore_mem>>) src(%dma_wait3A_33 : memref<10000x128xf32, #tpu.memory_space<hbm>>) dst(%arg10 : memref<128x128xf32, #tpu.memory_space<vmem>>)
      %scan3A_34 = arith.constant 0 : i32
      %scan3A_35 = arith.constant 0 : i32
      %scan3A_36 = arith.constant 128 : i32
      %scan3A_37 = arith.addi %scan3A_35, %scan3A_36 : i32
      %scan3A_38 = arith.constant 1 : i32
      scf.for %scan3A_62 = %scan3A_35 to %scan3A_37 step %scan3A_38  : i32 {
        %get3A = arith.index_cast %scan3A_62 : i32 to index
        %get3A_63 = arith.constant 0 : index
        %get3A_64 = tpu.vector_load %arg9[%get3A, %get3A_63] {strides = array<i32>} : memref<128x128xf32, #tpu.memory_space<vmem>>, vector<1x16xf32>,
        %get3A_65 = vector.shape_cast %get3A_64 : vector<1x16xf32> to vector<16xf32>
        %get3A_66 = arith.index_cast %scan3A_62 : i32 to index
        %get3A_67 = arith.constant 0 : index
        %get3A_68 = tpu.vector_load %arg10[%get3A_66, %get3A_67] {strides = array<i32>} : memref<128x128xf32, #tpu.memory_space<vmem>>, vector<1x16xf32>,
        %get3A_69 = vector.shape_cast %get3A_68 : vector<1x16xf32> to vector<16xf32>
        %add3A_70 = arith.addf %get3A_65, %get3A_69 : vector<16xf32>
        %swap3A = arith.index_cast %scan3A_62 : i32 to index
        %swap3A_71 = arith.constant 0 : index
        %swap3A_72 = tpu.vector_load %arg9[%swap3A, %swap3A_71] {strides = array<i32>} : memref<128x128xf32, #tpu.memory_space<vmem>>, vector<1x16xf32>,
        %swap3A_73 = vector.shape_cast %swap3A_72 : vector<1x16xf32> to vector<16xf32>
        %swap3A_74 = vector.shape_cast %add3A_70 : vector<16xf32> to vector<1x16xf32>
        tpu.vector_store %arg9[%swap3A, %swap3A_71], %swap3A_74 {strides = array<i32>} : memref<128x128xf32, #tpu.memory_space<vmem>>, vector<1x16xf32>,
        %get3A_75 = arith.index_cast %scan3A_62 : i32 to index
        %get3A_76 = arith.constant 16 : index
        %get3A_77 = tpu.vector_load %arg9[%get3A_75, %get3A_76] {strides = array<i32>} : memref<128x128xf32, #tpu.memory_space<vmem>>, vector<1x16xf32>,
        %get3A_78 = vector.shape_cast %get3A_77 : vector<1x16xf32> to vector<16xf32>
        %get3A_79 = arith.index_cast %scan3A_62 : i32 to index
        %get3A_80 = arith.constant 16 : index
        %get3A_81 = tpu.vector_load %arg10[%get3A_79, %get3A_80] {strides = array<i32>} : memref<128x128xf32, #tpu.memory_space<vmem>>, vector<1x16xf32>,
        %get3A_82 = vector.shape_cast %get3A_81 : vector<1x16xf32> to vector<16xf32>
        %add3A_83 = arith.addf %get3A_78, %get3A_82 : vector<16xf32>
        %swap3A_84 = arith.index_cast %scan3A_62 : i32 to index
        %swap3A_85 = arith.constant 16 : index
        %swap3A_86 = tpu.vector_load %arg9[%swap3A_84, %swap3A_85] {strides = array<i32>} : memref<128x128xf32, #tpu.memory_space<vmem>>, vector<1x16xf32>,
        %swap3A_87 = vector.shape_cast %swap3A_86 : vector<1x16xf32> to vector<16xf32>
        %swap3A_88 = vector.shape_cast %add3A_83 : vector<16xf32> to vector<1x16xf32>
        tpu.vector_store %arg9[%swap3A_84, %swap3A_85], %swap3A_88 {strides = array<i32>} : memref<128x128xf32, #tpu.memory_space<vmem>>, vector<1x16xf32>,
        %get3A_89 = arith.index_cast %scan3A_62 : i32 to index
        %get3A_90 = arith.constant 32 : index
        %get3A_91 = tpu.vector_load %arg9[%get3A_89, %get3A_90] {strides = array<i32>} : memref<128x128xf32, #tpu.memory_space<vmem>>, vector<1x16xf32>,
        %get3A_92 = vector.shape_cast %get3A_91 : vector<1x16xf32> to vector<16xf32>
        %get3A_93 = arith.index_cast %scan3A_62 : i32 to index
        %get3A_94 = arith.constant 32 : index
        %get3A_95 = tpu.vector_load %arg10[%get3A_93, %get3A_94] {strides = array<i32>} : memref<128x128xf32, #tpu.memory_space<vmem>>, vector<1x16xf32>,
        %get3A_96 = vector.shape_cast %get3A_95 : vector<1x16xf32> to vector<16xf32>
        %add3A_97 = arith.addf %get3A_92, %get3A_96 : vector<16xf32>
        %swap3A_98 = arith.index_cast %scan3A_62 : i32 to index
        %swap3A_99 = arith.constant 32 : index
        %swap3A_100 = tpu.vector_load %arg9[%swap3A_98, %swap3A_99] {strides = array<i32>} : memref<128x128xf32, #tpu.memory_space<vmem>>, vector<1x16xf32>,
        %swap3A_101 = vector.shape_cast %swap3A_100 : vector<1x16xf32> to vector<16xf32>
        %swap3A_102 = vector.shape_cast %add3A_97 : vector<16xf32> to vector<1x16xf32>
        tpu.vector_store %arg9[%swap3A_98, %swap3A_99], %swap3A_102 {strides = array<i32>} : memref<128x128xf32, #tpu.memory_space<vmem>>, vector<1x16xf32>,
        %get3A_103 = arith.index_cast %scan3A_62 : i32 to index
        %get3A_104 = arith.constant 48 : index
        %get3A_105 = tpu.vector_load %arg9[%get3A_103, %get3A_104] {strides = array<i32>} : memref<128x128xf32, #tpu.memory_space<vmem>>, vector<1x16xf32>,
        %get3A_106 = vector.shape_cast %get3A_105 : vector<1x16xf32> to vector<16xf32>
        %get3A_107 = arith.index_cast %scan3A_62 : i32 to index
        %get3A_108 = arith.constant 48 : index
        %get3A_109 = tpu.vector_load %arg10[%get3A_107, %get3A_108] {strides = array<i32>} : memref<128x128xf32, #tpu.memory_space<vmem>>, vector<1x16xf32>,
        %get3A_110 = vector.shape_cast %get3A_109 : vector<1x16xf32> to vector<16xf32>
        %add3A_111 = arith.addf %get3A_106, %get3A_110 : vector<16xf32>
        %swap3A_112 = arith.index_cast %scan3A_62 : i32 to index
        %swap3A_113 = arith.constant 48 : index
        %swap3A_114 = tpu.vector_load %arg9[%swap3A_112, %swap3A_113] {strides = array<i32>} : memref<128x128xf32, #tpu.memory_space<vmem>>, vector<1x16xf32>,
        %swap3A_115 = vector.shape_cast %swap3A_114 : vector<1x16xf32> to vector<16xf32>
        %swap3A_116 = vector.shape_cast %add3A_111 : vector<16xf32> to vector<1x16xf32>
        tpu.vector_store %arg9[%swap3A_112, %swap3A_113], %swap3A_116 {strides = array<i32>} : memref<128x128xf32, #tpu.memory_space<vmem>>, vector<1x16xf32>,
        %get3A_117 = arith.index_cast %scan3A_62 : i32 to index
        %get3A_118 = arith.constant 64 : index
        %get3A_119 = tpu.vector_load %arg9[%get3A_117, %get3A_118] {strides = array<i32>} : memref<128x128xf32, #tpu.memory_space<vmem>>, vector<1x16xf32>,
        %get3A_120 = vector.shape_cast %get3A_119 : vector<1x16xf32> to vector<16xf32>
        %get3A_121 = arith.index_cast %scan3A_62 : i32 to index
        %get3A_122 = arith.constant 64 : index
        %get3A_123 = tpu.vector_load %arg10[%get3A_121, %get3A_122] {strides = array<i32>} : memref<128x128xf32, #tpu.memory_space<vmem>>, vector<1x16xf32>,
        %get3A_124 = vector.shape_cast %get3A_123 : vector<1x16xf32> to vector<16xf32>
        %add3A_125 = arith.addf %get3A_120, %get3A_124 : vector<16xf32>
        %swap3A_126 = arith.index_cast %scan3A_62 : i32 to index
        %swap3A_127 = arith.constant 64 : index
        %swap3A_128 = tpu.vector_load %arg9[%swap3A_126, %swap3A_127] {strides = array<i32>} : memref<128x128xf32, #tpu.memory_space<vmem>>, vector<1x16xf32>,
        %swap3A_129 = vector.shape_cast %swap3A_128 : vector<1x16xf32> to vector<16xf32>
        %swap3A_130 = vector.shape_cast %add3A_125 : vector<16xf32> to vector<1x16xf32>
        tpu.vector_store %arg9[%swap3A_126, %swap3A_127], %swap3A_130 {strides = array<i32>} : memref<128x128xf32, #tpu.memory_space<vmem>>, vector<1x16xf32>,
        %get3A_131 = arith.index_cast %scan3A_62 : i32 to index
        %get3A_132 = arith.constant 80 : index
        %get3A_133 = tpu.vector_load %arg9[%get3A_131, %get3A_132] {strides = array<i32>} : memref<128x128xf32, #tpu.memory_space<vmem>>, vector<1x16xf32>,
        %get3A_134 = vector.shape_cast %get3A_133 : vector<1x16xf32> to vector<16xf32>
        %get3A_135 = arith.index_cast %scan3A_62 : i32 to index
        %get3A_136 = arith.constant 80 : index
        %get3A_137 = tpu.vector_load %arg10[%get3A_135, %get3A_136] {strides = array<i32>} : memref<128x128xf32, #tpu.memory_space<vmem>>, vector<1x16xf32>,
        %get3A_138 = vector.shape_cast %get3A_137 : vector<1x16xf32> to vector<16xf32>
        %add3A_139 = arith.addf %get3A_134, %get3A_138 : vector<16xf32>
        %swap3A_140 = arith.index_cast %scan3A_62 : i32 to index
        %swap3A_141 = arith.constant 80 : index
        %swap3A_142 = tpu.vector_load %arg9[%swap3A_140, %swap3A_141] {strides = array<i32>} : memref<128x128xf32, #tpu.memory_space<vmem>>, vector<1x16xf32>,
        %swap3A_143 = vector.shape_cast %swap3A_142 : vector<1x16xf32> to vector<16xf32>
        %swap3A_144 = vector.shape_cast %add3A_139 : vector<16xf32> to vector<1x16xf32>
        tpu.vector_store %arg9[%swap3A_140, %swap3A_141], %swap3A_144 {strides = array<i32>} : memref<128x128xf32, #tpu.memory_space<vmem>>, vector<1x16xf32>,
        %get3A_145 = arith.index_cast %scan3A_62 : i32 to index
        %get3A_146 = arith.constant 96 : index
        %get3A_147 = tpu.vector_load %arg9[%get3A_145, %get3A_146] {strides = array<i32>} : memref<128x128xf32, #tpu.memory_space<vmem>>, vector<1x16xf32>,
        %get3A_148 = vector.shape_cast %get3A_147 : vector<1x16xf32> to vector<16xf32>
        %get3A_149 = arith.index_cast %scan3A_62 : i32 to index
        %get3A_150 = arith.constant 96 : index
        %get3A_151 = tpu.vector_load %arg10[%get3A_149, %get3A_150] {strides = array<i32>} : memref<128x128xf32, #tpu.memory_space<vmem>>, vector<1x16xf32>,
        %get3A_152 = vector.shape_cast %get3A_151 : vector<1x16xf32> to vector<16xf32>
        %add3A_153 = arith.addf %get3A_148, %get3A_152 : vector<16xf32>
        %swap3A_154 = arith.index_cast %scan3A_62 : i32 to index
        %swap3A_155 = arith.constant 96 : index
        %swap3A_156 = tpu.vector_load %arg9[%swap3A_154, %swap3A_155] {strides = array<i32>} : memref<128x128xf32, #tpu.memory_space<vmem>>, vector<1x16xf32>,
        %swap3A_157 = vector.shape_cast %swap3A_156 : vector<1x16xf32> to vector<16xf32>
        %swap3A_158 = vector.shape_cast %add3A_153 : vector<16xf32> to vector<1x16xf32>
        tpu.vector_store %arg9[%swap3A_154, %swap3A_155], %swap3A_158 {strides = array<i32>} : memref<128x128xf32, #tpu.memory_space<vmem>>, vector<1x16xf32>,
        %get3A_159 = arith.index_cast %scan3A_62 : i32 to index
        %get3A_160 = arith.constant 112 : index
        %get3A_161 = tpu.vector_load %arg9[%get3A_159, %get3A_160] {strides = array<i32>} : memref<128x128xf32, #tpu.memory_space<vmem>>, vector<1x16xf32>,
        %get3A_162 = vector.shape_cast %get3A_161 : vector<1x16xf32> to vector<16xf32>
        %get3A_163 = arith.index_cast %scan3A_62 : i32 to index
        %get3A_164 = arith.constant 112 : index
        %get3A_165 = tpu.vector_load %arg10[%get3A_163, %get3A_164] {strides = array<i32>} : memref<128x128xf32, #tpu.memory_space<vmem>>, vector<1x16xf32>,
        %get3A_166 = vector.shape_cast %get3A_165 : vector<1x16xf32> to vector<16xf32>
        %add3A_167 = arith.addf %get3A_162, %get3A_166 : vector<16xf32>
        %swap3A_168 = arith.index_cast %scan3A_62 : i32 to index
        %swap3A_169 = arith.constant 112 : index
        %swap3A_170 = tpu.vector_load %arg9[%swap3A_168, %swap3A_169] {strides = array<i32>} : memref<128x128xf32, #tpu.memory_space<vmem>>, vector<1x16xf32>,
        %swap3A_171 = vector.shape_cast %swap3A_170 : vector<1x16xf32> to vector<16xf32>
        %swap3A_172 = vector.shape_cast %add3A_167 : vector<16xf32> to vector<1x16xf32>
        tpu.vector_store %arg9[%swap3A_168, %swap3A_169], %swap3A_172 {strides = array<i32>} : memref<128x128xf32, #tpu.memory_space<vmem>>, vector<1x16xf32>,
      }
      %scan3A_39 = arith.constant 128 : i32
      %mul3A_40 = arith.constant 128 : i32
      %mul3A_41 = arith.muli %mul3A_17, %mul3A_40 : i32
      %add3A_42 = arith.addi %mul3A_2, %mul3A_41 : i32
      "tpu.region"() ({
        %run_scoped3A = tpu.sem_alloc : memref<!tpu.dma_semaphore, #tpu.memory_space<semaphore_mem>>
        %dma_start3A_62 = arith.constant 0 : i32
        %dma_start3A_63 = tpu.memref_slice %arg6[%add3A_42, %dma_start3A_62] : memref<81920x128xf32, #tpu.memory_space<hbm>> -> memref<128x128xf32, #tpu.memory_space<hbm>>
        %dma_start3A_64 = arith.constant 0 : i32
        %dma_start3A_65 = tpu.memref_slice %arg6[%add3A_42, %dma_start3A_64] : memref<81920x128xf32, #tpu.memory_space<hbm>> -> memref<128x128xf32, #tpu.memory_space<hbm>>
        tpu.enqueue_dma source(%arg9 : memref<128x128xf32, #tpu.memory_space<vmem>>) target(%dma_start3A_65 : memref<128x128xf32, #tpu.memory_space<hbm>>) target_semaphore(%run_scoped3A : memref<!tpu.dma_semaphore, #tpu.memory_space<semaphore_mem>>)
        %dma_wait3A_66 = arith.constant 0 : i32
        %dma_wait3A_67 = tpu.memref_slice %arg6[%add3A_42, %dma_wait3A_66] : memref<81920x128xf32, #tpu.memory_space<hbm>> -> memref<128x128xf32, #tpu.memory_space<hbm>>
        %dma_wait3A_68 = arith.constant 0 : i32
        %dma_wait3A_69 = tpu.memref_slice %arg6[%add3A_42, %dma_wait3A_68] : memref<81920x128xf32, #tpu.memory_space<hbm>> -> memref<128x128xf32, #tpu.memory_space<hbm>>
        tpu.wait_dma2 semaphore(%run_scoped3A : memref<!tpu.dma_semaphore, #tpu.memory_space<semaphore_mem>>) src(%arg9 : memref<128x128xf32, #tpu.memory_space<vmem>>) dst(%dma_wait3A_69 : memref<128x128xf32, #tpu.memory_space<hbm>>)
        tpu.yield
      }) : () -> ()
      %lt3A = arith.constant 9 : i32
      %lt3A_43 = arith.cmpi slt, %scan3A_15, %lt3A : i32
      %convert_element_type3A = arith.extui %lt3A_43 : i1 to i32
      %cond3A = arith.constant 0 : i32
      %cond3A_44 = arith.cmpi ne, %convert_element_type3A, %cond3A : i32
      scf.if %cond3A_44 {
        %add3A_62 = arith.constant 2 : i32
        %add3A_63 = arith.addi %mul3A_17, %add3A_62 : i32
        %mul3A_64 = arith.constant 128 : i32
        %mul3A_65 = arith.muli %add3A_63, %mul3A_64 : i32
        %add3A_66 = arith.addi %mul3A_2, %mul3A_65 : i32
        "tpu.region"() ({
          %run_scoped3A = tpu.sem_alloc : memref<!tpu.dma_semaphore, #tpu.memory_space<semaphore_mem>>
          %dma_start3A_73 = tpu.memref_slice %arg2[%add3A_66] : memref<81920xi32, #tpu.memory_space<hbm>> -> memref<128xi32, #tpu.memory_space<hbm>>
          %dma_start3A_74 = tpu.memref_slice %arg2[%add3A_66] : memref<81920xi32, #tpu.memory_space<hbm>> -> memref<128xi32, #tpu.memory_space<hbm>>
          tpu.enqueue_dma source(%dma_start3A_74 : memref<128xi32, #tpu.memory_space<hbm>>) target(%arg7 : memref<128xi32, #tpu.memory_space<vmem>>) target_semaphore(%run_scoped3A : memref<!tpu.dma_semaphore, #tpu.memory_space<semaphore_mem>>)
          %dma_wait3A_75 = tpu.memref_slice %arg2[%add3A_66] : memref<81920xi32, #tpu.memory_space<hbm>> -> memref<128xi32, #tpu.memory_space<hbm>>
          %dma_wait3A_76 = tpu.memref_slice %arg2[%add3A_66] : memref<81920xi32, #tpu.memory_space<hbm>> -> memref<128xi32, #tpu.memory_space<hbm>>
          tpu.wait_dma2 semaphore(%run_scoped3A : memref<!tpu.dma_semaphore, #tpu.memory_space<semaphore_mem>>) src(%dma_wait3A_76 : memref<128xi32, #tpu.memory_space<hbm>>) dst(%arg7 : memref<128xi32, #tpu.memory_space<vmem>>)
          tpu.yield
        }) : () -> ()
        "tpu.region"() ({
          %run_scoped3A = tpu.sem_alloc : memref<!tpu.dma_semaphore, #tpu.memory_space<semaphore_mem>>
          %dma_start3A_73 = tpu.memref_slice %arg3[%add3A_66] : memref<81920xi32, #tpu.memory_space<hbm>> -> memref<128xi32, #tpu.memory_space<hbm>>
          %dma_start3A_74 = tpu.memref_slice %arg3[%add3A_66] : memref<81920xi32, #tpu.memory_space<hbm>> -> memref<128xi32, #tpu.memory_space<hbm>>
          tpu.enqueue_dma source(%dma_start3A_74 : memref<128xi32, #tpu.memory_space<hbm>>) target(%arg8 : memref<128xi32, #tpu.memory_space<vmem>>) target_semaphore(%run_scoped3A : memref<!tpu.dma_semaphore, #tpu.memory_space<semaphore_mem>>)
          %dma_wait3A_75 = tpu.memref_slice %arg3[%add3A_66] : memref<81920xi32, #tpu.memory_space<hbm>> -> memref<128xi32, #tpu.memory_space<hbm>>
          %dma_wait3A_76 = tpu.memref_slice %arg3[%add3A_66] : memref<81920xi32, #tpu.memory_space<hbm>> -> memref<128xi32, #tpu.memory_space<hbm>>
          tpu.wait_dma2 semaphore(%run_scoped3A : memref<!tpu.dma_semaphore, #tpu.memory_space<semaphore_mem>>) src(%dma_wait3A_76 : memref<128xi32, #tpu.memory_space<hbm>>) dst(%arg8 : memref<128xi32, #tpu.memory_space<vmem>>)
          tpu.yield
        }) : () -> ()
        %dma_start3A_67 = arith.constant 0 : i32
        %dma_start3A_68 = arith.constant 0 : i32
        %dma_start3A_69 = tpu.memref_slice %arg4[%dma_start3A_67, %dma_start3A_68] : memref<10000x128xf32, #tpu.memory_space<hbm>> -> memref<10000x128xf32, #tpu.memory_space<hbm>>
        tpu.enqueue_indirect_dma source(%dma_start3A_69 : memref<10000x128xf32, #tpu.memory_space<hbm>>) target(%arg9 : memref<128x128xf32, #tpu.memory_space<vmem>>) offsets(%arg7 : memref<128xi32, #tpu.memory_space<vmem>>) semaphore(%arg15 : memref<!tpu.dma_semaphore, #tpu.memory_space<semaphore_mem>>)
        %dma_start3A_70 = arith.constant 0 : i32
        %dma_start3A_71 = arith.constant 0 : i32
        %dma_start3A_72 = tpu.memref_slice %arg5[%dma_start3A_70, %dma_start3A_71] : memref<10000x128xf32, #tpu.memory_space<hbm>> -> memref<10000x128xf32, #tpu.memory_space<hbm>>
        tpu.enqueue_indirect_dma source(%dma_start3A_72 : memref<10000x128xf32, #tpu.memory_space<hbm>>) target(%arg10 : memref<128x128xf32, #tpu.memory_space<vmem>>) offsets(%arg8 : memref<128xi32, #tpu.memory_space<vmem>>) semaphore(%arg15 : memref<!tpu.dma_semaphore, #tpu.memory_space<semaphore_mem>>)
      } else {
      }
      %dma_wait3A_45 = arith.constant 0 : i32
      %dma_wait3A_46 = arith.constant 0 : i32
      %dma_wait3A_47 = tpu.memref_slice %arg4[%dma_wait3A_45, %dma_wait3A_46] : memref<10000x128xf32, #tpu.memory_space<hbm>> -> memref<10000x128xf32, #tpu.memory_space<hbm>>
      tpu.wait_indirect_dma semaphore(%arg16 : memref<!tpu.dma_semaphore, #tpu.memory_space<semaphore_mem>>) src(%dma_wait3A_47 : memref<10000x128xf32, #tpu.memory_space<hbm>>) dst(%arg13 : memref<128x128xf32, #tpu.memory_space<vmem>>)
      %dma_wait3A_48 = arith.constant 0 : i32
      %dma_wait3A_49 = arith.constant 0 : i32
      %dma_wait3A_50 = tpu.memref_slice %arg5[%dma_wait3A_48, %dma_wait3A_49] : memref<10000x128xf32, #tpu.memory_space<hbm>> -> memref<10000x128xf32, #tpu.memory_space<hbm>>
      tpu.wait_indirect_dma semaphore(%arg16 : memref<!tpu.dma_semaphore, #tpu.memory_space<semaphore_mem>>) src(%dma_wait3A_50 : memref<10000x128xf32, #tpu.memory_space<hbm>>) dst(%arg14 : memref<128x128xf32, #tpu.memory_space<vmem>>)
      %scan3A_51 = arith.constant 0 : i32
      %scan3A_52 = arith.constant 0 : i32
      %scan3A_53 = arith.constant 128 : i32
      %scan3A_54 = arith.addi %scan3A_52, %scan3A_53 : i32
      %scan3A_55 = arith.constant 1 : i32
      scf.for %scan3A_62 = %scan3A_52 to %scan3A_54 step %scan3A_55  : i32 {
        %get3A = arith.index_cast %scan3A_62 : i32 to index
        %get3A_63 = arith.constant 0 : index
        %get3A_64 = tpu.vector_load %arg13[%get3A, %get3A_63] {strides = array<i32>} : memref<128x128xf32, #tpu.memory_space<vmem>>, vector<1x16xf32>,
        %get3A_65 = vector.shape_cast %get3A_64 : vector<1x16xf32> to vector<16xf32>
        %get3A_66 = arith.index_cast %scan3A_62 : i32 to index
        %get3A_67 = arith.constant 0 : index
        %get3A_68 = tpu.vector_load %arg14[%get3A_66, %get3A_67] {strides = array<i32>} : memref<128x128xf32, #tpu.memory_space<vmem>>, vector<1x16xf32>,
        %get3A_69 = vector.shape_cast %get3A_68 : vector<1x16xf32> to vector<16xf32>
        %add3A_70 = arith.addf %get3A_65, %get3A_69 : vector<16xf32>
        %swap3A = arith.index_cast %scan3A_62 : i32 to index
        %swap3A_71 = arith.constant 0 : index
        %swap3A_72 = tpu.vector_load %arg13[%swap3A, %swap3A_71] {strides = array<i32>} : memref<128x128xf32, #tpu.memory_space<vmem>>, vector<1x16xf32>,
        %swap3A_73 = vector.shape_cast %swap3A_72 : vector<1x16xf32> to vector<16xf32>
        %swap3A_74 = vector.shape_cast %add3A_70 : vector<16xf32> to vector<1x16xf32>
        tpu.vector_store %arg13[%swap3A, %swap3A_71], %swap3A_74 {strides = array<i32>} : memref<128x128xf32, #tpu.memory_space<vmem>>, vector<1x16xf32>,
        %get3A_75 = arith.index_cast %scan3A_62 : i32 to index
        %get3A_76 = arith.constant 16 : index
        %get3A_77 = tpu.vector_load %arg13[%get3A_75, %get3A_76] {strides = array<i32>} : memref<128x128xf32, #tpu.memory_space<vmem>>, vector<1x16xf32>,
        %get3A_78 = vector.shape_cast %get3A_77 : vector<1x16xf32> to vector<16xf32>
        %get3A_79 = arith.index_cast %scan3A_62 : i32 to index
        %get3A_80 = arith.constant 16 : index
        %get3A_81 = tpu.vector_load %arg14[%get3A_79, %get3A_80] {strides = array<i32>} : memref<128x128xf32, #tpu.memory_space<vmem>>, vector<1x16xf32>,
        %get3A_82 = vector.shape_cast %get3A_81 : vector<1x16xf32> to vector<16xf32>
        %add3A_83 = arith.addf %get3A_78, %get3A_82 : vector<16xf32>
        %swap3A_84 = arith.index_cast %scan3A_62 : i32 to index
        %swap3A_85 = arith.constant 16 : index
        %swap3A_86 = tpu.vector_load %arg13[%swap3A_84, %swap3A_85] {strides = array<i32>} : memref<128x128xf32, #tpu.memory_space<vmem>>, vector<1x16xf32>,
        %swap3A_87 = vector.shape_cast %swap3A_86 : vector<1x16xf32> to vector<16xf32>
        %swap3A_88 = vector.shape_cast %add3A_83 : vector<16xf32> to vector<1x16xf32>
        tpu.vector_store %arg13[%swap3A_84, %swap3A_85], %swap3A_88 {strides = array<i32>} : memref<128x128xf32, #tpu.memory_space<vmem>>, vector<1x16xf32>,
        %get3A_89 = arith.index_cast %scan3A_62 : i32 to index
        %get3A_90 = arith.constant 32 : index
        %get3A_91 = tpu.vector_load %arg13[%get3A_89, %get3A_90] {strides = array<i32>} : memref<128x128xf32, #tpu.memory_space<vmem>>, vector<1x16xf32>,
        %get3A_92 = vector.shape_cast %get3A_91 : vector<1x16xf32> to vector<16xf32>
        %get3A_93 = arith.index_cast %scan3A_62 : i32 to index
        %get3A_94 = arith.constant 32 : index
        %get3A_95 = tpu.vector_load %arg14[%get3A_93, %get3A_94] {strides = array<i32>} : memref<128x128xf32, #tpu.memory_space<vmem>>, vector<1x16xf32>,
        %get3A_96 = vector.shape_cast %get3A_95 : vector<1x16xf32> to vector<16xf32>
        %add3A_97 = arith.addf %get3A_92, %get3A_96 : vector<16xf32>
        %swap3A_98 = arith.index_cast %scan3A_62 : i32 to index
        %swap3A_99 = arith.constant 32 : index
        %swap3A_100 = tpu.vector_load %arg13[%swap3A_98, %swap3A_99] {strides = array<i32>} : memref<128x128xf32, #tpu.memory_space<vmem>>, vector<1x16xf32>,
        %swap3A_101 = vector.shape_cast %swap3A_100 : vector<1x16xf32> to vector<16xf32>
        %swap3A_102 = vector.shape_cast %add3A_97 : vector<16xf32> to vector<1x16xf32>
        tpu.vector_store %arg13[%swap3A_98, %swap3A_99], %swap3A_102 {strides = array<i32>} : memref<128x128xf32, #tpu.memory_space<vmem>>, vector<1x16xf32>,
        %get3A_103 = arith.index_cast %scan3A_62 : i32 to index
        %get3A_104 = arith.constant 48 : index
        %get3A_105 = tpu.vector_load %arg13[%get3A_103, %get3A_104] {strides = array<i32>} : memref<128x128xf32, #tpu.memory_space<vmem>>, vector<1x16xf32>,
        %get3A_106 = vector.shape_cast %get3A_105 : vector<1x16xf32> to vector<16xf32>
        %get3A_107 = arith.index_cast %scan3A_62 : i32 to index
        %get3A_108 = arith.constant 48 : index
        %get3A_109 = tpu.vector_load %arg14[%get3A_107, %get3A_108] {strides = array<i32>} : memref<128x128xf32, #tpu.memory_space<vmem>>, vector<1x16xf32>,
        %get3A_110 = vector.shape_cast %get3A_109 : vector<1x16xf32> to vector<16xf32>
        %add3A_111 = arith.addf %get3A_106, %get3A_110 : vector<16xf32>
        %swap3A_112 = arith.index_cast %scan3A_62 : i32 to index
        %swap3A_113 = arith.constant 48 : index
        %swap3A_114 = tpu.vector_load %arg13[%swap3A_112, %swap3A_113] {strides = array<i32>} : memref<128x128xf32, #tpu.memory_space<vmem>>, vector<1x16xf32>,
        %swap3A_115 = vector.shape_cast %swap3A_114 : vector<1x16xf32> to vector<16xf32>
        %swap3A_116 = vector.shape_cast %add3A_111 : vector<16xf32> to vector<1x16xf32>
        tpu.vector_store %arg13[%swap3A_112, %swap3A_113], %swap3A_116 {strides = array<i32>} : memref<128x128xf32, #tpu.memory_space<vmem>>, vector<1x16xf32>,
        %get3A_117 = arith.index_cast %scan3A_62 : i32 to index
        %get3A_118 = arith.constant 64 : index
        %get3A_119 = tpu.vector_load %arg13[%get3A_117, %get3A_118] {strides = array<i32>} : memref<128x128xf32, #tpu.memory_space<vmem>>, vector<1x16xf32>,
        %get3A_120 = vector.shape_cast %get3A_119 : vector<1x16xf32> to vector<16xf32>
        %get3A_121 = arith.index_cast %scan3A_62 : i32 to index
        %get3A_122 = arith.constant 64 : index
        %get3A_123 = tpu.vector_load %arg14[%get3A_121, %get3A_122] {strides = array<i32>} : memref<128x128xf32, #tpu.memory_space<vmem>>, vector<1x16xf32>,
        %get3A_124 = vector.shape_cast %get3A_123 : vector<1x16xf32> to vector<16xf32>
        %add3A_125 = arith.addf %get3A_120, %get3A_124 : vector<16xf32>
        %swap3A_126 = arith.index_cast %scan3A_62 : i32 to index
        %swap3A_127 = arith.constant 64 : index
        %swap3A_128 = tpu.vector_load %arg13[%swap3A_126, %swap3A_127] {strides = array<i32>} : memref<128x128xf32, #tpu.memory_space<vmem>>, vector<1x16xf32>,
        %swap3A_129 = vector.shape_cast %swap3A_128 : vector<1x16xf32> to vector<16xf32>
        %swap3A_130 = vector.shape_cast %add3A_125 : vector<16xf32> to vector<1x16xf32>
        tpu.vector_store %arg13[%swap3A_126, %swap3A_127], %swap3A_130 {strides = array<i32>} : memref<128x128xf32, #tpu.memory_space<vmem>>, vector<1x16xf32>,
        %get3A_131 = arith.index_cast %scan3A_62 : i32 to index
        %get3A_132 = arith.constant 80 : index
        %get3A_133 = tpu.vector_load %arg13[%get3A_131, %get3A_132] {strides = array<i32>} : memref<128x128xf32, #tpu.memory_space<vmem>>, vector<1x16xf32>,
        %get3A_134 = vector.shape_cast %get3A_133 : vector<1x16xf32> to vector<16xf32>
        %get3A_135 = arith.index_cast %scan3A_62 : i32 to index
        %get3A_136 = arith.constant 80 : index
        %get3A_137 = tpu.vector_load %arg14[%get3A_135, %get3A_136] {strides = array<i32>} : memref<128x128xf32, #tpu.memory_space<vmem>>, vector<1x16xf32>,
        %get3A_138 = vector.shape_cast %get3A_137 : vector<1x16xf32> to vector<16xf32>
        %add3A_139 = arith.addf %get3A_134, %get3A_138 : vector<16xf32>
        %swap3A_140 = arith.index_cast %scan3A_62 : i32 to index
        %swap3A_141 = arith.constant 80 : index
        %swap3A_142 = tpu.vector_load %arg13[%swap3A_140, %swap3A_141] {strides = array<i32>} : memref<128x128xf32, #tpu.memory_space<vmem>>, vector<1x16xf32>,
        %swap3A_143 = vector.shape_cast %swap3A_142 : vector<1x16xf32> to vector<16xf32>
        %swap3A_144 = vector.shape_cast %add3A_139 : vector<16xf32> to vector<1x16xf32>
        tpu.vector_store %arg13[%swap3A_140, %swap3A_141], %swap3A_144 {strides = array<i32>} : memref<128x128xf32, #tpu.memory_space<vmem>>, vector<1x16xf32>,
        %get3A_145 = arith.index_cast %scan3A_62 : i32 to index
        %get3A_146 = arith.constant 96 : index
        %get3A_147 = tpu.vector_load %arg13[%get3A_145, %get3A_146] {strides = array<i32>} : memref<128x128xf32, #tpu.memory_space<vmem>>, vector<1x16xf32>,
        %get3A_148 = vector.shape_cast %get3A_147 : vector<1x16xf32> to vector<16xf32>
        %get3A_149 = arith.index_cast %scan3A_62 : i32 to index
        %get3A_150 = arith.constant 96 : index
        %get3A_151 = tpu.vector_load %arg14[%get3A_149, %get3A_150] {strides = array<i32>} : memref<128x128xf32, #tpu.memory_space<vmem>>, vector<1x16xf32>,
        %get3A_152 = vector.shape_cast %get3A_151 : vector<1x16xf32> to vector<16xf32>
        %add3A_153 = arith.addf %get3A_148, %get3A_152 : vector<16xf32>
        %swap3A_154 = arith.index_cast %scan3A_62 : i32 to index
        %swap3A_155 = arith.constant 96 : index
        %swap3A_156 = tpu.vector_load %arg13[%swap3A_154, %swap3A_155] {strides = array<i32>} : memref<128x128xf32, #tpu.memory_space<vmem>>, vector<1x16xf32>,
        %swap3A_157 = vector.shape_cast %swap3A_156 : vector<1x16xf32> to vector<16xf32>
        %swap3A_158 = vector.shape_cast %add3A_153 : vector<16xf32> to vector<1x16xf32>
        tpu.vector_store %arg13[%swap3A_154, %swap3A_155], %swap3A_158 {strides = array<i32>} : memref<128x128xf32, #tpu.memory_space<vmem>>, vector<1x16xf32>,
        %get3A_159 = arith.index_cast %scan3A_62 : i32 to index
        %get3A_160 = arith.constant 112 : index
        %get3A_161 = tpu.vector_load %arg13[%get3A_159, %get3A_160] {strides = array<i32>} : memref<128x128xf32, #tpu.memory_space<vmem>>, vector<1x16xf32>,
        %get3A_162 = vector.shape_cast %get3A_161 : vector<1x16xf32> to vector<16xf32>
        %get3A_163 = arith.index_cast %scan3A_62 : i32 to index
        %get3A_164 = arith.constant 112 : index
        %get3A_165 = tpu.vector_load %arg14[%get3A_163, %get3A_164] {strides = array<i32>} : memref<128x128xf32, #tpu.memory_space<vmem>>, vector<1x16xf32>,
        %get3A_166 = vector.shape_cast %get3A_165 : vector<1x16xf32> to vector<16xf32>
        %add3A_167 = arith.addf %get3A_162, %get3A_166 : vector<16xf32>
        %swap3A_168 = arith.index_cast %scan3A_62 : i32 to index
        %swap3A_169 = arith.constant 112 : index
        %swap3A_170 = tpu.vector_load %arg13[%swap3A_168, %swap3A_169] {strides = array<i32>} : memref<128x128xf32, #tpu.memory_space<vmem>>, vector<1x16xf32>,
        %swap3A_171 = vector.shape_cast %swap3A_170 : vector<1x16xf32> to vector<16xf32>
        %swap3A_172 = vector.shape_cast %add3A_167 : vector<16xf32> to vector<1x16xf32>
        tpu.vector_store %arg13[%swap3A_168, %swap3A_169], %swap3A_172 {strides = array<i32>} : memref<128x128xf32, #tpu.memory_space<vmem>>, vector<1x16xf32>,
      }
      %scan3A_56 = arith.constant 128 : i32
      %add3A_57 = arith.constant 1 : i32
      %add3A_58 = arith.addi %mul3A_17, %add3A_57 : i32
      %mul3A_59 = arith.constant 128 : i32
      %mul3A_60 = arith.muli %add3A_58, %mul3A_59 : i32
      %add3A_61 = arith.addi %mul3A_2, %mul3A_60 : i32
      "tpu.region"() ({
        %run_scoped3A = tpu.sem_alloc : memref<!tpu.dma_semaphore, #tpu.memory_space<semaphore_mem>>
        %dma_start3A_62 = arith.constant 0 : i32
        %dma_start3A_63 = tpu.memref_slice %arg6[%add3A_61, %dma_start3A_62] : memref<81920x128xf32, #tpu.memory_space<hbm>> -> memref<128x128xf32, #tpu.memory_space<hbm>>
        %dma_start3A_64 = arith.constant 0 : i32
        %dma_start3A_65 = tpu.memref_slice %arg6[%add3A_61, %dma_start3A_64] : memref<81920x128xf32, #tpu.memory_space<hbm>> -> memref<128x128xf32, #tpu.memory_space<hbm>>
        tpu.enqueue_dma source(%arg13 : memref<128x128xf32, #tpu.memory_space<vmem>>) target(%dma_start3A_65 : memref<128x128xf32, #tpu.memory_space<hbm>>) target_semaphore(%run_scoped3A : memref<!tpu.dma_semaphore, #tpu.memory_space<semaphore_mem>>)
        %dma_wait3A_66 = arith.constant 0 : i32
        %dma_wait3A_67 = tpu.memref_slice %arg6[%add3A_61, %dma_wait3A_66] : memref<81920x128xf32, #tpu.memory_space<hbm>> -> memref<128x128xf32, #tpu.memory_space<hbm>>
        %dma_wait3A_68 = arith.constant 0 : i32
        %dma_wait3A_69 = tpu.memref_slice %arg6[%add3A_61, %dma_wait3A_68] : memref<81920x128xf32, #tpu.memory_space<hbm>> -> memref<128x128xf32, #tpu.memory_space<hbm>>
        tpu.wait_dma2 semaphore(%run_scoped3A : memref<!tpu.dma_semaphore, #tpu.memory_space<semaphore_mem>>) src(%arg13 : memref<128x128xf32, #tpu.memory_space<vmem>>) dst(%dma_wait3A_69 : memref<128x128xf32, #tpu.memory_space<hbm>>)
        tpu.yield
      }) : () -> ()
    }
    %scan3A_14 = arith.constant 10 : i32
    return
  }
}

#map = affine_map<(d0, d1) -> (0)>
#map1 = affine_map<(d0, d1) -> (0, 0)>
module attributes {stable_mosaic.version = 14 : i64} {
  func.func @_gather_body(%arg0: i32, %arg1: i32, %arg2: memref<81920xi32, #tpu.memory_space<hbm>>, %arg3: memref<81920xi32, #tpu.memory_space<hbm>>, %arg4: memref<10000x128xf32, #tpu.memory_space<hbm>>, %arg5: memref<10000x128xf32, #tpu.memory_space<hbm>>, %arg6: memref<81920x128xf32, #tpu.memory_space<hbm>>, %arg7: memref<128xi32, #tpu.memory_space<vmem>>, %arg8: memref<128xi32, #tpu.memory_space<vmem>>, %arg9: memref<128x128xf32, #tpu.memory_space<vmem>>, %arg10: memref<128x128xf32, #tpu.memory_space<vmem>>, %arg11: memref<128xi32, #tpu.memory_space<vmem>>, %arg12: memref<128xi32, #tpu.memory_space<vmem>>, %arg13: memref<128x128xf32, #tpu.memory_space<vmem>>, %arg14: memref<128x128xf32, #tpu.memory_space<vmem>>, %arg15: memref<!tpu.dma_semaphore, #tpu.memory_space<semaphore_mem>>, %arg16: memref<!tpu.dma_semaphore, #tpu.memory_space<semaphore_mem>>) attributes {dimension_semantics = [#tpu.dimension_semantics<core_parallel>, #tpu.dimension_semantics<subcore_parallel>], iteration_bounds = array<i64: 2, 16>, scalar_prefetch = 0 : i64, scratch_operands = 10 : i64, tpu.core_type = #tpu.core_type<sc_vector_subcore>, window_params = [{transform_indices = #map}, {transform_indices = #map}, {transform_indices = #map1}, {transform_indices = #map1}, {transform_indices = #map1}]} {
    %mul3A = arith.constant 2 : i32
    %mul3A_0 = arith.muli %arg1, %mul3A : i32
    %add3A = arith.addi %mul3A_0, %arg0 : i32
    %mul3A_1 = arith.constant 2560 : i32
    %mul3A_2 = arith.muli %add3A, %mul3A_1 : i32
    %add3A_3 = arith.constant 0 : i32
    %add3A_4 = arith.addi %mul3A_2, %add3A_3 : i32
    "tpu.region"() ({
      %run_scoped3A = tpu.sem_alloc : memref<!tpu.dma_semaphore, #tpu.memory_space<semaphore_mem>>
      %dma_start3A_15 = tpu.memref_slice %arg2[%add3A_4] : memref<81920xi32, #tpu.memory_space<hbm>> -> memref<128xi32, #tpu.memory_space<hbm>>
      %dma_start3A_16 = tpu.memref_slice %arg2[%add3A_4] : memref<81920xi32, #tpu.memory_space<hbm>> -> memref<128xi32, #tpu.memory_space<hbm>>
      tpu.enqueue_dma source(%dma_start3A_16 : memref<128xi32, #tpu.memory_space<hbm>>) target(%arg7 : memref<128xi32, #tpu.memory_space<vmem>>) target_semaphore(%run_scoped3A : memref<!tpu.dma_semaphore, #tpu.memory_space<semaphore_mem>>)
      %dma_wait3A = tpu.memref_slice %arg2[%add3A_4] : memref<81920xi32, #tpu.memory_space<hbm>> -> memref<128xi32, #tpu.memory_space<hbm>>
      %dma_wait3A_17 = tpu.memref_slice %arg2[%add3A_4] : memref<81920xi32, #tpu.memory_space<hbm>> -> memref<128xi32, #tpu.memory_space<hbm>>
      tpu.wait_dma2 semaphore(%run_scoped3A : memref<!tpu.dma_semaphore, #tpu.memory_space<semaphore_mem>>) src(%dma_wait3A_17 : memref<128xi32, #tpu.memory_space<hbm>>) dst(%arg7 : memref<128xi32, #tpu.memory_space<vmem>>)
      tpu.yield
    }) : () -> ()
    "tpu.region"() ({
      %run_scoped3A = tpu.sem_alloc : memref<!tpu.dma_semaphore, #tpu.memory_space<semaphore_mem>>
      %dma_start3A_15 = tpu.memref_slice %arg3[%add3A_4] : memref<81920xi32, #tpu.memory_space<hbm>> -> memref<128xi32, #tpu.memory_space<hbm>>
      %dma_start3A_16 = tpu.memref_slice %arg3[%add3A_4] : memref<81920xi32, #tpu.memory_space<hbm>> -> memref<128xi32, #tpu.memory_space<hbm>>
      tpu.enqueue_dma source(%dma_start3A_16 : memref<128xi32, #tpu.memory_space<hbm>>) target(%arg8 : memref<128xi32, #tpu.memory_space<vmem>>) target_semaphore(%run_scoped3A : memref<!tpu.dma_semaphore, #tpu.memory_space<semaphore_mem>>)
      %dma_wait3A = tpu.memref_slice %arg3[%add3A_4] : memref<81920xi32, #tpu.memory_space<hbm>> -> memref<128xi32, #tpu.memory_space<hbm>>
      %dma_wait3A_17 = tpu.memref_slice %arg3[%add3A_4] : memref<81920xi32, #tpu.memory_space<hbm>> -> memref<128xi32, #tpu.memory_space<hbm>>
      tpu.wait_dma2 semaphore(%run_scoped3A : memref<!tpu.dma_semaphore, #tpu.memory_space<semaphore_mem>>) src(%dma_wait3A_17 : memref<128xi32, #tpu.memory_space<hbm>>) dst(%arg8 : memref<128xi32, #tpu.memory_space<vmem>>)
      tpu.yield
    }) : () -> ()
    %dma_start3A = arith.constant 0 : i32
    %dma_start3A_5 = arith.constant 0 : i32
    %dma_start3A_6 = tpu.memref_slice %arg4[%dma_start3A, %dma_start3A_5] : memref<10000x128xf32, #tpu.memory_space<hbm>> -> memref<10000x128xf32, #tpu.memory_space<hbm>>
    tpu.enqueue_indirect_dma source(%dma_start3A_6 : memref<10000x128xf32, #tpu.memory_space<hbm>>) target(%arg9 : memref<128x128xf32, #tpu.memory_space<vmem>>) offsets(%arg7 : memref<128xi32, #tpu.memory_space<vmem>>) semaphore(%arg15 : memref<!tpu.dma_semaphore, #tpu.memory_space<semaphore_mem>>)
    %dma_start3A_7 = arith.constant 0 : i32
    %dma_start3A_8 = arith.constant 0 : i32
    %dma_start3A_9 = tpu.memref_slice %arg5[%dma_start3A_7, %dma_start3A_8] : memref<10000x128xf32, #tpu.memory_space<hbm>> -> memref<10000x128xf32, #tpu.memory_space<hbm>>
    tpu.enqueue_indirect_dma source(%dma_start3A_9 : memref<10000x128xf32, #tpu.memory_space<hbm>>) target(%arg10 : memref<128x128xf32, #tpu.memory_space<vmem>>) offsets(%arg8 : memref<128xi32, #tpu.memory_space<vmem>>) semaphore(%arg15 : memref<!tpu.dma_semaphore, #tpu.memory_space<semaphore_mem>>)
    %scan3A = arith.constant 0 : i32
    %scan3A_10 = arith.constant 0 : i32
    %scan3A_11 = arith.constant 10 : i32
    %scan3A_12 = arith.addi %scan3A_10, %scan3A_11 : i32
    %scan3A_13 = arith.constant 1 : i32
    scf.for %scan3A_15 = %scan3A_10 to %scan3A_12 step %scan3A_13  : i32 {
      %mul3A_16 = arith.constant 2 : i32
      %mul3A_17 = arith.muli %mul3A_16, %scan3A_15 : i32
      %add3A_18 = arith.constant 1 : i32
      %add3A_19 = arith.addi %mul3A_17, %add3A_18 : i32
      %mul3A_20 = arith.constant 128 : i32
      %mul3A_21 = arith.muli %add3A_19, %mul3A_20 : i32
      %add3A_22 = arith.addi %mul3A_2, %mul3A_21 : i32
      "tpu.region"() ({
        %run_scoped3A = tpu.sem_alloc : memref<!tpu.dma_semaphore, #tpu.memory_space<semaphore_mem>>
        %dma_start3A_62 = tpu.memref_slice %arg2[%add3A_22] : memref<81920xi32, #tpu.memory_space<hbm>> -> memref<128xi32, #tpu.memory_space<hbm>>
        %dma_start3A_63 = tpu.memref_slice %arg2[%add3A_22] : memref<81920xi32, #tpu.memory_space<hbm>> -> memref<128xi32, #tpu.memory_space<hbm>>
        tpu.enqueue_dma source(%dma_start3A_63 : memref<128xi32, #tpu.memory_space<hbm>>) target(%arg11 : memref<128xi32, #tpu.memory_space<vmem>>) target_semaphore(%run_scoped3A : memref<!tpu.dma_semaphore, #tpu.memory_space<semaphore_mem>>)
        %dma_wait3A_64 = tpu.memref_slice %arg2[%add3A_22] : memref<81920xi32, #tpu.memory_space<hbm>> -> memref<128xi32, #tpu.memory_space<hbm>>
        %dma_wait3A_65 = tpu.memref_slice %arg2[%add3A_22] : memref<81920xi32, #tpu.memory_space<hbm>> -> memref<128xi32, #tpu.memory_space<hbm>>
        tpu.wait_dma2 semaphore(%run_scoped3A : memref<!tpu.dma_semaphore, #tpu.memory_space<semaphore_mem>>) src(%dma_wait3A_65 : memref<128xi32, #tpu.memory_space<hbm>>) dst(%arg11 : memref<128xi32, #tpu.memory_space<vmem>>)
        tpu.yield
      }) : () -> ()
      "tpu.region"() ({
        %run_scoped3A = tpu.sem_alloc : memref<!tpu.dma_semaphore, #tpu.memory_space<semaphore_mem>>
        %dma_start3A_62 = tpu.memref_slice %arg3[%add3A_22] : memref<81920xi32, #tpu.memory_space<hbm>> -> memref<128xi32, #tpu.memory_space<hbm>>
        %dma_start3A_63 = tpu.memref_slice %arg3[%add3A_22] : memref<81920xi32, #tpu.memory_space<hbm>> -> memref<128xi32, #tpu.memory_space<hbm>>
        tpu.enqueue_dma source(%dma_start3A_63 : memref<128xi32, #tpu.memory_space<hbm>>) target(%arg12 : memref<128xi32, #tpu.memory_space<vmem>>) target_semaphore(%run_scoped3A : memref<!tpu.dma_semaphore, #tpu.memory_space<semaphore_mem>>)
        %dma_wait3A_64 = tpu.memref_slice %arg3[%add3A_22] : memref<81920xi32, #tpu.memory_space<hbm>> -> memref<128xi32, #tpu.memory_space<hbm>>
        %dma_wait3A_65 = tpu.memref_slice %arg3[%add3A_22] : memref<81920xi32, #tpu.memory_space<hbm>> -> memref<128xi32, #tpu.memory_space<hbm>>
        tpu.wait_dma2 semaphore(%run_scoped3A : memref<!tpu.dma_semaphore, #tpu.memory_space<semaphore_mem>>) src(%dma_wait3A_65 : memref<128xi32, #tpu.memory_space<hbm>>) dst(%arg12 : memref<128xi32, #tpu.memory_space<vmem>>)
        tpu.yield
      }) : () -> ()
      %dma_start3A_23 = arith.constant 0 : i32
      %dma_start3A_24 = arith.constant 0 : i32
      %dma_start3A_25 = tpu.memref_slice %arg4[%dma_start3A_23, %dma_start3A_24] : memref<10000x128xf32, #tpu.memory_space<hbm>> -> memref<10000x128xf32, #tpu.memory_space<hbm>>
      tpu.enqueue_indirect_dma source(%dma_start3A_25 : memref<10000x128xf32, #tpu.memory_space<hbm>>) target(%arg13 : memref<128x128xf32, #tpu.memory_space<vmem>>) offsets(%arg11 : memref<128xi32, #tpu.memory_space<vmem>>) semaphore(%arg16 : memref<!tpu.dma_semaphore, #tpu.memory_space<semaphore_mem>>)
      %dma_start3A_26 = arith.constant 0 : i32
      %dma_start3A_27 = arith.constant 0 : i32
      %dma_start3A_28 = tpu.memref_slice %arg5[%dma_start3A_26, %dma_start3A_27] : memref<10000x128xf32, #tpu.memory_space<hbm>> -> memref<10000x128xf32, #tpu.memory_space<hbm>>
      tpu.enqueue_indirect_dma source(%dma_start3A_28 : memref<10000x128xf32, #tpu.memory_space<hbm>>) target(%arg14 : memref<128x128xf32, #tpu.memory_space<vmem>>) offsets(%arg12 : memref<128xi32, #tpu.memory_space<vmem>>) semaphore(%arg16 : memref<!tpu.dma_semaphore, #tpu.memory_space<semaphore_mem>>)
      %dma_wait3A = arith.constant 0 : i32
      %dma_wait3A_29 = arith.constant 0 : i32
      %dma_wait3A_30 = tpu.memref_slice %arg4[%dma_wait3A, %dma_wait3A_29] : memref<10000x128xf32, #tpu.memory_space<hbm>> -> memref<10000x128xf32, #tpu.memory_space<hbm>>
      tpu.wait_indirect_dma semaphore(%arg15 : memref<!tpu.dma_semaphore, #tpu.memory_space<semaphore_mem>>) src(%dma_wait3A_30 : memref<10000x128xf32, #tpu.memory_space<hbm>>) dst(%arg9 : memref<128x128xf32, #tpu.memory_space<vmem>>)
      %dma_wait3A_31 = arith.constant 0 : i32
      %dma_wait3A_32 = arith.constant 0 : i32
      %dma_wait3A_33 = tpu.memref_slice %arg5[%dma_wait3A_31, %dma_wait3A_32] : memref<10000x128xf32, #tpu.memory_space<hbm>> -> memref<10000x128xf32, #tpu.memory_space<hbm>>
      tpu.wait_indirect_dma semaphore(%arg15 : memref<!tpu.dma_semaphore, #tpu.memory_space<semaphore_mem>>) src(%dma_wait3A_33 : memref<10000x128xf32, #tpu.memory_space<hbm>>) dst(%arg10 : memref<128x128xf32, #tpu.memory_space<vmem>>)
      %scan3A_34 = arith.constant 0 : i32
      %scan3A_35 = arith.constant 0 : i32
      %scan3A_36 = arith.constant 128 : i32
      %scan3A_37 = arith.addi %scan3A_35, %scan3A_36 : i32
      %scan3A_38 = arith.constant 1 : i32
      scf.for %scan3A_62 = %scan3A_35 to %scan3A_37 step %scan3A_38  : i32 {
        %get3A = arith.index_cast %scan3A_62 : i32 to index
        %get3A_63 = arith.constant 0 : index
        %get3A_64 = tpu.vector_load %arg9[%get3A, %get3A_63] {strides = array<i32>} : memref<128x128xf32, #tpu.memory_space<vmem>>, vector<1x16xf32>,
        %get3A_65 = vector.shape_cast %get3A_64 : vector<1x16xf32> to vector<16xf32>
        %get3A_66 = arith.index_cast %scan3A_62 : i32 to index
        %get3A_67 = arith.constant 0 : index
        %get3A_68 = tpu.vector_load %arg10[%get3A_66, %get3A_67] {strides = array<i32>} : memref<128x128xf32, #tpu.memory_space<vmem>>, vector<1x16xf32>,
        %get3A_69 = vector.shape_cast %get3A_68 : vector<1x16xf32> to vector<16xf32>
        %add3A_70 = arith.addf %get3A_65, %get3A_69 : vector<16xf32>
        %swap3A = arith.index_cast %scan3A_62 : i32 to index
        %swap3A_71 = arith.constant 0 : index
        %swap3A_72 = tpu.vector_load %arg9[%swap3A, %swap3A_71] {strides = array<i32>} : memref<128x128xf32, #tpu.memory_space<vmem>>, vector<1x16xf32>,
        %swap3A_73 = vector.shape_cast %swap3A_72 : vector<1x16xf32> to vector<16xf32>
        %swap3A_74 = vector.shape_cast %add3A_70 : vector<16xf32> to vector<1x16xf32>
        tpu.vector_store %arg9[%swap3A, %swap3A_71], %swap3A_74 {strides = array<i32>} : memref<128x128xf32, #tpu.memory_space<vmem>>, vector<1x16xf32>,
        %get3A_75 = arith.index_cast %scan3A_62 : i32 to index
        %get3A_76 = arith.constant 16 : index
        %get3A_77 = tpu.vector_load %arg9[%get3A_75, %get3A_76] {strides = array<i32>} : memref<128x128xf32, #tpu.memory_space<vmem>>, vector<1x16xf32>,
        %get3A_78 = vector.shape_cast %get3A_77 : vector<1x16xf32> to vector<16xf32>
        %get3A_79 = arith.index_cast %scan3A_62 : i32 to index
        %get3A_80 = arith.constant 16 : index
        %get3A_81 = tpu.vector_load %arg10[%get3A_79, %get3A_80] {strides = array<i32>} : memref<128x128xf32, #tpu.memory_space<vmem>>, vector<1x16xf32>,
        %get3A_82 = vector.shape_cast %get3A_81 : vector<1x16xf32> to vector<16xf32>
        %add3A_83 = arith.addf %get3A_78, %get3A_82 : vector<16xf32>
        %swap3A_84 = arith.index_cast %scan3A_62 : i32 to index
        %swap3A_85 = arith.constant 16 : index
        %swap3A_86 = tpu.vector_load %arg9[%swap3A_84, %swap3A_85] {strides = array<i32>} : memref<128x128xf32, #tpu.memory_space<vmem>>, vector<1x16xf32>,
        %swap3A_87 = vector.shape_cast %swap3A_86 : vector<1x16xf32> to vector<16xf32>
        %swap3A_88 = vector.shape_cast %add3A_83 : vector<16xf32> to vector<1x16xf32>
        tpu.vector_store %arg9[%swap3A_84, %swap3A_85], %swap3A_88 {strides = array<i32>} : memref<128x128xf32, #tpu.memory_space<vmem>>, vector<1x16xf32>,
        %get3A_89 = arith.index_cast %scan3A_62 : i32 to index
        %get3A_90 = arith.constant 32 : index
        %get3A_91 = tpu.vector_load %arg9[%get3A_89, %get3A_90] {strides = array<i32>} : memref<128x128xf32, #tpu.memory_space<vmem>>, vector<1x16xf32>,
        %get3A_92 = vector.shape_cast %get3A_91 : vector<1x16xf32> to vector<16xf32>
        %get3A_93 = arith.index_cast %scan3A_62 : i32 to index
        %get3A_94 = arith.constant 32 : index
        %get3A_95 = tpu.vector_load %arg10[%get3A_93, %get3A_94] {strides = array<i32>} : memref<128x128xf32, #tpu.memory_space<vmem>>, vector<1x16xf32>,
        %get3A_96 = vector.shape_cast %get3A_95 : vector<1x16xf32> to vector<16xf32>
        %add3A_97 = arith.addf %get3A_92, %get3A_96 : vector<16xf32>
        %swap3A_98 = arith.index_cast %scan3A_62 : i32 to index
        %swap3A_99 = arith.constant 32 : index
        %swap3A_100 = tpu.vector_load %arg9[%swap3A_98, %swap3A_99] {strides = array<i32>} : memref<128x128xf32, #tpu.memory_space<vmem>>, vector<1x16xf32>,
        %swap3A_101 = vector.shape_cast %swap3A_100 : vector<1x16xf32> to vector<16xf32>
        %swap3A_102 = vector.shape_cast %add3A_97 : vector<16xf32> to vector<1x16xf32>
        tpu.vector_store %arg9[%swap3A_98, %swap3A_99], %swap3A_102 {strides = array<i32>} : memref<128x128xf32, #tpu.memory_space<vmem>>, vector<1x16xf32>,
        %get3A_103 = arith.index_cast %scan3A_62 : i32 to index
        %get3A_104 = arith.constant 48 : index
        %get3A_105 = tpu.vector_load %arg9[%get3A_103, %get3A_104] {strides = array<i32>} : memref<128x128xf32, #tpu.memory_space<vmem>>, vector<1x16xf32>,
        %get3A_106 = vector.shape_cast %get3A_105 : vector<1x16xf32> to vector<16xf32>
        %get3A_107 = arith.index_cast %scan3A_62 : i32 to index
        %get3A_108 = arith.constant 48 : index
        %get3A_109 = tpu.vector_load %arg10[%get3A_107, %get3A_108] {strides = array<i32>} : memref<128x128xf32, #tpu.memory_space<vmem>>, vector<1x16xf32>,
        %get3A_110 = vector.shape_cast %get3A_109 : vector<1x16xf32> to vector<16xf32>
        %add3A_111 = arith.addf %get3A_106, %get3A_110 : vector<16xf32>
        %swap3A_112 = arith.index_cast %scan3A_62 : i32 to index
        %swap3A_113 = arith.constant 48 : index
        %swap3A_114 = tpu.vector_load %arg9[%swap3A_112, %swap3A_113] {strides = array<i32>} : memref<128x128xf32, #tpu.memory_space<vmem>>, vector<1x16xf32>,
        %swap3A_115 = vector.shape_cast %swap3A_114 : vector<1x16xf32> to vector<16xf32>
        %swap3A_116 = vector.shape_cast %add3A_111 : vector<16xf32> to vector<1x16xf32>
        tpu.vector_store %arg9[%swap3A_112, %swap3A_113], %swap3A_116 {strides = array<i32>} : memref<128x128xf32, #tpu.memory_space<vmem>>, vector<1x16xf32>,
        %get3A_117 = arith.index_cast %scan3A_62 : i32 to index
        %get3A_118 = arith.constant 64 : index
        %get3A_119 = tpu.vector_load %arg9[%get3A_117, %get3A_118] {strides = array<i32>} : memref<128x128xf32, #tpu.memory_space<vmem>>, vector<1x16xf32>,
        %get3A_120 = vector.shape_cast %get3A_119 : vector<1x16xf32> to vector<16xf32>
        %get3A_121 = arith.index_cast %scan3A_62 : i32 to index
        %get3A_122 = arith.constant 64 : index
        %get3A_123 = tpu.vector_load %arg10[%get3A_121, %get3A_122] {strides = array<i32>} : memref<128x128xf32, #tpu.memory_space<vmem>>, vector<1x16xf32>,
        %get3A_124 = vector.shape_cast %get3A_123 : vector<1x16xf32> to vector<16xf32>
        %add3A_125 = arith.addf %get3A_120, %get3A_124 : vector<16xf32>
        %swap3A_126 = arith.index_cast %scan3A_62 : i32 to index
        %swap3A_127 = arith.constant 64 : index
        %swap3A_128 = tpu.vector_load %arg9[%swap3A_126, %swap3A_127] {strides = array<i32>} : memref<128x128xf32, #tpu.memory_space<vmem>>, vector<1x16xf32>,
        %swap3A_129 = vector.shape_cast %swap3A_128 : vector<1x16xf32> to vector<16xf32>
        %swap3A_130 = vector.shape_cast %add3A_125 : vector<16xf32> to vector<1x16xf32>
        tpu.vector_store %arg9[%swap3A_126, %swap3A_127], %swap3A_130 {strides = array<i32>} : memref<128x128xf32, #tpu.memory_space<vmem>>, vector<1x16xf32>,
        %get3A_131 = arith.index_cast %scan3A_62 : i32 to index
        %get3A_132 = arith.constant 80 : index
        %get3A_133 = tpu.vector_load %arg9[%get3A_131, %get3A_132] {strides = array<i32>} : memref<128x128xf32, #tpu.memory_space<vmem>>, vector<1x16xf32>,
        %get3A_134 = vector.shape_cast %get3A_133 : vector<1x16xf32> to vector<16xf32>
        %get3A_135 = arith.index_cast %scan3A_62 : i32 to index
        %get3A_136 = arith.constant 80 : index
        %get3A_137 = tpu.vector_load %arg10[%get3A_135, %get3A_136] {strides = array<i32>} : memref<128x128xf32, #tpu.memory_space<vmem>>, vector<1x16xf32>,
        %get3A_138 = vector.shape_cast %get3A_137 : vector<1x16xf32> to vector<16xf32>
        %add3A_139 = arith.addf %get3A_134, %get3A_138 : vector<16xf32>
        %swap3A_140 = arith.index_cast %scan3A_62 : i32 to index
        %swap3A_141 = arith.constant 80 : index
        %swap3A_142 = tpu.vector_load %arg9[%swap3A_140, %swap3A_141] {strides = array<i32>} : memref<128x128xf32, #tpu.memory_space<vmem>>, vector<1x16xf32>,
        %swap3A_143 = vector.shape_cast %swap3A_142 : vector<1x16xf32> to vector<16xf32>
        %swap3A_144 = vector.shape_cast %add3A_139 : vector<16xf32> to vector<1x16xf32>
        tpu.vector_store %arg9[%swap3A_140, %swap3A_141], %swap3A_144 {strides = array<i32>} : memref<128x128xf32, #tpu.memory_space<vmem>>, vector<1x16xf32>,
        %get3A_145 = arith.index_cast %scan3A_62 : i32 to index
        %get3A_146 = arith.constant 96 : index
        %get3A_147 = tpu.vector_load %arg9[%get3A_145, %get3A_146] {strides = array<i32>} : memref<128x128xf32, #tpu.memory_space<vmem>>, vector<1x16xf32>,
        %get3A_148 = vector.shape_cast %get3A_147 : vector<1x16xf32> to vector<16xf32>
        %get3A_149 = arith.index_cast %scan3A_62 : i32 to index
        %get3A_150 = arith.constant 96 : index
        %get3A_151 = tpu.vector_load %arg10[%get3A_149, %get3A_150] {strides = array<i32>} : memref<128x128xf32, #tpu.memory_space<vmem>>, vector<1x16xf32>,
        %get3A_152 = vector.shape_cast %get3A_151 : vector<1x16xf32> to vector<16xf32>
        %add3A_153 = arith.addf %get3A_148, %get3A_152 : vector<16xf32>
        %swap3A_154 = arith.index_cast %scan3A_62 : i32 to index
        %swap3A_155 = arith.constant 96 : index
        %swap3A_156 = tpu.vector_load %arg9[%swap3A_154, %swap3A_155] {strides = array<i32>} : memref<128x128xf32, #tpu.memory_space<vmem>>, vector<1x16xf32>,
        %swap3A_157 = vector.shape_cast %swap3A_156 : vector<1x16xf32> to vector<16xf32>
        %swap3A_158 = vector.shape_cast %add3A_153 : vector<16xf32> to vector<1x16xf32>
        tpu.vector_store %arg9[%swap3A_154, %swap3A_155], %swap3A_158 {strides = array<i32>} : memref<128x128xf32, #tpu.memory_space<vmem>>, vector<1x16xf32>,
        %get3A_159 = arith.index_cast %scan3A_62 : i32 to index
        %get3A_160 = arith.constant 112 : index
        %get3A_161 = tpu.vector_load %arg9[%get3A_159, %get3A_160] {strides = array<i32>} : memref<128x128xf32, #tpu.memory_space<vmem>>, vector<1x16xf32>,
        %get3A_162 = vector.shape_cast %get3A_161 : vector<1x16xf32> to vector<16xf32>
        %get3A_163 = arith.index_cast %scan3A_62 : i32 to index
        %get3A_164 = arith.constant 112 : index
        %get3A_165 = tpu.vector_load %arg10[%get3A_163, %get3A_164] {strides = array<i32>} : memref<128x128xf32, #tpu.memory_space<vmem>>, vector<1x16xf32>,
        %get3A_166 = vector.shape_cast %get3A_165 : vector<1x16xf32> to vector<16xf32>
        %add3A_167 = arith.addf %get3A_162, %get3A_166 : vector<16xf32>
        %swap3A_168 = arith.index_cast %scan3A_62 : i32 to index
        %swap3A_169 = arith.constant 112 : index
        %swap3A_170 = tpu.vector_load %arg9[%swap3A_168, %swap3A_169] {strides = array<i32>} : memref<128x128xf32, #tpu.memory_space<vmem>>, vector<1x16xf32>,
        %swap3A_171 = vector.shape_cast %swap3A_170 : vector<1x16xf32> to vector<16xf32>
        %swap3A_172 = vector.shape_cast %add3A_167 : vector<16xf32> to vector<1x16xf32>
        tpu.vector_store %arg9[%swap3A_168, %swap3A_169], %swap3A_172 {strides = array<i32>} : memref<128x128xf32, #tpu.memory_space<vmem>>, vector<1x16xf32>,
      }
      %scan3A_39 = arith.constant 128 : i32
      %mul3A_40 = arith.constant 128 : i32
      %mul3A_41 = arith.muli %mul3A_17, %mul3A_40 : i32
      %add3A_42 = arith.addi %mul3A_2, %mul3A_41 : i32
      "tpu.region"() ({
        %run_scoped3A = tpu.sem_alloc : memref<!tpu.dma_semaphore, #tpu.memory_space<semaphore_mem>>
        %dma_start3A_62 = arith.constant 0 : i32
        %dma_start3A_63 = tpu.memref_slice %arg6[%add3A_42, %dma_start3A_62] : memref<81920x128xf32, #tpu.memory_space<hbm>> -> memref<128x128xf32, #tpu.memory_space<hbm>>
        %dma_start3A_64 = arith.constant 0 : i32
        %dma_start3A_65 = tpu.memref_slice %arg6[%add3A_42, %dma_start3A_64] : memref<81920x128xf32, #tpu.memory_space<hbm>> -> memref<128x128xf32, #tpu.memory_space<hbm>>
        tpu.enqueue_dma source(%arg9 : memref<128x128xf32, #tpu.memory_space<vmem>>) target(%dma_start3A_65 : memref<128x128xf32, #tpu.memory_space<hbm>>) target_semaphore(%run_scoped3A : memref<!tpu.dma_semaphore, #tpu.memory_space<semaphore_mem>>)
        %dma_wait3A_66 = arith.constant 0 : i32
        %dma_wait3A_67 = tpu.memref_slice %arg6[%add3A_42, %dma_wait3A_66] : memref<81920x128xf32, #tpu.memory_space<hbm>> -> memref<128x128xf32, #tpu.memory_space<hbm>>
        %dma_wait3A_68 = arith.constant 0 : i32
        %dma_wait3A_69 = tpu.memref_slice %arg6[%add3A_42, %dma_wait3A_68] : memref<81920x128xf32, #tpu.memory_space<hbm>> -> memref<128x128xf32, #tpu.memory_space<hbm>>
        tpu.wait_dma2 semaphore(%run_scoped3A : memref<!tpu.dma_semaphore, #tpu.memory_space<semaphore_mem>>) src(%arg9 : memref<128x128xf32, #tpu.memory_space<vmem>>) dst(%dma_wait3A_69 : memref<128x128xf32, #tpu.memory_space<hbm>>)
        tpu.yield
      }) : () -> ()
      %lt3A = arith.constant 9 : i32
      %lt3A_43 = arith.cmpi slt, %scan3A_15, %lt3A : i32
      %convert_element_type3A = arith.extui %lt3A_43 : i1 to i32
      %cond3A = arith.constant 0 : i32
      %cond3A_44 = arith.cmpi ne, %convert_element_type3A, %cond3A : i32
      scf.if %cond3A_44 {
        %add3A_62 = arith.constant 2 : i32
        %add3A_63 = arith.addi %mul3A_17, %add3A_62 : i32
        %mul3A_64 = arith.constant 128 : i32
        %mul3A_65 = arith.muli %add3A_63, %mul3A_64 : i32
        %add3A_66 = arith.addi %mul3A_2, %mul3A_65 : i32
        "tpu.region"() ({
          %run_scoped3A = tpu.sem_alloc : memref<!tpu.dma_semaphore, #tpu.memory_space<semaphore_mem>>
          %dma_start3A_73 = tpu.memref_slice %arg2[%add3A_66] : memref<81920xi32, #tpu.memory_space<hbm>> -> memref<128xi32, #tpu.memory_space<hbm>>
          %dma_start3A_74 = tpu.memref_slice %arg2[%add3A_66] : memref<81920xi32, #tpu.memory_space<hbm>> -> memref<128xi32, #tpu.memory_space<hbm>>
          tpu.enqueue_dma source(%dma_start3A_74 : memref<128xi32, #tpu.memory_space<hbm>>) target(%arg7 : memref<128xi32, #tpu.memory_space<vmem>>) target_semaphore(%run_scoped3A : memref<!tpu.dma_semaphore, #tpu.memory_space<semaphore_mem>>)
          %dma_wait3A_75 = tpu.memref_slice %arg2[%add3A_66] : memref<81920xi32, #tpu.memory_space<hbm>> -> memref<128xi32, #tpu.memory_space<hbm>>
          %dma_wait3A_76 = tpu.memref_slice %arg2[%add3A_66] : memref<81920xi32, #tpu.memory_space<hbm>> -> memref<128xi32, #tpu.memory_space<hbm>>
          tpu.wait_dma2 semaphore(%run_scoped3A : memref<!tpu.dma_semaphore, #tpu.memory_space<semaphore_mem>>) src(%dma_wait3A_76 : memref<128xi32, #tpu.memory_space<hbm>>) dst(%arg7 : memref<128xi32, #tpu.memory_space<vmem>>)
          tpu.yield
        }) : () -> ()
        "tpu.region"() ({
          %run_scoped3A = tpu.sem_alloc : memref<!tpu.dma_semaphore, #tpu.memory_space<semaphore_mem>>
          %dma_start3A_73 = tpu.memref_slice %arg3[%add3A_66] : memref<81920xi32, #tpu.memory_space<hbm>> -> memref<128xi32, #tpu.memory_space<hbm>>
          %dma_start3A_74 = tpu.memref_slice %arg3[%add3A_66] : memref<81920xi32, #tpu.memory_space<hbm>> -> memref<128xi32, #tpu.memory_space<hbm>>
          tpu.enqueue_dma source(%dma_start3A_74 : memref<128xi32, #tpu.memory_space<hbm>>) target(%arg8 : memref<128xi32, #tpu.memory_space<vmem>>) target_semaphore(%run_scoped3A : memref<!tpu.dma_semaphore, #tpu.memory_space<semaphore_mem>>)
          %dma_wait3A_75 = tpu.memref_slice %arg3[%add3A_66] : memref<81920xi32, #tpu.memory_space<hbm>> -> memref<128xi32, #tpu.memory_space<hbm>>
          %dma_wait3A_76 = tpu.memref_slice %arg3[%add3A_66] : memref<81920xi32, #tpu.memory_space<hbm>> -> memref<128xi32, #tpu.memory_space<hbm>>
          tpu.wait_dma2 semaphore(%run_scoped3A : memref<!tpu.dma_semaphore, #tpu.memory_space<semaphore_mem>>) src(%dma_wait3A_76 : memref<128xi32, #tpu.memory_space<hbm>>) dst(%arg8 : memref<128xi32, #tpu.memory_space<vmem>>)
          tpu.yield
        }) : () -> ()
        %dma_start3A_67 = arith.constant 0 : i32
        %dma_start3A_68 = arith.constant 0 : i32
        %dma_start3A_69 = tpu.memref_slice %arg4[%dma_start3A_67, %dma_start3A_68] : memref<10000x128xf32, #tpu.memory_space<hbm>> -> memref<10000x128xf32, #tpu.memory_space<hbm>>
        tpu.enqueue_indirect_dma source(%dma_start3A_69 : memref<10000x128xf32, #tpu.memory_space<hbm>>) target(%arg9 : memref<128x128xf32, #tpu.memory_space<vmem>>) offsets(%arg7 : memref<128xi32, #tpu.memory_space<vmem>>) semaphore(%arg15 : memref<!tpu.dma_semaphore, #tpu.memory_space<semaphore_mem>>)
        %dma_start3A_70 = arith.constant 0 : i32
        %dma_start3A_71 = arith.constant 0 : i32
        %dma_start3A_72 = tpu.memref_slice %arg5[%dma_start3A_70, %dma_start3A_71] : memref<10000x128xf32, #tpu.memory_space<hbm>> -> memref<10000x128xf32, #tpu.memory_space<hbm>>
        tpu.enqueue_indirect_dma source(%dma_start3A_72 : memref<10000x128xf32, #tpu.memory_space<hbm>>) target(%arg10 : memref<128x128xf32, #tpu.memory_space<vmem>>) offsets(%arg8 : memref<128xi32, #tpu.memory_space<vmem>>) semaphore(%arg15 : memref<!tpu.dma_semaphore, #tpu.memory_space<semaphore_mem>>)
      } else {
      }
      %dma_wait3A_45 = arith.constant 0 : i32
      %dma_wait3A_46 = arith.constant 0 : i32
      %dma_wait3A_47 = tpu.memref_slice %arg4[%dma_wait3A_45, %dma_wait3A_46] : memref<10000x128xf32, #tpu.memory_space<hbm>> -> memref<10000x128xf32, #tpu.memory_space<hbm>>
      tpu.wait_indirect_dma semaphore(%arg16 : memref<!tpu.dma_semaphore, #tpu.memory_space<semaphore_mem>>) src(%dma_wait3A_47 : memref<10000x128xf32, #tpu.memory_space<hbm>>) dst(%arg13 : memref<128x128xf32, #tpu.memory_space<vmem>>)
      %dma_wait3A_48 = arith.constant 0 : i32
      %dma_wait3A_49 = arith.constant 0 : i32
      %dma_wait3A_50 = tpu.memref_slice %arg5[%dma_wait3A_48, %dma_wait3A_49] : memref<10000x128xf32, #tpu.memory_space<hbm>> -> memref<10000x128xf32, #tpu.memory_space<hbm>>
      tpu.wait_indirect_dma semaphore(%arg16 : memref<!tpu.dma_semaphore, #tpu.memory_space<semaphore_mem>>) src(%dma_wait3A_50 : memref<10000x128xf32, #tpu.memory_space<hbm>>) dst(%arg14 : memref<128x128xf32, #tpu.memory_space<vmem>>)
      %scan3A_51 = arith.constant 0 : i32
      %scan3A_52 = arith.constant 0 : i32
      %scan3A_53 = arith.constant 128 : i32
      %scan3A_54 = arith.addi %scan3A_52, %scan3A_53 : i32
      %scan3A_55 = arith.constant 1 : i32
      scf.for %scan3A_62 = %scan3A_52 to %scan3A_54 step %scan3A_55  : i32 {
        %get3A = arith.index_cast %scan3A_62 : i32 to index
        %get3A_63 = arith.constant 0 : index
        %get3A_64 = tpu.vector_load %arg13[%get3A, %get3A_63] {strides = array<i32>} : memref<128x128xf32, #tpu.memory_space<vmem>>, vector<1x16xf32>,
        %get3A_65 = vector.shape_cast %get3A_64 : vector<1x16xf32> to vector<16xf32>
        %get3A_66 = arith.index_cast %scan3A_62 : i32 to index
        %get3A_67 = arith.constant 0 : index
        %get3A_68 = tpu.vector_load %arg14[%get3A_66, %get3A_67] {strides = array<i32>} : memref<128x128xf32, #tpu.memory_space<vmem>>, vector<1x16xf32>,
        %get3A_69 = vector.shape_cast %get3A_68 : vector<1x16xf32> to vector<16xf32>
        %add3A_70 = arith.addf %get3A_65, %get3A_69 : vector<16xf32>
        %swap3A = arith.index_cast %scan3A_62 : i32 to index
        %swap3A_71 = arith.constant 0 : index
        %swap3A_72 = tpu.vector_load %arg13[%swap3A, %swap3A_71] {strides = array<i32>} : memref<128x128xf32, #tpu.memory_space<vmem>>, vector<1x16xf32>,
        %swap3A_73 = vector.shape_cast %swap3A_72 : vector<1x16xf32> to vector<16xf32>
        %swap3A_74 = vector.shape_cast %add3A_70 : vector<16xf32> to vector<1x16xf32>
        tpu.vector_store %arg13[%swap3A, %swap3A_71], %swap3A_74 {strides = array<i32>} : memref<128x128xf32, #tpu.memory_space<vmem>>, vector<1x16xf32>,
        %get3A_75 = arith.index_cast %scan3A_62 : i32 to index
        %get3A_76 = arith.constant 16 : index
        %get3A_77 = tpu.vector_load %arg13[%get3A_75, %get3A_76] {strides = array<i32>} : memref<128x128xf32, #tpu.memory_space<vmem>>, vector<1x16xf32>,
        %get3A_78 = vector.shape_cast %get3A_77 : vector<1x16xf32> to vector<16xf32>
        %get3A_79 = arith.index_cast %scan3A_62 : i32 to index
        %get3A_80 = arith.constant 16 : index
        %get3A_81 = tpu.vector_load %arg14[%get3A_79, %get3A_80] {strides = array<i32>} : memref<128x128xf32, #tpu.memory_space<vmem>>, vector<1x16xf32>,
        %get3A_82 = vector.shape_cast %get3A_81 : vector<1x16xf32> to vector<16xf32>
        %add3A_83 = arith.addf %get3A_78, %get3A_82 : vector<16xf32>
        %swap3A_84 = arith.index_cast %scan3A_62 : i32 to index
        %swap3A_85 = arith.constant 16 : index
        %swap3A_86 = tpu.vector_load %arg13[%swap3A_84, %swap3A_85] {strides = array<i32>} : memref<128x128xf32, #tpu.memory_space<vmem>>, vector<1x16xf32>,
        %swap3A_87 = vector.shape_cast %swap3A_86 : vector<1x16xf32> to vector<16xf32>
        %swap3A_88 = vector.shape_cast %add3A_83 : vector<16xf32> to vector<1x16xf32>
        tpu.vector_store %arg13[%swap3A_84, %swap3A_85], %swap3A_88 {strides = array<i32>} : memref<128x128xf32, #tpu.memory_space<vmem>>, vector<1x16xf32>,
        %get3A_89 = arith.index_cast %scan3A_62 : i32 to index
        %get3A_90 = arith.constant 32 : index
        %get3A_91 = tpu.vector_load %arg13[%get3A_89, %get3A_90] {strides = array<i32>} : memref<128x128xf32, #tpu.memory_space<vmem>>, vector<1x16xf32>,
        %get3A_92 = vector.shape_cast %get3A_91 : vector<1x16xf32> to vector<16xf32>
        %get3A_93 = arith.index_cast %scan3A_62 : i32 to index
        %get3A_94 = arith.constant 32 : index
        %get3A_95 = tpu.vector_load %arg14[%get3A_93, %get3A_94] {strides = array<i32>} : memref<128x128xf32, #tpu.memory_space<vmem>>, vector<1x16xf32>,
        %get3A_96 = vector.shape_cast %get3A_95 : vector<1x16xf32> to vector<16xf32>
        %add3A_97 = arith.addf %get3A_92, %get3A_96 : vector<16xf32>
        %swap3A_98 = arith.index_cast %scan3A_62 : i32 to index
        %swap3A_99 = arith.constant 32 : index
        %swap3A_100 = tpu.vector_load %arg13[%swap3A_98, %swap3A_99] {strides = array<i32>} : memref<128x128xf32, #tpu.memory_space<vmem>>, vector<1x16xf32>,
        %swap3A_101 = vector.shape_cast %swap3A_100 : vector<1x16xf32> to vector<16xf32>
        %swap3A_102 = vector.shape_cast %add3A_97 : vector<16xf32> to vector<1x16xf32>
        tpu.vector_store %arg13[%swap3A_98, %swap3A_99], %swap3A_102 {strides = array<i32>} : memref<128x128xf32, #tpu.memory_space<vmem>>, vector<1x16xf32>,
        %get3A_103 = arith.index_cast %scan3A_62 : i32 to index
        %get3A_104 = arith.constant 48 : index
        %get3A_105 = tpu.vector_load %arg13[%get3A_103, %get3A_104] {strides = array<i32>} : memref<128x128xf32, #tpu.memory_space<vmem>>, vector<1x16xf32>,
        %get3A_106 = vector.shape_cast %get3A_105 : vector<1x16xf32> to vector<16xf32>
        %get3A_107 = arith.index_cast %scan3A_62 : i32 to index
        %get3A_108 = arith.constant 48 : index
        %get3A_109 = tpu.vector_load %arg14[%get3A_107, %get3A_108] {strides = array<i32>} : memref<128x128xf32, #tpu.memory_space<vmem>>, vector<1x16xf32>,
        %get3A_110 = vector.shape_cast %get3A_109 : vector<1x16xf32> to vector<16xf32>
        %add3A_111 = arith.addf %get3A_106, %get3A_110 : vector<16xf32>
        %swap3A_112 = arith.index_cast %scan3A_62 : i32 to index
        %swap3A_113 = arith.constant 48 : index
        %swap3A_114 = tpu.vector_load %arg13[%swap3A_112, %swap3A_113] {strides = array<i32>} : memref<128x128xf32, #tpu.memory_space<vmem>>, vector<1x16xf32>,
        %swap3A_115 = vector.shape_cast %swap3A_114 : vector<1x16xf32> to vector<16xf32>
        %swap3A_116 = vector.shape_cast %add3A_111 : vector<16xf32> to vector<1x16xf32>
        tpu.vector_store %arg13[%swap3A_112, %swap3A_113], %swap3A_116 {strides = array<i32>} : memref<128x128xf32, #tpu.memory_space<vmem>>, vector<1x16xf32>,
        %get3A_117 = arith.index_cast %scan3A_62 : i32 to index
        %get3A_118 = arith.constant 64 : index
        %get3A_119 = tpu.vector_load %arg13[%get3A_117, %get3A_118] {strides = array<i32>} : memref<128x128xf32, #tpu.memory_space<vmem>>, vector<1x16xf32>,
        %get3A_120 = vector.shape_cast %get3A_119 : vector<1x16xf32> to vector<16xf32>
        %get3A_121 = arith.index_cast %scan3A_62 : i32 to index
        %get3A_122 = arith.constant 64 : index
        %get3A_123 = tpu.vector_load %arg14[%get3A_121, %get3A_122] {strides = array<i32>} : memref<128x128xf32, #tpu.memory_space<vmem>>, vector<1x16xf32>,
        %get3A_124 = vector.shape_cast %get3A_123 : vector<1x16xf32> to vector<16xf32>
        %add3A_125 = arith.addf %get3A_120, %get3A_124 : vector<16xf32>
        %swap3A_126 = arith.index_cast %scan3A_62 : i32 to index
        %swap3A_127 = arith.constant 64 : index
        %swap3A_128 = tpu.vector_load %arg13[%swap3A_126, %swap3A_127] {strides = array<i32>} : memref<128x128xf32, #tpu.memory_space<vmem>>, vector<1x16xf32>,
        %swap3A_129 = vector.shape_cast %swap3A_128 : vector<1x16xf32> to vector<16xf32>
        %swap3A_130 = vector.shape_cast %add3A_125 : vector<16xf32> to vector<1x16xf32>
        tpu.vector_store %arg13[%swap3A_126, %swap3A_127], %swap3A_130 {strides = array<i32>} : memref<128x128xf32, #tpu.memory_space<vmem>>, vector<1x16xf32>,
        %get3A_131 = arith.index_cast %scan3A_62 : i32 to index
        %get3A_132 = arith.constant 80 : index
        %get3A_133 = tpu.vector_load %arg13[%get3A_131, %get3A_132] {strides = array<i32>} : memref<128x128xf32, #tpu.memory_space<vmem>>, vector<1x16xf32>,
        %get3A_134 = vector.shape_cast %get3A_133 : vector<1x16xf32> to vector<16xf32>
        %get3A_135 = arith.index_cast %scan3A_62 : i32 to index
        %get3A_136 = arith.constant 80 : index
        %get3A_137 = tpu.vector_load %arg14[%get3A_135, %get3A_136] {strides = array<i32>} : memref<128x128xf32, #tpu.memory_space<vmem>>, vector<1x16xf32>,
        %get3A_138 = vector.shape_cast %get3A_137 : vector<1x16xf32> to vector<16xf32>
        %add3A_139 = arith.addf %get3A_134, %get3A_138 : vector<16xf32>
        %swap3A_140 = arith.index_cast %scan3A_62 : i32 to index
        %swap3A_141 = arith.constant 80 : index
        %swap3A_142 = tpu.vector_load %arg13[%swap3A_140, %swap3A_141] {strides = array<i32>} : memref<128x128xf32, #tpu.memory_space<vmem>>, vector<1x16xf32>,
        %swap3A_143 = vector.shape_cast %swap3A_142 : vector<1x16xf32> to vector<16xf32>
        %swap3A_144 = vector.shape_cast %add3A_139 : vector<16xf32> to vector<1x16xf32>
        tpu.vector_store %arg13[%swap3A_140, %swap3A_141], %swap3A_144 {strides = array<i32>} : memref<128x128xf32, #tpu.memory_space<vmem>>, vector<1x16xf32>,
        %get3A_145 = arith.index_cast %scan3A_62 : i32 to index
        %get3A_146 = arith.constant 96 : index
        %get3A_147 = tpu.vector_load %arg13[%get3A_145, %get3A_146] {strides = array<i32>} : memref<128x128xf32, #tpu.memory_space<vmem>>, vector<1x16xf32>,
        %get3A_148 = vector.shape_cast %get3A_147 : vector<1x16xf32> to vector<16xf32>
        %get3A_149 = arith.index_cast %scan3A_62 : i32 to index
        %get3A_150 = arith.constant 96 : index
        %get3A_151 = tpu.vector_load %arg14[%get3A_149, %get3A_150] {strides = array<i32>} : memref<128x128xf32, #tpu.memory_space<vmem>>, vector<1x16xf32>,
        %get3A_152 = vector.shape_cast %get3A_151 : vector<1x16xf32> to vector<16xf32>
        %add3A_153 = arith.addf %get3A_148, %get3A_152 : vector<16xf32>
        %swap3A_154 = arith.index_cast %scan3A_62 : i32 to index
        %swap3A_155 = arith.constant 96 : index
        %swap3A_156 = tpu.vector_load %arg13[%swap3A_154, %swap3A_155] {strides = array<i32>} : memref<128x128xf32, #tpu.memory_space<vmem>>, vector<1x16xf32>,
        %swap3A_157 = vector.shape_cast %swap3A_156 : vector<1x16xf32> to vector<16xf32>
        %swap3A_158 = vector.shape_cast %add3A_153 : vector<16xf32> to vector<1x16xf32>
        tpu.vector_store %arg13[%swap3A_154, %swap3A_155], %swap3A_158 {strides = array<i32>} : memref<128x128xf32, #tpu.memory_space<vmem>>, vector<1x16xf32>,
        %get3A_159 = arith.index_cast %scan3A_62 : i32 to index
        %get3A_160 = arith.constant 112 : index
        %get3A_161 = tpu.vector_load %arg13[%get3A_159, %get3A_160] {strides = array<i32>} : memref<128x128xf32, #tpu.memory_space<vmem>>, vector<1x16xf32>,
        %get3A_162 = vector.shape_cast %get3A_161 : vector<1x16xf32> to vector<16xf32>
        %get3A_163 = arith.index_cast %scan3A_62 : i32 to index
        %get3A_164 = arith.constant 112 : index
        %get3A_165 = tpu.vector_load %arg14[%get3A_163, %get3A_164] {strides = array<i32>} : memref<128x128xf32, #tpu.memory_space<vmem>>, vector<1x16xf32>,
        %get3A_166 = vector.shape_cast %get3A_165 : vector<1x16xf32> to vector<16xf32>
        %add3A_167 = arith.addf %get3A_162, %get3A_166 : vector<16xf32>
        %swap3A_168 = arith.index_cast %scan3A_62 : i32 to index
        %swap3A_169 = arith.constant 112 : index
        %swap3A_170 = tpu.vector_load %arg13[%swap3A_168, %swap3A_169] {strides = array<i32>} : memref<128x128xf32, #tpu.memory_space<vmem>>, vector<1x16xf32>,
        %swap3A_171 = vector.shape_cast %swap3A_170 : vector<1x16xf32> to vector<16xf32>
        %swap3A_172 = vector.shape_cast %add3A_167 : vector<16xf32> to vector<1x16xf32>
        tpu.vector_store %arg13[%swap3A_168, %swap3A_169], %swap3A_172 {strides = array<i32>} : memref<128x128xf32, #tpu.memory_space<vmem>>, vector<1x16xf32>,
      }
      %scan3A_56 = arith.constant 128 : i32
      %add3A_57 = arith.constant 1 : i32
      %add3A_58 = arith.addi %mul3A_17, %add3A_57 : i32
      %mul3A_59 = arith.constant 128 : i32
      %mul3A_60 = arith.muli %add3A_58, %mul3A_59 : i32
      %add3A_61 = arith.addi %mul3A_2, %mul3A_60 : i32
      "tpu.region"() ({
        %run_scoped3A = tpu.sem_alloc : memref<!tpu.dma_semaphore, #tpu.memory_space<semaphore_mem>>
        %dma_start3A_62 = arith.constant 0 : i32
        %dma_start3A_63 = tpu.memref_slice %arg6[%add3A_61, %dma_start3A_62] : memref<81920x128xf32, #tpu.memory_space<hbm>> -> memref<128x128xf32, #tpu.memory_space<hbm>>
        %dma_start3A_64 = arith.constant 0 : i32
        %dma_start3A_65 = tpu.memref_slice %arg6[%add3A_61, %dma_start3A_64] : memref<81920x128xf32, #tpu.memory_space<hbm>> -> memref<128x128xf32, #tpu.memory_space<hbm>>
        tpu.enqueue_dma source(%arg13 : memref<128x128xf32, #tpu.memory_space<vmem>>) target(%dma_start3A_65 : memref<128x128xf32, #tpu.memory_space<hbm>>) target_semaphore(%run_scoped3A : memref<!tpu.dma_semaphore, #tpu.memory_space<semaphore_mem>>)
        %dma_wait3A_66 = arith.constant 0 : i32
        %dma_wait3A_67 = tpu.memref_slice %arg6[%add3A_61, %dma_wait3A_66] : memref<81920x128xf32, #tpu.memory_space<hbm>> -> memref<128x128xf32, #tpu.memory_space<hbm>>
        %dma_wait3A_68 = arith.constant 0 : i32
        %dma_wait3A_69 = tpu.memref_slice %arg6[%add3A_61, %dma_wait3A_68] : memref<81920x128xf32, #tpu.memory_space<hbm>> -> memref<128x128xf32, #tpu.memory_space<hbm>>
        tpu.wait_dma2 semaphore(%run_scoped3A : memref<!tpu.dma_semaphore, #tpu.memory_space<semaphore_mem>>) src(%arg13 : memref<128x128xf32, #tpu.memory_space<vmem>>) dst(%dma_wait3A_69 : memref<128x128xf32, #tpu.memory_space<hbm>>)
        tpu.yield
      }) : () -> ()
    }
    %scan3A_14 = arith.constant 10 : i32
    return
  }
}

#map = affine_map<(d0, d1) -> (0)>
#map1 = affine_map<(d0, d1) -> (0, 0)>
module attributes {stable_mosaic.version = 14 : i64} {
  func.func @_gather_body(%arg0: i32, %arg1: i32, %arg2: memref<81920xi32, #tpu.memory_space<hbm>>, %arg3: memref<81920xi32, #tpu.memory_space<hbm>>, %arg4: memref<10000x128xf32, #tpu.memory_space<hbm>>, %arg5: memref<10000x128xf32, #tpu.memory_space<hbm>>, %arg6: memref<81920x128xf32, #tpu.memory_space<hbm>>, %arg7: memref<128xi32, #tpu.memory_space<vmem>>, %arg8: memref<128xi32, #tpu.memory_space<vmem>>, %arg9: memref<128x128xf32, #tpu.memory_space<vmem>>, %arg10: memref<128x128xf32, #tpu.memory_space<vmem>>, %arg11: memref<128xi32, #tpu.memory_space<vmem>>, %arg12: memref<128xi32, #tpu.memory_space<vmem>>, %arg13: memref<128x128xf32, #tpu.memory_space<vmem>>, %arg14: memref<128x128xf32, #tpu.memory_space<vmem>>, %arg15: memref<!tpu.dma_semaphore, #tpu.memory_space<semaphore_mem>>, %arg16: memref<!tpu.dma_semaphore, #tpu.memory_space<semaphore_mem>>) attributes {dimension_semantics = [#tpu.dimension_semantics<core_parallel>, #tpu.dimension_semantics<subcore_parallel>], iteration_bounds = array<i64: 2, 16>, scalar_prefetch = 0 : i64, scratch_operands = 10 : i64, tpu.core_type = #tpu.core_type<sc_vector_subcore>, window_params = [{transform_indices = #map}, {transform_indices = #map}, {transform_indices = #map1}, {transform_indices = #map1}, {transform_indices = #map1}]} {
    %mul3A = arith.constant 2 : i32
    %mul3A_0 = arith.muli %arg1, %mul3A : i32
    %add3A = arith.addi %mul3A_0, %arg0 : i32
    %mul3A_1 = arith.constant 2560 : i32
    %mul3A_2 = arith.muli %add3A, %mul3A_1 : i32
    %add3A_3 = arith.constant 0 : i32
    %add3A_4 = arith.addi %mul3A_2, %add3A_3 : i32
    "tpu.region"() ({
      %run_scoped3A = tpu.sem_alloc : memref<!tpu.dma_semaphore, #tpu.memory_space<semaphore_mem>>
      %dma_start3A_15 = tpu.memref_slice %arg2[%add3A_4] : memref<81920xi32, #tpu.memory_space<hbm>> -> memref<128xi32, #tpu.memory_space<hbm>>
      %dma_start3A_16 = tpu.memref_slice %arg2[%add3A_4] : memref<81920xi32, #tpu.memory_space<hbm>> -> memref<128xi32, #tpu.memory_space<hbm>>
      tpu.enqueue_dma source(%dma_start3A_16 : memref<128xi32, #tpu.memory_space<hbm>>) target(%arg7 : memref<128xi32, #tpu.memory_space<vmem>>) target_semaphore(%run_scoped3A : memref<!tpu.dma_semaphore, #tpu.memory_space<semaphore_mem>>)
      %dma_wait3A = tpu.memref_slice %arg2[%add3A_4] : memref<81920xi32, #tpu.memory_space<hbm>> -> memref<128xi32, #tpu.memory_space<hbm>>
      %dma_wait3A_17 = tpu.memref_slice %arg2[%add3A_4] : memref<81920xi32, #tpu.memory_space<hbm>> -> memref<128xi32, #tpu.memory_space<hbm>>
      tpu.wait_dma2 semaphore(%run_scoped3A : memref<!tpu.dma_semaphore, #tpu.memory_space<semaphore_mem>>) src(%dma_wait3A_17 : memref<128xi32, #tpu.memory_space<hbm>>) dst(%arg7 : memref<128xi32, #tpu.memory_space<vmem>>)
      tpu.yield
    }) : () -> ()
    "tpu.region"() ({
      %run_scoped3A = tpu.sem_alloc : memref<!tpu.dma_semaphore, #tpu.memory_space<semaphore_mem>>
      %dma_start3A_15 = tpu.memref_slice %arg3[%add3A_4] : memref<81920xi32, #tpu.memory_space<hbm>> -> memref<128xi32, #tpu.memory_space<hbm>>
      %dma_start3A_16 = tpu.memref_slice %arg3[%add3A_4] : memref<81920xi32, #tpu.memory_space<hbm>> -> memref<128xi32, #tpu.memory_space<hbm>>
      tpu.enqueue_dma source(%dma_start3A_16 : memref<128xi32, #tpu.memory_space<hbm>>) target(%arg8 : memref<128xi32, #tpu.memory_space<vmem>>) target_semaphore(%run_scoped3A : memref<!tpu.dma_semaphore, #tpu.memory_space<semaphore_mem>>)
      %dma_wait3A = tpu.memref_slice %arg3[%add3A_4] : memref<81920xi32, #tpu.memory_space<hbm>> -> memref<128xi32, #tpu.memory_space<hbm>>
      %dma_wait3A_17 = tpu.memref_slice %arg3[%add3A_4] : memref<81920xi32, #tpu.memory_space<hbm>> -> memref<128xi32, #tpu.memory_space<hbm>>
      tpu.wait_dma2 semaphore(%run_scoped3A : memref<!tpu.dma_semaphore, #tpu.memory_space<semaphore_mem>>) src(%dma_wait3A_17 : memref<128xi32, #tpu.memory_space<hbm>>) dst(%arg8 : memref<128xi32, #tpu.memory_space<vmem>>)
      tpu.yield
    }) : () -> ()
    %dma_start3A = arith.constant 0 : i32
    %dma_start3A_5 = arith.constant 0 : i32
    %dma_start3A_6 = tpu.memref_slice %arg4[%dma_start3A, %dma_start3A_5] : memref<10000x128xf32, #tpu.memory_space<hbm>> -> memref<10000x128xf32, #tpu.memory_space<hbm>>
    tpu.enqueue_indirect_dma source(%dma_start3A_6 : memref<10000x128xf32, #tpu.memory_space<hbm>>) target(%arg9 : memref<128x128xf32, #tpu.memory_space<vmem>>) offsets(%arg7 : memref<128xi32, #tpu.memory_space<vmem>>) semaphore(%arg15 : memref<!tpu.dma_semaphore, #tpu.memory_space<semaphore_mem>>)
    %dma_start3A_7 = arith.constant 0 : i32
    %dma_start3A_8 = arith.constant 0 : i32
    %dma_start3A_9 = tpu.memref_slice %arg5[%dma_start3A_7, %dma_start3A_8] : memref<10000x128xf32, #tpu.memory_space<hbm>> -> memref<10000x128xf32, #tpu.memory_space<hbm>>
    tpu.enqueue_indirect_dma source(%dma_start3A_9 : memref<10000x128xf32, #tpu.memory_space<hbm>>) target(%arg10 : memref<128x128xf32, #tpu.memory_space<vmem>>) offsets(%arg8 : memref<128xi32, #tpu.memory_space<vmem>>) semaphore(%arg15 : memref<!tpu.dma_semaphore, #tpu.memory_space<semaphore_mem>>)
    %scan3A = arith.constant 0 : i32
    %scan3A_10 = arith.constant 0 : i32
    %scan3A_11 = arith.constant 10 : i32
    %scan3A_12 = arith.addi %scan3A_10, %scan3A_11 : i32
    %scan3A_13 = arith.constant 1 : i32
    scf.for %scan3A_15 = %scan3A_10 to %scan3A_12 step %scan3A_13  : i32 {
      %mul3A_16 = arith.constant 2 : i32
      %mul3A_17 = arith.muli %mul3A_16, %scan3A_15 : i32
      %add3A_18 = arith.constant 1 : i32
      %add3A_19 = arith.addi %mul3A_17, %add3A_18 : i32
      %mul3A_20 = arith.constant 128 : i32
      %mul3A_21 = arith.muli %add3A_19, %mul3A_20 : i32
      %add3A_22 = arith.addi %mul3A_2, %mul3A_21 : i32
      "tpu.region"() ({
        %run_scoped3A = tpu.sem_alloc : memref<!tpu.dma_semaphore, #tpu.memory_space<semaphore_mem>>
        %dma_start3A_62 = tpu.memref_slice %arg2[%add3A_22] : memref<81920xi32, #tpu.memory_space<hbm>> -> memref<128xi32, #tpu.memory_space<hbm>>
        %dma_start3A_63 = tpu.memref_slice %arg2[%add3A_22] : memref<81920xi32, #tpu.memory_space<hbm>> -> memref<128xi32, #tpu.memory_space<hbm>>
        tpu.enqueue_dma source(%dma_start3A_63 : memref<128xi32, #tpu.memory_space<hbm>>) target(%arg11 : memref<128xi32, #tpu.memory_space<vmem>>) target_semaphore(%run_scoped3A : memref<!tpu.dma_semaphore, #tpu.memory_space<semaphore_mem>>)
        %dma_wait3A_64 = tpu.memref_slice %arg2[%add3A_22] : memref<81920xi32, #tpu.memory_space<hbm>> -> memref<128xi32, #tpu.memory_space<hbm>>
        %dma_wait3A_65 = tpu.memref_slice %arg2[%add3A_22] : memref<81920xi32, #tpu.memory_space<hbm>> -> memref<128xi32, #tpu.memory_space<hbm>>
        tpu.wait_dma2 semaphore(%run_scoped3A : memref<!tpu.dma_semaphore, #tpu.memory_space<semaphore_mem>>) src(%dma_wait3A_65 : memref<128xi32, #tpu.memory_space<hbm>>) dst(%arg11 : memref<128xi32, #tpu.memory_space<vmem>>)
        tpu.yield
      }) : () -> ()
      "tpu.region"() ({
        %run_scoped3A = tpu.sem_alloc : memref<!tpu.dma_semaphore, #tpu.memory_space<semaphore_mem>>
        %dma_start3A_62 = tpu.memref_slice %arg3[%add3A_22] : memref<81920xi32, #tpu.memory_space<hbm>> -> memref<128xi32, #tpu.memory_space<hbm>>
        %dma_start3A_63 = tpu.memref_slice %arg3[%add3A_22] : memref<81920xi32, #tpu.memory_space<hbm>> -> memref<128xi32, #tpu.memory_space<hbm>>
        tpu.enqueue_dma source(%dma_start3A_63 : memref<128xi32, #tpu.memory_space<hbm>>) target(%arg12 : memref<128xi32, #tpu.memory_space<vmem>>) target_semaphore(%run_scoped3A : memref<!tpu.dma_semaphore, #tpu.memory_space<semaphore_mem>>)
        %dma_wait3A_64 = tpu.memref_slice %arg3[%add3A_22] : memref<81920xi32, #tpu.memory_space<hbm>> -> memref<128xi32, #tpu.memory_space<hbm>>
        %dma_wait3A_65 = tpu.memref_slice %arg3[%add3A_22] : memref<81920xi32, #tpu.memory_space<hbm>> -> memref<128xi32, #tpu.memory_space<hbm>>
        tpu.wait_dma2 semaphore(%run_scoped3A : memref<!tpu.dma_semaphore, #tpu.memory_space<semaphore_mem>>) src(%dma_wait3A_65 : memref<128xi32, #tpu.memory_space<hbm>>) dst(%arg12 : memref<128xi32, #tpu.memory_space<vmem>>)
        tpu.yield
      }) : () -> ()
      %dma_start3A_23 = arith.constant 0 : i32
      %dma_start3A_24 = arith.constant 0 : i32
      %dma_start3A_25 = tpu.memref_slice %arg4[%dma_start3A_23, %dma_start3A_24] : memref<10000x128xf32, #tpu.memory_space<hbm>> -> memref<10000x128xf32, #tpu.memory_space<hbm>>
      tpu.enqueue_indirect_dma source(%dma_start3A_25 : memref<10000x128xf32, #tpu.memory_space<hbm>>) target(%arg13 : memref<128x128xf32, #tpu.memory_space<vmem>>) offsets(%arg11 : memref<128xi32, #tpu.memory_space<vmem>>) semaphore(%arg16 : memref<!tpu.dma_semaphore, #tpu.memory_space<semaphore_mem>>)
      %dma_start3A_26 = arith.constant 0 : i32
      %dma_start3A_27 = arith.constant 0 : i32
      %dma_start3A_28 = tpu.memref_slice %arg5[%dma_start3A_26, %dma_start3A_27] : memref<10000x128xf32, #tpu.memory_space<hbm>> -> memref<10000x128xf32, #tpu.memory_space<hbm>>
      tpu.enqueue_indirect_dma source(%dma_start3A_28 : memref<10000x128xf32, #tpu.memory_space<hbm>>) target(%arg14 : memref<128x128xf32, #tpu.memory_space<vmem>>) offsets(%arg12 : memref<128xi32, #tpu.memory_space<vmem>>) semaphore(%arg16 : memref<!tpu.dma_semaphore, #tpu.memory_space<semaphore_mem>>)
      %dma_wait3A = arith.constant 0 : i32
      %dma_wait3A_29 = arith.constant 0 : i32
      %dma_wait3A_30 = tpu.memref_slice %arg4[%dma_wait3A, %dma_wait3A_29] : memref<10000x128xf32, #tpu.memory_space<hbm>> -> memref<10000x128xf32, #tpu.memory_space<hbm>>
      tpu.wait_indirect_dma semaphore(%arg15 : memref<!tpu.dma_semaphore, #tpu.memory_space<semaphore_mem>>) src(%dma_wait3A_30 : memref<10000x128xf32, #tpu.memory_space<hbm>>) dst(%arg9 : memref<128x128xf32, #tpu.memory_space<vmem>>)
      %dma_wait3A_31 = arith.constant 0 : i32
      %dma_wait3A_32 = arith.constant 0 : i32
      %dma_wait3A_33 = tpu.memref_slice %arg5[%dma_wait3A_31, %dma_wait3A_32] : memref<10000x128xf32, #tpu.memory_space<hbm>> -> memref<10000x128xf32, #tpu.memory_space<hbm>>
      tpu.wait_indirect_dma semaphore(%arg15 : memref<!tpu.dma_semaphore, #tpu.memory_space<semaphore_mem>>) src(%dma_wait3A_33 : memref<10000x128xf32, #tpu.memory_space<hbm>>) dst(%arg10 : memref<128x128xf32, #tpu.memory_space<vmem>>)
      %scan3A_34 = arith.constant 0 : i32
      %scan3A_35 = arith.constant 0 : i32
      %scan3A_36 = arith.constant 128 : i32
      %scan3A_37 = arith.addi %scan3A_35, %scan3A_36 : i32
      %scan3A_38 = arith.constant 1 : i32
      scf.for %scan3A_62 = %scan3A_35 to %scan3A_37 step %scan3A_38  : i32 {
        %get3A = arith.index_cast %scan3A_62 : i32 to index
        %get3A_63 = arith.constant 0 : index
        %get3A_64 = tpu.vector_load %arg9[%get3A, %get3A_63] {strides = array<i32>} : memref<128x128xf32, #tpu.memory_space<vmem>>, vector<1x16xf32>,
        %get3A_65 = vector.shape_cast %get3A_64 : vector<1x16xf32> to vector<16xf32>
        %get3A_66 = arith.index_cast %scan3A_62 : i32 to index
        %get3A_67 = arith.constant 0 : index
        %get3A_68 = tpu.vector_load %arg10[%get3A_66, %get3A_67] {strides = array<i32>} : memref<128x128xf32, #tpu.memory_space<vmem>>, vector<1x16xf32>,
        %get3A_69 = vector.shape_cast %get3A_68 : vector<1x16xf32> to vector<16xf32>
        %add3A_70 = arith.addf %get3A_65, %get3A_69 : vector<16xf32>
        %swap3A = arith.index_cast %scan3A_62 : i32 to index
        %swap3A_71 = arith.constant 0 : index
        %swap3A_72 = tpu.vector_load %arg9[%swap3A, %swap3A_71] {strides = array<i32>} : memref<128x128xf32, #tpu.memory_space<vmem>>, vector<1x16xf32>,
        %swap3A_73 = vector.shape_cast %swap3A_72 : vector<1x16xf32> to vector<16xf32>
        %swap3A_74 = vector.shape_cast %add3A_70 : vector<16xf32> to vector<1x16xf32>
        tpu.vector_store %arg9[%swap3A, %swap3A_71], %swap3A_74 {strides = array<i32>} : memref<128x128xf32, #tpu.memory_space<vmem>>, vector<1x16xf32>,
        %get3A_75 = arith.index_cast %scan3A_62 : i32 to index
        %get3A_76 = arith.constant 16 : index
        %get3A_77 = tpu.vector_load %arg9[%get3A_75, %get3A_76] {strides = array<i32>} : memref<128x128xf32, #tpu.memory_space<vmem>>, vector<1x16xf32>,
        %get3A_78 = vector.shape_cast %get3A_77 : vector<1x16xf32> to vector<16xf32>
        %get3A_79 = arith.index_cast %scan3A_62 : i32 to index
        %get3A_80 = arith.constant 16 : index
        %get3A_81 = tpu.vector_load %arg10[%get3A_79, %get3A_80] {strides = array<i32>} : memref<128x128xf32, #tpu.memory_space<vmem>>, vector<1x16xf32>,
        %get3A_82 = vector.shape_cast %get3A_81 : vector<1x16xf32> to vector<16xf32>
        %add3A_83 = arith.addf %get3A_78, %get3A_82 : vector<16xf32>
        %swap3A_84 = arith.index_cast %scan3A_62 : i32 to index
        %swap3A_85 = arith.constant 16 : index
        %swap3A_86 = tpu.vector_load %arg9[%swap3A_84, %swap3A_85] {strides = array<i32>} : memref<128x128xf32, #tpu.memory_space<vmem>>, vector<1x16xf32>,
        %swap3A_87 = vector.shape_cast %swap3A_86 : vector<1x16xf32> to vector<16xf32>
        %swap3A_88 = vector.shape_cast %add3A_83 : vector<16xf32> to vector<1x16xf32>
        tpu.vector_store %arg9[%swap3A_84, %swap3A_85], %swap3A_88 {strides = array<i32>} : memref<128x128xf32, #tpu.memory_space<vmem>>, vector<1x16xf32>,
        %get3A_89 = arith.index_cast %scan3A_62 : i32 to index
        %get3A_90 = arith.constant 32 : index
        %get3A_91 = tpu.vector_load %arg9[%get3A_89, %get3A_90] {strides = array<i32>} : memref<128x128xf32, #tpu.memory_space<vmem>>, vector<1x16xf32>,
        %get3A_92 = vector.shape_cast %get3A_91 : vector<1x16xf32> to vector<16xf32>
        %get3A_93 = arith.index_cast %scan3A_62 : i32 to index
        %get3A_94 = arith.constant 32 : index
        %get3A_95 = tpu.vector_load %arg10[%get3A_93, %get3A_94] {strides = array<i32>} : memref<128x128xf32, #tpu.memory_space<vmem>>, vector<1x16xf32>,
        %get3A_96 = vector.shape_cast %get3A_95 : vector<1x16xf32> to vector<16xf32>
        %add3A_97 = arith.addf %get3A_92, %get3A_96 : vector<16xf32>
        %swap3A_98 = arith.index_cast %scan3A_62 : i32 to index
        %swap3A_99 = arith.constant 32 : index
        %swap3A_100 = tpu.vector_load %arg9[%swap3A_98, %swap3A_99] {strides = array<i32>} : memref<128x128xf32, #tpu.memory_space<vmem>>, vector<1x16xf32>,
        %swap3A_101 = vector.shape_cast %swap3A_100 : vector<1x16xf32> to vector<16xf32>
        %swap3A_102 = vector.shape_cast %add3A_97 : vector<16xf32> to vector<1x16xf32>
        tpu.vector_store %arg9[%swap3A_98, %swap3A_99], %swap3A_102 {strides = array<i32>} : memref<128x128xf32, #tpu.memory_space<vmem>>, vector<1x16xf32>,
        %get3A_103 = arith.index_cast %scan3A_62 : i32 to index
        %get3A_104 = arith.constant 48 : index
        %get3A_105 = tpu.vector_load %arg9[%get3A_103, %get3A_104] {strides = array<i32>} : memref<128x128xf32, #tpu.memory_space<vmem>>, vector<1x16xf32>,
        %get3A_106 = vector.shape_cast %get3A_105 : vector<1x16xf32> to vector<16xf32>
        %get3A_107 = arith.index_cast %scan3A_62 : i32 to index
        %get3A_108 = arith.constant 48 : index
        %get3A_109 = tpu.vector_load %arg10[%get3A_107, %get3A_108] {strides = array<i32>} : memref<128x128xf32, #tpu.memory_space<vmem>>, vector<1x16xf32>,
        %get3A_110 = vector.shape_cast %get3A_109 : vector<1x16xf32> to vector<16xf32>
        %add3A_111 = arith.addf %get3A_106, %get3A_110 : vector<16xf32>
        %swap3A_112 = arith.index_cast %scan3A_62 : i32 to index
        %swap3A_113 = arith.constant 48 : index
        %swap3A_114 = tpu.vector_load %arg9[%swap3A_112, %swap3A_113] {strides = array<i32>} : memref<128x128xf32, #tpu.memory_space<vmem>>, vector<1x16xf32>,
        %swap3A_115 = vector.shape_cast %swap3A_114 : vector<1x16xf32> to vector<16xf32>
        %swap3A_116 = vector.shape_cast %add3A_111 : vector<16xf32> to vector<1x16xf32>
        tpu.vector_store %arg9[%swap3A_112, %swap3A_113], %swap3A_116 {strides = array<i32>} : memref<128x128xf32, #tpu.memory_space<vmem>>, vector<1x16xf32>,
        %get3A_117 = arith.index_cast %scan3A_62 : i32 to index
        %get3A_118 = arith.constant 64 : index
        %get3A_119 = tpu.vector_load %arg9[%get3A_117, %get3A_118] {strides = array<i32>} : memref<128x128xf32, #tpu.memory_space<vmem>>, vector<1x16xf32>,
        %get3A_120 = vector.shape_cast %get3A_119 : vector<1x16xf32> to vector<16xf32>
        %get3A_121 = arith.index_cast %scan3A_62 : i32 to index
        %get3A_122 = arith.constant 64 : index
        %get3A_123 = tpu.vector_load %arg10[%get3A_121, %get3A_122] {strides = array<i32>} : memref<128x128xf32, #tpu.memory_space<vmem>>, vector<1x16xf32>,
        %get3A_124 = vector.shape_cast %get3A_123 : vector<1x16xf32> to vector<16xf32>
        %add3A_125 = arith.addf %get3A_120, %get3A_124 : vector<16xf32>
        %swap3A_126 = arith.index_cast %scan3A_62 : i32 to index
        %swap3A_127 = arith.constant 64 : index
        %swap3A_128 = tpu.vector_load %arg9[%swap3A_126, %swap3A_127] {strides = array<i32>} : memref<128x128xf32, #tpu.memory_space<vmem>>, vector<1x16xf32>,
        %swap3A_129 = vector.shape_cast %swap3A_128 : vector<1x16xf32> to vector<16xf32>
        %swap3A_130 = vector.shape_cast %add3A_125 : vector<16xf32> to vector<1x16xf32>
        tpu.vector_store %arg9[%swap3A_126, %swap3A_127], %swap3A_130 {strides = array<i32>} : memref<128x128xf32, #tpu.memory_space<vmem>>, vector<1x16xf32>,
        %get3A_131 = arith.index_cast %scan3A_62 : i32 to index
        %get3A_132 = arith.constant 80 : index
        %get3A_133 = tpu.vector_load %arg9[%get3A_131, %get3A_132] {strides = array<i32>} : memref<128x128xf32, #tpu.memory_space<vmem>>, vector<1x16xf32>,
        %get3A_134 = vector.shape_cast %get3A_133 : vector<1x16xf32> to vector<16xf32>
        %get3A_135 = arith.index_cast %scan3A_62 : i32 to index
        %get3A_136 = arith.constant 80 : index
        %get3A_137 = tpu.vector_load %arg10[%get3A_135, %get3A_136] {strides = array<i32>} : memref<128x128xf32, #tpu.memory_space<vmem>>, vector<1x16xf32>,
        %get3A_138 = vector.shape_cast %get3A_137 : vector<1x16xf32> to vector<16xf32>
        %add3A_139 = arith.addf %get3A_134, %get3A_138 : vector<16xf32>
        %swap3A_140 = arith.index_cast %scan3A_62 : i32 to index
        %swap3A_141 = arith.constant 80 : index
        %swap3A_142 = tpu.vector_load %arg9[%swap3A_140, %swap3A_141] {strides = array<i32>} : memref<128x128xf32, #tpu.memory_space<vmem>>, vector<1x16xf32>,
        %swap3A_143 = vector.shape_cast %swap3A_142 : vector<1x16xf32> to vector<16xf32>
        %swap3A_144 = vector.shape_cast %add3A_139 : vector<16xf32> to vector<1x16xf32>
        tpu.vector_store %arg9[%swap3A_140, %swap3A_141], %swap3A_144 {strides = array<i32>} : memref<128x128xf32, #tpu.memory_space<vmem>>, vector<1x16xf32>,
        %get3A_145 = arith.index_cast %scan3A_62 : i32 to index
        %get3A_146 = arith.constant 96 : index
        %get3A_147 = tpu.vector_load %arg9[%get3A_145, %get3A_146] {strides = array<i32>} : memref<128x128xf32, #tpu.memory_space<vmem>>, vector<1x16xf32>,
        %get3A_148 = vector.shape_cast %get3A_147 : vector<1x16xf32> to vector<16xf32>
        %get3A_149 = arith.index_cast %scan3A_62 : i32 to index
        %get3A_150 = arith.constant 96 : index
        %get3A_151 = tpu.vector_load %arg10[%get3A_149, %get3A_150] {strides = array<i32>} : memref<128x128xf32, #tpu.memory_space<vmem>>, vector<1x16xf32>,
        %get3A_152 = vector.shape_cast %get3A_151 : vector<1x16xf32> to vector<16xf32>
        %add3A_153 = arith.addf %get3A_148, %get3A_152 : vector<16xf32>
        %swap3A_154 = arith.index_cast %scan3A_62 : i32 to index
        %swap3A_155 = arith.constant 96 : index
        %swap3A_156 = tpu.vector_load %arg9[%swap3A_154, %swap3A_155] {strides = array<i32>} : memref<128x128xf32, #tpu.memory_space<vmem>>, vector<1x16xf32>,
        %swap3A_157 = vector.shape_cast %swap3A_156 : vector<1x16xf32> to vector<16xf32>
        %swap3A_158 = vector.shape_cast %add3A_153 : vector<16xf32> to vector<1x16xf32>
        tpu.vector_store %arg9[%swap3A_154, %swap3A_155], %swap3A_158 {strides = array<i32>} : memref<128x128xf32, #tpu.memory_space<vmem>>, vector<1x16xf32>,
        %get3A_159 = arith.index_cast %scan3A_62 : i32 to index
        %get3A_160 = arith.constant 112 : index
        %get3A_161 = tpu.vector_load %arg9[%get3A_159, %get3A_160] {strides = array<i32>} : memref<128x128xf32, #tpu.memory_space<vmem>>, vector<1x16xf32>,
        %get3A_162 = vector.shape_cast %get3A_161 : vector<1x16xf32> to vector<16xf32>
        %get3A_163 = arith.index_cast %scan3A_62 : i32 to index
        %get3A_164 = arith.constant 112 : index
        %get3A_165 = tpu.vector_load %arg10[%get3A_163, %get3A_164] {strides = array<i32>} : memref<128x128xf32, #tpu.memory_space<vmem>>, vector<1x16xf32>,
        %get3A_166 = vector.shape_cast %get3A_165 : vector<1x16xf32> to vector<16xf32>
        %add3A_167 = arith.addf %get3A_162, %get3A_166 : vector<16xf32>
        %swap3A_168 = arith.index_cast %scan3A_62 : i32 to index
        %swap3A_169 = arith.constant 112 : index
        %swap3A_170 = tpu.vector_load %arg9[%swap3A_168, %swap3A_169] {strides = array<i32>} : memref<128x128xf32, #tpu.memory_space<vmem>>, vector<1x16xf32>,
        %swap3A_171 = vector.shape_cast %swap3A_170 : vector<1x16xf32> to vector<16xf32>
        %swap3A_172 = vector.shape_cast %add3A_167 : vector<16xf32> to vector<1x16xf32>
        tpu.vector_store %arg9[%swap3A_168, %swap3A_169], %swap3A_172 {strides = array<i32>} : memref<128x128xf32, #tpu.memory_space<vmem>>, vector<1x16xf32>,
      }
      %scan3A_39 = arith.constant 128 : i32
      %mul3A_40 = arith.constant 128 : i32
      %mul3A_41 = arith.muli %mul3A_17, %mul3A_40 : i32
      %add3A_42 = arith.addi %mul3A_2, %mul3A_41 : i32
      "tpu.region"() ({
        %run_scoped3A = tpu.sem_alloc : memref<!tpu.dma_semaphore, #tpu.memory_space<semaphore_mem>>
        %dma_start3A_62 = arith.constant 0 : i32
        %dma_start3A_63 = tpu.memref_slice %arg6[%add3A_42, %dma_start3A_62] : memref<81920x128xf32, #tpu.memory_space<hbm>> -> memref<128x128xf32, #tpu.memory_space<hbm>>
        %dma_start3A_64 = arith.constant 0 : i32
        %dma_start3A_65 = tpu.memref_slice %arg6[%add3A_42, %dma_start3A_64] : memref<81920x128xf32, #tpu.memory_space<hbm>> -> memref<128x128xf32, #tpu.memory_space<hbm>>
        tpu.enqueue_dma source(%arg9 : memref<128x128xf32, #tpu.memory_space<vmem>>) target(%dma_start3A_65 : memref<128x128xf32, #tpu.memory_space<hbm>>) target_semaphore(%run_scoped3A : memref<!tpu.dma_semaphore, #tpu.memory_space<semaphore_mem>>)
        %dma_wait3A_66 = arith.constant 0 : i32
        %dma_wait3A_67 = tpu.memref_slice %arg6[%add3A_42, %dma_wait3A_66] : memref<81920x128xf32, #tpu.memory_space<hbm>> -> memref<128x128xf32, #tpu.memory_space<hbm>>
        %dma_wait3A_68 = arith.constant 0 : i32
        %dma_wait3A_69 = tpu.memref_slice %arg6[%add3A_42, %dma_wait3A_68] : memref<81920x128xf32, #tpu.memory_space<hbm>> -> memref<128x128xf32, #tpu.memory_space<hbm>>
        tpu.wait_dma2 semaphore(%run_scoped3A : memref<!tpu.dma_semaphore, #tpu.memory_space<semaphore_mem>>) src(%arg9 : memref<128x128xf32, #tpu.memory_space<vmem>>) dst(%dma_wait3A_69 : memref<128x128xf32, #tpu.memory_space<hbm>>)
        tpu.yield
      }) : () -> ()
      %lt3A = arith.constant 9 : i32
      %lt3A_43 = arith.cmpi slt, %scan3A_15, %lt3A : i32
      %convert_element_type3A = arith.extui %lt3A_43 : i1 to i32
      %cond3A = arith.constant 0 : i32
      %cond3A_44 = arith.cmpi ne, %convert_element_type3A, %cond3A : i32
      scf.if %cond3A_44 {
        %add3A_62 = arith.constant 2 : i32
        %add3A_63 = arith.addi %mul3A_17, %add3A_62 : i32
        %mul3A_64 = arith.constant 128 : i32
        %mul3A_65 = arith.muli %add3A_63, %mul3A_64 : i32
        %add3A_66 = arith.addi %mul3A_2, %mul3A_65 : i32
        "tpu.region"() ({
          %run_scoped3A = tpu.sem_alloc : memref<!tpu.dma_semaphore, #tpu.memory_space<semaphore_mem>>
          %dma_start3A_73 = tpu.memref_slice %arg2[%add3A_66] : memref<81920xi32, #tpu.memory_space<hbm>> -> memref<128xi32, #tpu.memory_space<hbm>>
          %dma_start3A_74 = tpu.memref_slice %arg2[%add3A_66] : memref<81920xi32, #tpu.memory_space<hbm>> -> memref<128xi32, #tpu.memory_space<hbm>>
          tpu.enqueue_dma source(%dma_start3A_74 : memref<128xi32, #tpu.memory_space<hbm>>) target(%arg7 : memref<128xi32, #tpu.memory_space<vmem>>) target_semaphore(%run_scoped3A : memref<!tpu.dma_semaphore, #tpu.memory_space<semaphore_mem>>)
          %dma_wait3A_75 = tpu.memref_slice %arg2[%add3A_66] : memref<81920xi32, #tpu.memory_space<hbm>> -> memref<128xi32, #tpu.memory_space<hbm>>
          %dma_wait3A_76 = tpu.memref_slice %arg2[%add3A_66] : memref<81920xi32, #tpu.memory_space<hbm>> -> memref<128xi32, #tpu.memory_space<hbm>>
          tpu.wait_dma2 semaphore(%run_scoped3A : memref<!tpu.dma_semaphore, #tpu.memory_space<semaphore_mem>>) src(%dma_wait3A_76 : memref<128xi32, #tpu.memory_space<hbm>>) dst(%arg7 : memref<128xi32, #tpu.memory_space<vmem>>)
          tpu.yield
        }) : () -> ()
        "tpu.region"() ({
          %run_scoped3A = tpu.sem_alloc : memref<!tpu.dma_semaphore, #tpu.memory_space<semaphore_mem>>
          %dma_start3A_73 = tpu.memref_slice %arg3[%add3A_66] : memref<81920xi32, #tpu.memory_space<hbm>> -> memref<128xi32, #tpu.memory_space<hbm>>
          %dma_start3A_74 = tpu.memref_slice %arg3[%add3A_66] : memref<81920xi32, #tpu.memory_space<hbm>> -> memref<128xi32, #tpu.memory_space<hbm>>
          tpu.enqueue_dma source(%dma_start3A_74 : memref<128xi32, #tpu.memory_space<hbm>>) target(%arg8 : memref<128xi32, #tpu.memory_space<vmem>>) target_semaphore(%run_scoped3A : memref<!tpu.dma_semaphore, #tpu.memory_space<semaphore_mem>>)
          %dma_wait3A_75 = tpu.memref_slice %arg3[%add3A_66] : memref<81920xi32, #tpu.memory_space<hbm>> -> memref<128xi32, #tpu.memory_space<hbm>>
          %dma_wait3A_76 = tpu.memref_slice %arg3[%add3A_66] : memref<81920xi32, #tpu.memory_space<hbm>> -> memref<128xi32, #tpu.memory_space<hbm>>
          tpu.wait_dma2 semaphore(%run_scoped3A : memref<!tpu.dma_semaphore, #tpu.memory_space<semaphore_mem>>) src(%dma_wait3A_76 : memref<128xi32, #tpu.memory_space<hbm>>) dst(%arg8 : memref<128xi32, #tpu.memory_space<vmem>>)
          tpu.yield
        }) : () -> ()
        %dma_start3A_67 = arith.constant 0 : i32
        %dma_start3A_68 = arith.constant 0 : i32
        %dma_start3A_69 = tpu.memref_slice %arg4[%dma_start3A_67, %dma_start3A_68] : memref<10000x128xf32, #tpu.memory_space<hbm>> -> memref<10000x128xf32, #tpu.memory_space<hbm>>
        tpu.enqueue_indirect_dma source(%dma_start3A_69 : memref<10000x128xf32, #tpu.memory_space<hbm>>) target(%arg9 : memref<128x128xf32, #tpu.memory_space<vmem>>) offsets(%arg7 : memref<128xi32, #tpu.memory_space<vmem>>) semaphore(%arg15 : memref<!tpu.dma_semaphore, #tpu.memory_space<semaphore_mem>>)
        %dma_start3A_70 = arith.constant 0 : i32
        %dma_start3A_71 = arith.constant 0 : i32
        %dma_start3A_72 = tpu.memref_slice %arg5[%dma_start3A_70, %dma_start3A_71] : memref<10000x128xf32, #tpu.memory_space<hbm>> -> memref<10000x128xf32, #tpu.memory_space<hbm>>
        tpu.enqueue_indirect_dma source(%dma_start3A_72 : memref<10000x128xf32, #tpu.memory_space<hbm>>) target(%arg10 : memref<128x128xf32, #tpu.memory_space<vmem>>) offsets(%arg8 : memref<128xi32, #tpu.memory_space<vmem>>) semaphore(%arg15 : memref<!tpu.dma_semaphore, #tpu.memory_space<semaphore_mem>>)
      } else {
      }
      %dma_wait3A_45 = arith.constant 0 : i32
      %dma_wait3A_46 = arith.constant 0 : i32
      %dma_wait3A_47 = tpu.memref_slice %arg4[%dma_wait3A_45, %dma_wait3A_46] : memref<10000x128xf32, #tpu.memory_space<hbm>> -> memref<10000x128xf32, #tpu.memory_space<hbm>>
      tpu.wait_indirect_dma semaphore(%arg16 : memref<!tpu.dma_semaphore, #tpu.memory_space<semaphore_mem>>) src(%dma_wait3A_47 : memref<10000x128xf32, #tpu.memory_space<hbm>>) dst(%arg13 : memref<128x128xf32, #tpu.memory_space<vmem>>)
      %dma_wait3A_48 = arith.constant 0 : i32
      %dma_wait3A_49 = arith.constant 0 : i32
      %dma_wait3A_50 = tpu.memref_slice %arg5[%dma_wait3A_48, %dma_wait3A_49] : memref<10000x128xf32, #tpu.memory_space<hbm>> -> memref<10000x128xf32, #tpu.memory_space<hbm>>
      tpu.wait_indirect_dma semaphore(%arg16 : memref<!tpu.dma_semaphore, #tpu.memory_space<semaphore_mem>>) src(%dma_wait3A_50 : memref<10000x128xf32, #tpu.memory_space<hbm>>) dst(%arg14 : memref<128x128xf32, #tpu.memory_space<vmem>>)
      %scan3A_51 = arith.constant 0 : i32
      %scan3A_52 = arith.constant 0 : i32
      %scan3A_53 = arith.constant 128 : i32
      %scan3A_54 = arith.addi %scan3A_52, %scan3A_53 : i32
      %scan3A_55 = arith.constant 1 : i32
      scf.for %scan3A_62 = %scan3A_52 to %scan3A_54 step %scan3A_55  : i32 {
        %get3A = arith.index_cast %scan3A_62 : i32 to index
        %get3A_63 = arith.constant 0 : index
        %get3A_64 = tpu.vector_load %arg13[%get3A, %get3A_63] {strides = array<i32>} : memref<128x128xf32, #tpu.memory_space<vmem>>, vector<1x16xf32>,
        %get3A_65 = vector.shape_cast %get3A_64 : vector<1x16xf32> to vector<16xf32>
        %get3A_66 = arith.index_cast %scan3A_62 : i32 to index
        %get3A_67 = arith.constant 0 : index
        %get3A_68 = tpu.vector_load %arg14[%get3A_66, %get3A_67] {strides = array<i32>} : memref<128x128xf32, #tpu.memory_space<vmem>>, vector<1x16xf32>,
        %get3A_69 = vector.shape_cast %get3A_68 : vector<1x16xf32> to vector<16xf32>
        %add3A_70 = arith.addf %get3A_65, %get3A_69 : vector<16xf32>
        %swap3A = arith.index_cast %scan3A_62 : i32 to index
        %swap3A_71 = arith.constant 0 : index
        %swap3A_72 = tpu.vector_load %arg13[%swap3A, %swap3A_71] {strides = array<i32>} : memref<128x128xf32, #tpu.memory_space<vmem>>, vector<1x16xf32>,
        %swap3A_73 = vector.shape_cast %swap3A_72 : vector<1x16xf32> to vector<16xf32>
        %swap3A_74 = vector.shape_cast %add3A_70 : vector<16xf32> to vector<1x16xf32>
        tpu.vector_store %arg13[%swap3A, %swap3A_71], %swap3A_74 {strides = array<i32>} : memref<128x128xf32, #tpu.memory_space<vmem>>, vector<1x16xf32>,
        %get3A_75 = arith.index_cast %scan3A_62 : i32 to index
        %get3A_76 = arith.constant 16 : index
        %get3A_77 = tpu.vector_load %arg13[%get3A_75, %get3A_76] {strides = array<i32>} : memref<128x128xf32, #tpu.memory_space<vmem>>, vector<1x16xf32>,
        %get3A_78 = vector.shape_cast %get3A_77 : vector<1x16xf32> to vector<16xf32>
        %get3A_79 = arith.index_cast %scan3A_62 : i32 to index
        %get3A_80 = arith.constant 16 : index
        %get3A_81 = tpu.vector_load %arg14[%get3A_79, %get3A_80] {strides = array<i32>} : memref<128x128xf32, #tpu.memory_space<vmem>>, vector<1x16xf32>,
        %get3A_82 = vector.shape_cast %get3A_81 : vector<1x16xf32> to vector<16xf32>
        %add3A_83 = arith.addf %get3A_78, %get3A_82 : vector<16xf32>
        %swap3A_84 = arith.index_cast %scan3A_62 : i32 to index
        %swap3A_85 = arith.constant 16 : index
        %swap3A_86 = tpu.vector_load %arg13[%swap3A_84, %swap3A_85] {strides = array<i32>} : memref<128x128xf32, #tpu.memory_space<vmem>>, vector<1x16xf32>,
        %swap3A_87 = vector.shape_cast %swap3A_86 : vector<1x16xf32> to vector<16xf32>
        %swap3A_88 = vector.shape_cast %add3A_83 : vector<16xf32> to vector<1x16xf32>
        tpu.vector_store %arg13[%swap3A_84, %swap3A_85], %swap3A_88 {strides = array<i32>} : memref<128x128xf32, #tpu.memory_space<vmem>>, vector<1x16xf32>,
        %get3A_89 = arith.index_cast %scan3A_62 : i32 to index
        %get3A_90 = arith.constant 32 : index
        %get3A_91 = tpu.vector_load %arg13[%get3A_89, %get3A_90] {strides = array<i32>} : memref<128x128xf32, #tpu.memory_space<vmem>>, vector<1x16xf32>,
        %get3A_92 = vector.shape_cast %get3A_91 : vector<1x16xf32> to vector<16xf32>
        %get3A_93 = arith.index_cast %scan3A_62 : i32 to index
        %get3A_94 = arith.constant 32 : index
        %get3A_95 = tpu.vector_load %arg14[%get3A_93, %get3A_94] {strides = array<i32>} : memref<128x128xf32, #tpu.memory_space<vmem>>, vector<1x16xf32>,
        %get3A_96 = vector.shape_cast %get3A_95 : vector<1x16xf32> to vector<16xf32>
        %add3A_97 = arith.addf %get3A_92, %get3A_96 : vector<16xf32>
        %swap3A_98 = arith.index_cast %scan3A_62 : i32 to index
        %swap3A_99 = arith.constant 32 : index
        %swap3A_100 = tpu.vector_load %arg13[%swap3A_98, %swap3A_99] {strides = array<i32>} : memref<128x128xf32, #tpu.memory_space<vmem>>, vector<1x16xf32>,
        %swap3A_101 = vector.shape_cast %swap3A_100 : vector<1x16xf32> to vector<16xf32>
        %swap3A_102 = vector.shape_cast %add3A_97 : vector<16xf32> to vector<1x16xf32>
        tpu.vector_store %arg13[%swap3A_98, %swap3A_99], %swap3A_102 {strides = array<i32>} : memref<128x128xf32, #tpu.memory_space<vmem>>, vector<1x16xf32>,
        %get3A_103 = arith.index_cast %scan3A_62 : i32 to index
        %get3A_104 = arith.constant 48 : index
        %get3A_105 = tpu.vector_load %arg13[%get3A_103, %get3A_104] {strides = array<i32>} : memref<128x128xf32, #tpu.memory_space<vmem>>, vector<1x16xf32>,
        %get3A_106 = vector.shape_cast %get3A_105 : vector<1x16xf32> to vector<16xf32>
        %get3A_107 = arith.index_cast %scan3A_62 : i32 to index
        %get3A_108 = arith.constant 48 : index
        %get3A_109 = tpu.vector_load %arg14[%get3A_107, %get3A_108] {strides = array<i32>} : memref<128x128xf32, #tpu.memory_space<vmem>>, vector<1x16xf32>,
        %get3A_110 = vector.shape_cast %get3A_109 : vector<1x16xf32> to vector<16xf32>
        %add3A_111 = arith.addf %get3A_106, %get3A_110 : vector<16xf32>
        %swap3A_112 = arith.index_cast %scan3A_62 : i32 to index
        %swap3A_113 = arith.constant 48 : index
        %swap3A_114 = tpu.vector_load %arg13[%swap3A_112, %swap3A_113] {strides = array<i32>} : memref<128x128xf32, #tpu.memory_space<vmem>>, vector<1x16xf32>,
        %swap3A_115 = vector.shape_cast %swap3A_114 : vector<1x16xf32> to vector<16xf32>
        %swap3A_116 = vector.shape_cast %add3A_111 : vector<16xf32> to vector<1x16xf32>
        tpu.vector_store %arg13[%swap3A_112, %swap3A_113], %swap3A_116 {strides = array<i32>} : memref<128x128xf32, #tpu.memory_space<vmem>>, vector<1x16xf32>,
        %get3A_117 = arith.index_cast %scan3A_62 : i32 to index
        %get3A_118 = arith.constant 64 : index
        %get3A_119 = tpu.vector_load %arg13[%get3A_117, %get3A_118] {strides = array<i32>} : memref<128x128xf32, #tpu.memory_space<vmem>>, vector<1x16xf32>,
        %get3A_120 = vector.shape_cast %get3A_119 : vector<1x16xf32> to vector<16xf32>
        %get3A_121 = arith.index_cast %scan3A_62 : i32 to index
        %get3A_122 = arith.constant 64 : index
        %get3A_123 = tpu.vector_load %arg14[%get3A_121, %get3A_122] {strides = array<i32>} : memref<128x128xf32, #tpu.memory_space<vmem>>, vector<1x16xf32>,
        %get3A_124 = vector.shape_cast %get3A_123 : vector<1x16xf32> to vector<16xf32>
        %add3A_125 = arith.addf %get3A_120, %get3A_124 : vector<16xf32>
        %swap3A_126 = arith.index_cast %scan3A_62 : i32 to index
        %swap3A_127 = arith.constant 64 : index
        %swap3A_128 = tpu.vector_load %arg13[%swap3A_126, %swap3A_127] {strides = array<i32>} : memref<128x128xf32, #tpu.memory_space<vmem>>, vector<1x16xf32>,
        %swap3A_129 = vector.shape_cast %swap3A_128 : vector<1x16xf32> to vector<16xf32>
        %swap3A_130 = vector.shape_cast %add3A_125 : vector<16xf32> to vector<1x16xf32>
        tpu.vector_store %arg13[%swap3A_126, %swap3A_127], %swap3A_130 {strides = array<i32>} : memref<128x128xf32, #tpu.memory_space<vmem>>, vector<1x16xf32>,
        %get3A_131 = arith.index_cast %scan3A_62 : i32 to index
        %get3A_132 = arith.constant 80 : index
        %get3A_133 = tpu.vector_load %arg13[%get3A_131, %get3A_132] {strides = array<i32>} : memref<128x128xf32, #tpu.memory_space<vmem>>, vector<1x16xf32>,
        %get3A_134 = vector.shape_cast %get3A_133 : vector<1x16xf32> to vector<16xf32>
        %get3A_135 = arith.index_cast %scan3A_62 : i32 to index
        %get3A_136 = arith.constant 80 : index
        %get3A_137 = tpu.vector_load %arg14[%get3A_135, %get3A_136] {strides = array<i32>} : memref<128x128xf32, #tpu.memory_space<vmem>>, vector<1x16xf32>,
        %get3A_138 = vector.shape_cast %get3A_137 : vector<1x16xf32> to vector<16xf32>
        %add3A_139 = arith.addf %get3A_134, %get3A_138 : vector<16xf32>
        %swap3A_140 = arith.index_cast %scan3A_62 : i32 to index
        %swap3A_141 = arith.constant 80 : index
        %swap3A_142 = tpu.vector_load %arg13[%swap3A_140, %swap3A_141] {strides = array<i32>} : memref<128x128xf32, #tpu.memory_space<vmem>>, vector<1x16xf32>,
        %swap3A_143 = vector.shape_cast %swap3A_142 : vector<1x16xf32> to vector<16xf32>
        %swap3A_144 = vector.shape_cast %add3A_139 : vector<16xf32> to vector<1x16xf32>
        tpu.vector_store %arg13[%swap3A_140, %swap3A_141], %swap3A_144 {strides = array<i32>} : memref<128x128xf32, #tpu.memory_space<vmem>>, vector<1x16xf32>,
        %get3A_145 = arith.index_cast %scan3A_62 : i32 to index
        %get3A_146 = arith.constant 96 : index
        %get3A_147 = tpu.vector_load %arg13[%get3A_145, %get3A_146] {strides = array<i32>} : memref<128x128xf32, #tpu.memory_space<vmem>>, vector<1x16xf32>,
        %get3A_148 = vector.shape_cast %get3A_147 : vector<1x16xf32> to vector<16xf32>
        %get3A_149 = arith.index_cast %scan3A_62 : i32 to index
        %get3A_150 = arith.constant 96 : index
        %get3A_151 = tpu.vector_load %arg14[%get3A_149, %get3A_150] {strides = array<i32>} : memref<128x128xf32, #tpu.memory_space<vmem>>, vector<1x16xf32>,
        %get3A_152 = vector.shape_cast %get3A_151 : vector<1x16xf32> to vector<16xf32>
        %add3A_153 = arith.addf %get3A_148, %get3A_152 : vector<16xf32>
        %swap3A_154 = arith.index_cast %scan3A_62 : i32 to index
        %swap3A_155 = arith.constant 96 : index
        %swap3A_156 = tpu.vector_load %arg13[%swap3A_154, %swap3A_155] {strides = array<i32>} : memref<128x128xf32, #tpu.memory_space<vmem>>, vector<1x16xf32>,
        %swap3A_157 = vector.shape_cast %swap3A_156 : vector<1x16xf32> to vector<16xf32>
        %swap3A_158 = vector.shape_cast %add3A_153 : vector<16xf32> to vector<1x16xf32>
        tpu.vector_store %arg13[%swap3A_154, %swap3A_155], %swap3A_158 {strides = array<i32>} : memref<128x128xf32, #tpu.memory_space<vmem>>, vector<1x16xf32>,
        %get3A_159 = arith.index_cast %scan3A_62 : i32 to index
        %get3A_160 = arith.constant 112 : index
        %get3A_161 = tpu.vector_load %arg13[%get3A_159, %get3A_160] {strides = array<i32>} : memref<128x128xf32, #tpu.memory_space<vmem>>, vector<1x16xf32>,
        %get3A_162 = vector.shape_cast %get3A_161 : vector<1x16xf32> to vector<16xf32>
        %get3A_163 = arith.index_cast %scan3A_62 : i32 to index
        %get3A_164 = arith.constant 112 : index
        %get3A_165 = tpu.vector_load %arg14[%get3A_163, %get3A_164] {strides = array<i32>} : memref<128x128xf32, #tpu.memory_space<vmem>>, vector<1x16xf32>,
        %get3A_166 = vector.shape_cast %get3A_165 : vector<1x16xf32> to vector<16xf32>
        %add3A_167 = arith.addf %get3A_162, %get3A_166 : vector<16xf32>
        %swap3A_168 = arith.index_cast %scan3A_62 : i32 to index
        %swap3A_169 = arith.constant 112 : index
        %swap3A_170 = tpu.vector_load %arg13[%swap3A_168, %swap3A_169] {strides = array<i32>} : memref<128x128xf32, #tpu.memory_space<vmem>>, vector<1x16xf32>,
        %swap3A_171 = vector.shape_cast %swap3A_170 : vector<1x16xf32> to vector<16xf32>
        %swap3A_172 = vector.shape_cast %add3A_167 : vector<16xf32> to vector<1x16xf32>
        tpu.vector_store %arg13[%swap3A_168, %swap3A_169], %swap3A_172 {strides = array<i32>} : memref<128x128xf32, #tpu.memory_space<vmem>>, vector<1x16xf32>,
      }
      %scan3A_56 = arith.constant 128 : i32
      %add3A_57 = arith.constant 1 : i32
      %add3A_58 = arith.addi %mul3A_17, %add3A_57 : i32
      %mul3A_59 = arith.constant 128 : i32
      %mul3A_60 = arith.muli %add3A_58, %mul3A_59 : i32
      %add3A_61 = arith.addi %mul3A_2, %mul3A_60 : i32
      "tpu.region"() ({
        %run_scoped3A = tpu.sem_alloc : memref<!tpu.dma_semaphore, #tpu.memory_space<semaphore_mem>>
        %dma_start3A_62 = arith.constant 0 : i32
        %dma_start3A_63 = tpu.memref_slice %arg6[%add3A_61, %dma_start3A_62] : memref<81920x128xf32, #tpu.memory_space<hbm>> -> memref<128x128xf32, #tpu.memory_space<hbm>>
        %dma_start3A_64 = arith.constant 0 : i32
        %dma_start3A_65 = tpu.memref_slice %arg6[%add3A_61, %dma_start3A_64] : memref<81920x128xf32, #tpu.memory_space<hbm>> -> memref<128x128xf32, #tpu.memory_space<hbm>>
        tpu.enqueue_dma source(%arg13 : memref<128x128xf32, #tpu.memory_space<vmem>>) target(%dma_start3A_65 : memref<128x128xf32, #tpu.memory_space<hbm>>) target_semaphore(%run_scoped3A : memref<!tpu.dma_semaphore, #tpu.memory_space<semaphore_mem>>)
        %dma_wait3A_66 = arith.constant 0 : i32
        %dma_wait3A_67 = tpu.memref_slice %arg6[%add3A_61, %dma_wait3A_66] : memref<81920x128xf32, #tpu.memory_space<hbm>> -> memref<128x128xf32, #tpu.memory_space<hbm>>
        %dma_wait3A_68 = arith.constant 0 : i32
        %dma_wait3A_69 = tpu.memref_slice %arg6[%add3A_61, %dma_wait3A_68] : memref<81920x128xf32, #tpu.memory_space<hbm>> -> memref<128x128xf32, #tpu.memory_space<hbm>>
        tpu.wait_dma2 semaphore(%run_scoped3A : memref<!tpu.dma_semaphore, #tpu.memory_space<semaphore_mem>>) src(%arg13 : memref<128x128xf32, #tpu.memory_space<vmem>>) dst(%dma_wait3A_69 : memref<128x128xf32, #tpu.memory_space<hbm>>)
        tpu.yield
      }) : () -> ()
    }
    %scan3A_14 = arith.constant 10 : i32
    return
  }
}

#map = affine_map<(d0, d1) -> (0)>
#map1 = affine_map<(d0, d1) -> (0, 0)>
module attributes {stable_mosaic.version = 14 : i64} {
  func.func @_gather_body(%arg0: i32, %arg1: i32, %arg2: memref<81920xi32, #tpu.memory_space<hbm>>, %arg3: memref<81920xi32, #tpu.memory_space<hbm>>, %arg4: memref<10000x128xf32, #tpu.memory_space<hbm>>, %arg5: memref<10000x128xf32, #tpu.memory_space<hbm>>, %arg6: memref<81920x128xf32, #tpu.memory_space<hbm>>, %arg7: memref<128xi32, #tpu.memory_space<vmem>>, %arg8: memref<128xi32, #tpu.memory_space<vmem>>, %arg9: memref<128x128xf32, #tpu.memory_space<vmem>>, %arg10: memref<128x128xf32, #tpu.memory_space<vmem>>, %arg11: memref<128xi32, #tpu.memory_space<vmem>>, %arg12: memref<128xi32, #tpu.memory_space<vmem>>, %arg13: memref<128x128xf32, #tpu.memory_space<vmem>>, %arg14: memref<128x128xf32, #tpu.memory_space<vmem>>, %arg15: memref<!tpu.dma_semaphore, #tpu.memory_space<semaphore_mem>>, %arg16: memref<!tpu.dma_semaphore, #tpu.memory_space<semaphore_mem>>) attributes {dimension_semantics = [#tpu.dimension_semantics<core_parallel>, #tpu.dimension_semantics<subcore_parallel>], iteration_bounds = array<i64: 2, 16>, scalar_prefetch = 0 : i64, scratch_operands = 10 : i64, tpu.core_type = #tpu.core_type<sc_vector_subcore>, window_params = [{transform_indices = #map}, {transform_indices = #map}, {transform_indices = #map1}, {transform_indices = #map1}, {transform_indices = #map1}]} {
    %mul3A = arith.constant 2 : i32
    %mul3A_0 = arith.muli %arg1, %mul3A : i32
    %add3A = arith.addi %mul3A_0, %arg0 : i32
    %mul3A_1 = arith.constant 2560 : i32
    %mul3A_2 = arith.muli %add3A, %mul3A_1 : i32
    %add3A_3 = arith.constant 0 : i32
    %add3A_4 = arith.addi %mul3A_2, %add3A_3 : i32
    "tpu.region"() ({
      %run_scoped3A = tpu.sem_alloc : memref<!tpu.dma_semaphore, #tpu.memory_space<semaphore_mem>>
      %dma_start3A_15 = tpu.memref_slice %arg2[%add3A_4] : memref<81920xi32, #tpu.memory_space<hbm>> -> memref<128xi32, #tpu.memory_space<hbm>>
      %dma_start3A_16 = tpu.memref_slice %arg2[%add3A_4] : memref<81920xi32, #tpu.memory_space<hbm>> -> memref<128xi32, #tpu.memory_space<hbm>>
      tpu.enqueue_dma source(%dma_start3A_16 : memref<128xi32, #tpu.memory_space<hbm>>) target(%arg7 : memref<128xi32, #tpu.memory_space<vmem>>) target_semaphore(%run_scoped3A : memref<!tpu.dma_semaphore, #tpu.memory_space<semaphore_mem>>)
      %dma_wait3A = tpu.memref_slice %arg2[%add3A_4] : memref<81920xi32, #tpu.memory_space<hbm>> -> memref<128xi32, #tpu.memory_space<hbm>>
      %dma_wait3A_17 = tpu.memref_slice %arg2[%add3A_4] : memref<81920xi32, #tpu.memory_space<hbm>> -> memref<128xi32, #tpu.memory_space<hbm>>
      tpu.wait_dma2 semaphore(%run_scoped3A : memref<!tpu.dma_semaphore, #tpu.memory_space<semaphore_mem>>) src(%dma_wait3A_17 : memref<128xi32, #tpu.memory_space<hbm>>) dst(%arg7 : memref<128xi32, #tpu.memory_space<vmem>>)
      tpu.yield
    }) : () -> ()
    "tpu.region"() ({
      %run_scoped3A = tpu.sem_alloc : memref<!tpu.dma_semaphore, #tpu.memory_space<semaphore_mem>>
      %dma_start3A_15 = tpu.memref_slice %arg3[%add3A_4] : memref<81920xi32, #tpu.memory_space<hbm>> -> memref<128xi32, #tpu.memory_space<hbm>>
      %dma_start3A_16 = tpu.memref_slice %arg3[%add3A_4] : memref<81920xi32, #tpu.memory_space<hbm>> -> memref<128xi32, #tpu.memory_space<hbm>>
      tpu.enqueue_dma source(%dma_start3A_16 : memref<128xi32, #tpu.memory_space<hbm>>) target(%arg8 : memref<128xi32, #tpu.memory_space<vmem>>) target_semaphore(%run_scoped3A : memref<!tpu.dma_semaphore, #tpu.memory_space<semaphore_mem>>)
      %dma_wait3A = tpu.memref_slice %arg3[%add3A_4] : memref<81920xi32, #tpu.memory_space<hbm>> -> memref<128xi32, #tpu.memory_space<hbm>>
      %dma_wait3A_17 = tpu.memref_slice %arg3[%add3A_4] : memref<81920xi32, #tpu.memory_space<hbm>> -> memref<128xi32, #tpu.memory_space<hbm>>
      tpu.wait_dma2 semaphore(%run_scoped3A : memref<!tpu.dma_semaphore, #tpu.memory_space<semaphore_mem>>) src(%dma_wait3A_17 : memref<128xi32, #tpu.memory_space<hbm>>) dst(%arg8 : memref<128xi32, #tpu.memory_space<vmem>>)
      tpu.yield
    }) : () -> ()
    %dma_start3A = arith.constant 0 : i32
    %dma_start3A_5 = arith.constant 0 : i32
    %dma_start3A_6 = tpu.memref_slice %arg4[%dma_start3A, %dma_start3A_5] : memref<10000x128xf32, #tpu.memory_space<hbm>> -> memref<10000x128xf32, #tpu.memory_space<hbm>>
    tpu.enqueue_indirect_dma source(%dma_start3A_6 : memref<10000x128xf32, #tpu.memory_space<hbm>>) target(%arg9 : memref<128x128xf32, #tpu.memory_space<vmem>>) offsets(%arg7 : memref<128xi32, #tpu.memory_space<vmem>>) semaphore(%arg15 : memref<!tpu.dma_semaphore, #tpu.memory_space<semaphore_mem>>)
    %dma_start3A_7 = arith.constant 0 : i32
    %dma_start3A_8 = arith.constant 0 : i32
    %dma_start3A_9 = tpu.memref_slice %arg5[%dma_start3A_7, %dma_start3A_8] : memref<10000x128xf32, #tpu.memory_space<hbm>> -> memref<10000x128xf32, #tpu.memory_space<hbm>>
    tpu.enqueue_indirect_dma source(%dma_start3A_9 : memref<10000x128xf32, #tpu.memory_space<hbm>>) target(%arg10 : memref<128x128xf32, #tpu.memory_space<vmem>>) offsets(%arg8 : memref<128xi32, #tpu.memory_space<vmem>>) semaphore(%arg15 : memref<!tpu.dma_semaphore, #tpu.memory_space<semaphore_mem>>)
    %scan3A = arith.constant 0 : i32
    %scan3A_10 = arith.constant 0 : i32
    %scan3A_11 = arith.constant 10 : i32
    %scan3A_12 = arith.addi %scan3A_10, %scan3A_11 : i32
    %scan3A_13 = arith.constant 1 : i32
    scf.for %scan3A_15 = %scan3A_10 to %scan3A_12 step %scan3A_13  : i32 {
      %mul3A_16 = arith.constant 2 : i32
      %mul3A_17 = arith.muli %mul3A_16, %scan3A_15 : i32
      %add3A_18 = arith.constant 1 : i32
      %add3A_19 = arith.addi %mul3A_17, %add3A_18 : i32
      %mul3A_20 = arith.constant 128 : i32
      %mul3A_21 = arith.muli %add3A_19, %mul3A_20 : i32
      %add3A_22 = arith.addi %mul3A_2, %mul3A_21 : i32
      "tpu.region"() ({
        %run_scoped3A = tpu.sem_alloc : memref<!tpu.dma_semaphore, #tpu.memory_space<semaphore_mem>>
        %dma_start3A_62 = tpu.memref_slice %arg2[%add3A_22] : memref<81920xi32, #tpu.memory_space<hbm>> -> memref<128xi32, #tpu.memory_space<hbm>>
        %dma_start3A_63 = tpu.memref_slice %arg2[%add3A_22] : memref<81920xi32, #tpu.memory_space<hbm>> -> memref<128xi32, #tpu.memory_space<hbm>>
        tpu.enqueue_dma source(%dma_start3A_63 : memref<128xi32, #tpu.memory_space<hbm>>) target(%arg11 : memref<128xi32, #tpu.memory_space<vmem>>) target_semaphore(%run_scoped3A : memref<!tpu.dma_semaphore, #tpu.memory_space<semaphore_mem>>)
        %dma_wait3A_64 = tpu.memref_slice %arg2[%add3A_22] : memref<81920xi32, #tpu.memory_space<hbm>> -> memref<128xi32, #tpu.memory_space<hbm>>
        %dma_wait3A_65 = tpu.memref_slice %arg2[%add3A_22] : memref<81920xi32, #tpu.memory_space<hbm>> -> memref<128xi32, #tpu.memory_space<hbm>>
        tpu.wait_dma2 semaphore(%run_scoped3A : memref<!tpu.dma_semaphore, #tpu.memory_space<semaphore_mem>>) src(%dma_wait3A_65 : memref<128xi32, #tpu.memory_space<hbm>>) dst(%arg11 : memref<128xi32, #tpu.memory_space<vmem>>)
        tpu.yield
      }) : () -> ()
      "tpu.region"() ({
        %run_scoped3A = tpu.sem_alloc : memref<!tpu.dma_semaphore, #tpu.memory_space<semaphore_mem>>
        %dma_start3A_62 = tpu.memref_slice %arg3[%add3A_22] : memref<81920xi32, #tpu.memory_space<hbm>> -> memref<128xi32, #tpu.memory_space<hbm>>
        %dma_start3A_63 = tpu.memref_slice %arg3[%add3A_22] : memref<81920xi32, #tpu.memory_space<hbm>> -> memref<128xi32, #tpu.memory_space<hbm>>
        tpu.enqueue_dma source(%dma_start3A_63 : memref<128xi32, #tpu.memory_space<hbm>>) target(%arg12 : memref<128xi32, #tpu.memory_space<vmem>>) target_semaphore(%run_scoped3A : memref<!tpu.dma_semaphore, #tpu.memory_space<semaphore_mem>>)
        %dma_wait3A_64 = tpu.memref_slice %arg3[%add3A_22] : memref<81920xi32, #tpu.memory_space<hbm>> -> memref<128xi32, #tpu.memory_space<hbm>>
        %dma_wait3A_65 = tpu.memref_slice %arg3[%add3A_22] : memref<81920xi32, #tpu.memory_space<hbm>> -> memref<128xi32, #tpu.memory_space<hbm>>
        tpu.wait_dma2 semaphore(%run_scoped3A : memref<!tpu.dma_semaphore, #tpu.memory_space<semaphore_mem>>) src(%dma_wait3A_65 : memref<128xi32, #tpu.memory_space<hbm>>) dst(%arg12 : memref<128xi32, #tpu.memory_space<vmem>>)
        tpu.yield
      }) : () -> ()
      %dma_start3A_23 = arith.constant 0 : i32
      %dma_start3A_24 = arith.constant 0 : i32
      %dma_start3A_25 = tpu.memref_slice %arg4[%dma_start3A_23, %dma_start3A_24] : memref<10000x128xf32, #tpu.memory_space<hbm>> -> memref<10000x128xf32, #tpu.memory_space<hbm>>
      tpu.enqueue_indirect_dma source(%dma_start3A_25 : memref<10000x128xf32, #tpu.memory_space<hbm>>) target(%arg13 : memref<128x128xf32, #tpu.memory_space<vmem>>) offsets(%arg11 : memref<128xi32, #tpu.memory_space<vmem>>) semaphore(%arg16 : memref<!tpu.dma_semaphore, #tpu.memory_space<semaphore_mem>>)
      %dma_start3A_26 = arith.constant 0 : i32
      %dma_start3A_27 = arith.constant 0 : i32
      %dma_start3A_28 = tpu.memref_slice %arg5[%dma_start3A_26, %dma_start3A_27] : memref<10000x128xf32, #tpu.memory_space<hbm>> -> memref<10000x128xf32, #tpu.memory_space<hbm>>
      tpu.enqueue_indirect_dma source(%dma_start3A_28 : memref<10000x128xf32, #tpu.memory_space<hbm>>) target(%arg14 : memref<128x128xf32, #tpu.memory_space<vmem>>) offsets(%arg12 : memref<128xi32, #tpu.memory_space<vmem>>) semaphore(%arg16 : memref<!tpu.dma_semaphore, #tpu.memory_space<semaphore_mem>>)
      %dma_wait3A = arith.constant 0 : i32
      %dma_wait3A_29 = arith.constant 0 : i32
      %dma_wait3A_30 = tpu.memref_slice %arg4[%dma_wait3A, %dma_wait3A_29] : memref<10000x128xf32, #tpu.memory_space<hbm>> -> memref<10000x128xf32, #tpu.memory_space<hbm>>
      tpu.wait_indirect_dma semaphore(%arg15 : memref<!tpu.dma_semaphore, #tpu.memory_space<semaphore_mem>>) src(%dma_wait3A_30 : memref<10000x128xf32, #tpu.memory_space<hbm>>) dst(%arg9 : memref<128x128xf32, #tpu.memory_space<vmem>>)
      %dma_wait3A_31 = arith.constant 0 : i32
      %dma_wait3A_32 = arith.constant 0 : i32
      %dma_wait3A_33 = tpu.memref_slice %arg5[%dma_wait3A_31, %dma_wait3A_32] : memref<10000x128xf32, #tpu.memory_space<hbm>> -> memref<10000x128xf32, #tpu.memory_space<hbm>>
      tpu.wait_indirect_dma semaphore(%arg15 : memref<!tpu.dma_semaphore, #tpu.memory_space<semaphore_mem>>) src(%dma_wait3A_33 : memref<10000x128xf32, #tpu.memory_space<hbm>>) dst(%arg10 : memref<128x128xf32, #tpu.memory_space<vmem>>)
      %scan3A_34 = arith.constant 0 : i32
      %scan3A_35 = arith.constant 0 : i32
      %scan3A_36 = arith.constant 128 : i32
      %scan3A_37 = arith.addi %scan3A_35, %scan3A_36 : i32
      %scan3A_38 = arith.constant 1 : i32
      scf.for %scan3A_62 = %scan3A_35 to %scan3A_37 step %scan3A_38  : i32 {
        %get3A = arith.index_cast %scan3A_62 : i32 to index
        %get3A_63 = arith.constant 0 : index
        %get3A_64 = tpu.vector_load %arg9[%get3A, %get3A_63] {strides = array<i32>} : memref<128x128xf32, #tpu.memory_space<vmem>>, vector<1x16xf32>,
        %get3A_65 = vector.shape_cast %get3A_64 : vector<1x16xf32> to vector<16xf32>
        %get3A_66 = arith.index_cast %scan3A_62 : i32 to index
        %get3A_67 = arith.constant 0 : index
        %get3A_68 = tpu.vector_load %arg10[%get3A_66, %get3A_67] {strides = array<i32>} : memref<128x128xf32, #tpu.memory_space<vmem>>, vector<1x16xf32>,
        %get3A_69 = vector.shape_cast %get3A_68 : vector<1x16xf32> to vector<16xf32>
        %add3A_70 = arith.addf %get3A_65, %get3A_69 : vector<16xf32>
        %swap3A = arith.index_cast %scan3A_62 : i32 to index
        %swap3A_71 = arith.constant 0 : index
        %swap3A_72 = tpu.vector_load %arg9[%swap3A, %swap3A_71] {strides = array<i32>} : memref<128x128xf32, #tpu.memory_space<vmem>>, vector<1x16xf32>,
        %swap3A_73 = vector.shape_cast %swap3A_72 : vector<1x16xf32> to vector<16xf32>
        %swap3A_74 = vector.shape_cast %add3A_70 : vector<16xf32> to vector<1x16xf32>
        tpu.vector_store %arg9[%swap3A, %swap3A_71], %swap3A_74 {strides = array<i32>} : memref<128x128xf32, #tpu.memory_space<vmem>>, vector<1x16xf32>,
        %get3A_75 = arith.index_cast %scan3A_62 : i32 to index
        %get3A_76 = arith.constant 16 : index
        %get3A_77 = tpu.vector_load %arg9[%get3A_75, %get3A_76] {strides = array<i32>} : memref<128x128xf32, #tpu.memory_space<vmem>>, vector<1x16xf32>,
        %get3A_78 = vector.shape_cast %get3A_77 : vector<1x16xf32> to vector<16xf32>
        %get3A_79 = arith.index_cast %scan3A_62 : i32 to index
        %get3A_80 = arith.constant 16 : index
        %get3A_81 = tpu.vector_load %arg10[%get3A_79, %get3A_80] {strides = array<i32>} : memref<128x128xf32, #tpu.memory_space<vmem>>, vector<1x16xf32>,
        %get3A_82 = vector.shape_cast %get3A_81 : vector<1x16xf32> to vector<16xf32>
        %add3A_83 = arith.addf %get3A_78, %get3A_82 : vector<16xf32>
        %swap3A_84 = arith.index_cast %scan3A_62 : i32 to index
        %swap3A_85 = arith.constant 16 : index
        %swap3A_86 = tpu.vector_load %arg9[%swap3A_84, %swap3A_85] {strides = array<i32>} : memref<128x128xf32, #tpu.memory_space<vmem>>, vector<1x16xf32>,
        %swap3A_87 = vector.shape_cast %swap3A_86 : vector<1x16xf32> to vector<16xf32>
        %swap3A_88 = vector.shape_cast %add3A_83 : vector<16xf32> to vector<1x16xf32>
        tpu.vector_store %arg9[%swap3A_84, %swap3A_85], %swap3A_88 {strides = array<i32>} : memref<128x128xf32, #tpu.memory_space<vmem>>, vector<1x16xf32>,
        %get3A_89 = arith.index_cast %scan3A_62 : i32 to index
        %get3A_90 = arith.constant 32 : index
        %get3A_91 = tpu.vector_load %arg9[%get3A_89, %get3A_90] {strides = array<i32>} : memref<128x128xf32, #tpu.memory_space<vmem>>, vector<1x16xf32>,
        %get3A_92 = vector.shape_cast %get3A_91 : vector<1x16xf32> to vector<16xf32>
        %get3A_93 = arith.index_cast %scan3A_62 : i32 to index
        %get3A_94 = arith.constant 32 : index
        %get3A_95 = tpu.vector_load %arg10[%get3A_93, %get3A_94] {strides = array<i32>} : memref<128x128xf32, #tpu.memory_space<vmem>>, vector<1x16xf32>,
        %get3A_96 = vector.shape_cast %get3A_95 : vector<1x16xf32> to vector<16xf32>
        %add3A_97 = arith.addf %get3A_92, %get3A_96 : vector<16xf32>
        %swap3A_98 = arith.index_cast %scan3A_62 : i32 to index
        %swap3A_99 = arith.constant 32 : index
        %swap3A_100 = tpu.vector_load %arg9[%swap3A_98, %swap3A_99] {strides = array<i32>} : memref<128x128xf32, #tpu.memory_space<vmem>>, vector<1x16xf32>,
        %swap3A_101 = vector.shape_cast %swap3A_100 : vector<1x16xf32> to vector<16xf32>
        %swap3A_102 = vector.shape_cast %add3A_97 : vector<16xf32> to vector<1x16xf32>
        tpu.vector_store %arg9[%swap3A_98, %swap3A_99], %swap3A_102 {strides = array<i32>} : memref<128x128xf32, #tpu.memory_space<vmem>>, vector<1x16xf32>,
        %get3A_103 = arith.index_cast %scan3A_62 : i32 to index
        %get3A_104 = arith.constant 48 : index
        %get3A_105 = tpu.vector_load %arg9[%get3A_103, %get3A_104] {strides = array<i32>} : memref<128x128xf32, #tpu.memory_space<vmem>>, vector<1x16xf32>,
        %get3A_106 = vector.shape_cast %get3A_105 : vector<1x16xf32> to vector<16xf32>
        %get3A_107 = arith.index_cast %scan3A_62 : i32 to index
        %get3A_108 = arith.constant 48 : index
        %get3A_109 = tpu.vector_load %arg10[%get3A_107, %get3A_108] {strides = array<i32>} : memref<128x128xf32, #tpu.memory_space<vmem>>, vector<1x16xf32>,
        %get3A_110 = vector.shape_cast %get3A_109 : vector<1x16xf32> to vector<16xf32>
        %add3A_111 = arith.addf %get3A_106, %get3A_110 : vector<16xf32>
        %swap3A_112 = arith.index_cast %scan3A_62 : i32 to index
        %swap3A_113 = arith.constant 48 : index
        %swap3A_114 = tpu.vector_load %arg9[%swap3A_112, %swap3A_113] {strides = array<i32>} : memref<128x128xf32, #tpu.memory_space<vmem>>, vector<1x16xf32>,
        %swap3A_115 = vector.shape_cast %swap3A_114 : vector<1x16xf32> to vector<16xf32>
        %swap3A_116 = vector.shape_cast %add3A_111 : vector<16xf32> to vector<1x16xf32>
        tpu.vector_store %arg9[%swap3A_112, %swap3A_113], %swap3A_116 {strides = array<i32>} : memref<128x128xf32, #tpu.memory_space<vmem>>, vector<1x16xf32>,
        %get3A_117 = arith.index_cast %scan3A_62 : i32 to index
        %get3A_118 = arith.constant 64 : index
        %get3A_119 = tpu.vector_load %arg9[%get3A_117, %get3A_118] {strides = array<i32>} : memref<128x128xf32, #tpu.memory_space<vmem>>, vector<1x16xf32>,
        %get3A_120 = vector.shape_cast %get3A_119 : vector<1x16xf32> to vector<16xf32>
        %get3A_121 = arith.index_cast %scan3A_62 : i32 to index
        %get3A_122 = arith.constant 64 : index
        %get3A_123 = tpu.vector_load %arg10[%get3A_121, %get3A_122] {strides = array<i32>} : memref<128x128xf32, #tpu.memory_space<vmem>>, vector<1x16xf32>,
        %get3A_124 = vector.shape_cast %get3A_123 : vector<1x16xf32> to vector<16xf32>
        %add3A_125 = arith.addf %get3A_120, %get3A_124 : vector<16xf32>
        %swap3A_126 = arith.index_cast %scan3A_62 : i32 to index
        %swap3A_127 = arith.constant 64 : index
        %swap3A_128 = tpu.vector_load %arg9[%swap3A_126, %swap3A_127] {strides = array<i32>} : memref<128x128xf32, #tpu.memory_space<vmem>>, vector<1x16xf32>,
        %swap3A_129 = vector.shape_cast %swap3A_128 : vector<1x16xf32> to vector<16xf32>
        %swap3A_130 = vector.shape_cast %add3A_125 : vector<16xf32> to vector<1x16xf32>
        tpu.vector_store %arg9[%swap3A_126, %swap3A_127], %swap3A_130 {strides = array<i32>} : memref<128x128xf32, #tpu.memory_space<vmem>>, vector<1x16xf32>,
        %get3A_131 = arith.index_cast %scan3A_62 : i32 to index
        %get3A_132 = arith.constant 80 : index
        %get3A_133 = tpu.vector_load %arg9[%get3A_131, %get3A_132] {strides = array<i32>} : memref<128x128xf32, #tpu.memory_space<vmem>>, vector<1x16xf32>,
        %get3A_134 = vector.shape_cast %get3A_133 : vector<1x16xf32> to vector<16xf32>
        %get3A_135 = arith.index_cast %scan3A_62 : i32 to index
        %get3A_136 = arith.constant 80 : index
        %get3A_137 = tpu.vector_load %arg10[%get3A_135, %get3A_136] {strides = array<i32>} : memref<128x128xf32, #tpu.memory_space<vmem>>, vector<1x16xf32>,
        %get3A_138 = vector.shape_cast %get3A_137 : vector<1x16xf32> to vector<16xf32>
        %add3A_139 = arith.addf %get3A_134, %get3A_138 : vector<16xf32>
        %swap3A_140 = arith.index_cast %scan3A_62 : i32 to index
        %swap3A_141 = arith.constant 80 : index
        %swap3A_142 = tpu.vector_load %arg9[%swap3A_140, %swap3A_141] {strides = array<i32>} : memref<128x128xf32, #tpu.memory_space<vmem>>, vector<1x16xf32>,
        %swap3A_143 = vector.shape_cast %swap3A_142 : vector<1x16xf32> to vector<16xf32>
        %swap3A_144 = vector.shape_cast %add3A_139 : vector<16xf32> to vector<1x16xf32>
        tpu.vector_store %arg9[%swap3A_140, %swap3A_141], %swap3A_144 {strides = array<i32>} : memref<128x128xf32, #tpu.memory_space<vmem>>, vector<1x16xf32>,
        %get3A_145 = arith.index_cast %scan3A_62 : i32 to index
        %get3A_146 = arith.constant 96 : index
        %get3A_147 = tpu.vector_load %arg9[%get3A_145, %get3A_146] {strides = array<i32>} : memref<128x128xf32, #tpu.memory_space<vmem>>, vector<1x16xf32>,
        %get3A_148 = vector.shape_cast %get3A_147 : vector<1x16xf32> to vector<16xf32>
        %get3A_149 = arith.index_cast %scan3A_62 : i32 to index
        %get3A_150 = arith.constant 96 : index
        %get3A_151 = tpu.vector_load %arg10[%get3A_149, %get3A_150] {strides = array<i32>} : memref<128x128xf32, #tpu.memory_space<vmem>>, vector<1x16xf32>,
        %get3A_152 = vector.shape_cast %get3A_151 : vector<1x16xf32> to vector<16xf32>
        %add3A_153 = arith.addf %get3A_148, %get3A_152 : vector<16xf32>
        %swap3A_154 = arith.index_cast %scan3A_62 : i32 to index
        %swap3A_155 = arith.constant 96 : index
        %swap3A_156 = tpu.vector_load %arg9[%swap3A_154, %swap3A_155] {strides = array<i32>} : memref<128x128xf32, #tpu.memory_space<vmem>>, vector<1x16xf32>,
        %swap3A_157 = vector.shape_cast %swap3A_156 : vector<1x16xf32> to vector<16xf32>
        %swap3A_158 = vector.shape_cast %add3A_153 : vector<16xf32> to vector<1x16xf32>
        tpu.vector_store %arg9[%swap3A_154, %swap3A_155], %swap3A_158 {strides = array<i32>} : memref<128x128xf32, #tpu.memory_space<vmem>>, vector<1x16xf32>,
        %get3A_159 = arith.index_cast %scan3A_62 : i32 to index
        %get3A_160 = arith.constant 112 : index
        %get3A_161 = tpu.vector_load %arg9[%get3A_159, %get3A_160] {strides = array<i32>} : memref<128x128xf32, #tpu.memory_space<vmem>>, vector<1x16xf32>,
        %get3A_162 = vector.shape_cast %get3A_161 : vector<1x16xf32> to vector<16xf32>
        %get3A_163 = arith.index_cast %scan3A_62 : i32 to index
        %get3A_164 = arith.constant 112 : index
        %get3A_165 = tpu.vector_load %arg10[%get3A_163, %get3A_164] {strides = array<i32>} : memref<128x128xf32, #tpu.memory_space<vmem>>, vector<1x16xf32>,
        %get3A_166 = vector.shape_cast %get3A_165 : vector<1x16xf32> to vector<16xf32>
        %add3A_167 = arith.addf %get3A_162, %get3A_166 : vector<16xf32>
        %swap3A_168 = arith.index_cast %scan3A_62 : i32 to index
        %swap3A_169 = arith.constant 112 : index
        %swap3A_170 = tpu.vector_load %arg9[%swap3A_168, %swap3A_169] {strides = array<i32>} : memref<128x128xf32, #tpu.memory_space<vmem>>, vector<1x16xf32>,
        %swap3A_171 = vector.shape_cast %swap3A_170 : vector<1x16xf32> to vector<16xf32>
        %swap3A_172 = vector.shape_cast %add3A_167 : vector<16xf32> to vector<1x16xf32>
        tpu.vector_store %arg9[%swap3A_168, %swap3A_169], %swap3A_172 {strides = array<i32>} : memref<128x128xf32, #tpu.memory_space<vmem>>, vector<1x16xf32>,
      }
      %scan3A_39 = arith.constant 128 : i32
      %mul3A_40 = arith.constant 128 : i32
      %mul3A_41 = arith.muli %mul3A_17, %mul3A_40 : i32
      %add3A_42 = arith.addi %mul3A_2, %mul3A_41 : i32
      "tpu.region"() ({
        %run_scoped3A = tpu.sem_alloc : memref<!tpu.dma_semaphore, #tpu.memory_space<semaphore_mem>>
        %dma_start3A_62 = arith.constant 0 : i32
        %dma_start3A_63 = tpu.memref_slice %arg6[%add3A_42, %dma_start3A_62] : memref<81920x128xf32, #tpu.memory_space<hbm>> -> memref<128x128xf32, #tpu.memory_space<hbm>>
        %dma_start3A_64 = arith.constant 0 : i32
        %dma_start3A_65 = tpu.memref_slice %arg6[%add3A_42, %dma_start3A_64] : memref<81920x128xf32, #tpu.memory_space<hbm>> -> memref<128x128xf32, #tpu.memory_space<hbm>>
        tpu.enqueue_dma source(%arg9 : memref<128x128xf32, #tpu.memory_space<vmem>>) target(%dma_start3A_65 : memref<128x128xf32, #tpu.memory_space<hbm>>) target_semaphore(%run_scoped3A : memref<!tpu.dma_semaphore, #tpu.memory_space<semaphore_mem>>)
        %dma_wait3A_66 = arith.constant 0 : i32
        %dma_wait3A_67 = tpu.memref_slice %arg6[%add3A_42, %dma_wait3A_66] : memref<81920x128xf32, #tpu.memory_space<hbm>> -> memref<128x128xf32, #tpu.memory_space<hbm>>
        %dma_wait3A_68 = arith.constant 0 : i32
        %dma_wait3A_69 = tpu.memref_slice %arg6[%add3A_42, %dma_wait3A_68] : memref<81920x128xf32, #tpu.memory_space<hbm>> -> memref<128x128xf32, #tpu.memory_space<hbm>>
        tpu.wait_dma2 semaphore(%run_scoped3A : memref<!tpu.dma_semaphore, #tpu.memory_space<semaphore_mem>>) src(%arg9 : memref<128x128xf32, #tpu.memory_space<vmem>>) dst(%dma_wait3A_69 : memref<128x128xf32, #tpu.memory_space<hbm>>)
        tpu.yield
      }) : () -> ()
      %lt3A = arith.constant 9 : i32
      %lt3A_43 = arith.cmpi slt, %scan3A_15, %lt3A : i32
      %convert_element_type3A = arith.extui %lt3A_43 : i1 to i32
      %cond3A = arith.constant 0 : i32
      %cond3A_44 = arith.cmpi ne, %convert_element_type3A, %cond3A : i32
      scf.if %cond3A_44 {
        %add3A_62 = arith.constant 2 : i32
        %add3A_63 = arith.addi %mul3A_17, %add3A_62 : i32
        %mul3A_64 = arith.constant 128 : i32
        %mul3A_65 = arith.muli %add3A_63, %mul3A_64 : i32
        %add3A_66 = arith.addi %mul3A_2, %mul3A_65 : i32
        "tpu.region"() ({
          %run_scoped3A = tpu.sem_alloc : memref<!tpu.dma_semaphore, #tpu.memory_space<semaphore_mem>>
          %dma_start3A_73 = tpu.memref_slice %arg2[%add3A_66] : memref<81920xi32, #tpu.memory_space<hbm>> -> memref<128xi32, #tpu.memory_space<hbm>>
          %dma_start3A_74 = tpu.memref_slice %arg2[%add3A_66] : memref<81920xi32, #tpu.memory_space<hbm>> -> memref<128xi32, #tpu.memory_space<hbm>>
          tpu.enqueue_dma source(%dma_start3A_74 : memref<128xi32, #tpu.memory_space<hbm>>) target(%arg7 : memref<128xi32, #tpu.memory_space<vmem>>) target_semaphore(%run_scoped3A : memref<!tpu.dma_semaphore, #tpu.memory_space<semaphore_mem>>)
          %dma_wait3A_75 = tpu.memref_slice %arg2[%add3A_66] : memref<81920xi32, #tpu.memory_space<hbm>> -> memref<128xi32, #tpu.memory_space<hbm>>
          %dma_wait3A_76 = tpu.memref_slice %arg2[%add3A_66] : memref<81920xi32, #tpu.memory_space<hbm>> -> memref<128xi32, #tpu.memory_space<hbm>>
          tpu.wait_dma2 semaphore(%run_scoped3A : memref<!tpu.dma_semaphore, #tpu.memory_space<semaphore_mem>>) src(%dma_wait3A_76 : memref<128xi32, #tpu.memory_space<hbm>>) dst(%arg7 : memref<128xi32, #tpu.memory_space<vmem>>)
          tpu.yield
        }) : () -> ()
        "tpu.region"() ({
          %run_scoped3A = tpu.sem_alloc : memref<!tpu.dma_semaphore, #tpu.memory_space<semaphore_mem>>
          %dma_start3A_73 = tpu.memref_slice %arg3[%add3A_66] : memref<81920xi32, #tpu.memory_space<hbm>> -> memref<128xi32, #tpu.memory_space<hbm>>
          %dma_start3A_74 = tpu.memref_slice %arg3[%add3A_66] : memref<81920xi32, #tpu.memory_space<hbm>> -> memref<128xi32, #tpu.memory_space<hbm>>
          tpu.enqueue_dma source(%dma_start3A_74 : memref<128xi32, #tpu.memory_space<hbm>>) target(%arg8 : memref<128xi32, #tpu.memory_space<vmem>>) target_semaphore(%run_scoped3A : memref<!tpu.dma_semaphore, #tpu.memory_space<semaphore_mem>>)
          %dma_wait3A_75 = tpu.memref_slice %arg3[%add3A_66] : memref<81920xi32, #tpu.memory_space<hbm>> -> memref<128xi32, #tpu.memory_space<hbm>>
          %dma_wait3A_76 = tpu.memref_slice %arg3[%add3A_66] : memref<81920xi32, #tpu.memory_space<hbm>> -> memref<128xi32, #tpu.memory_space<hbm>>
          tpu.wait_dma2 semaphore(%run_scoped3A : memref<!tpu.dma_semaphore, #tpu.memory_space<semaphore_mem>>) src(%dma_wait3A_76 : memref<128xi32, #tpu.memory_space<hbm>>) dst(%arg8 : memref<128xi32, #tpu.memory_space<vmem>>)
          tpu.yield
        }) : () -> ()
        %dma_start3A_67 = arith.constant 0 : i32
        %dma_start3A_68 = arith.constant 0 : i32
        %dma_start3A_69 = tpu.memref_slice %arg4[%dma_start3A_67, %dma_start3A_68] : memref<10000x128xf32, #tpu.memory_space<hbm>> -> memref<10000x128xf32, #tpu.memory_space<hbm>>
        tpu.enqueue_indirect_dma source(%dma_start3A_69 : memref<10000x128xf32, #tpu.memory_space<hbm>>) target(%arg9 : memref<128x128xf32, #tpu.memory_space<vmem>>) offsets(%arg7 : memref<128xi32, #tpu.memory_space<vmem>>) semaphore(%arg15 : memref<!tpu.dma_semaphore, #tpu.memory_space<semaphore_mem>>)
        %dma_start3A_70 = arith.constant 0 : i32
        %dma_start3A_71 = arith.constant 0 : i32
        %dma_start3A_72 = tpu.memref_slice %arg5[%dma_start3A_70, %dma_start3A_71] : memref<10000x128xf32, #tpu.memory_space<hbm>> -> memref<10000x128xf32, #tpu.memory_space<hbm>>
        tpu.enqueue_indirect_dma source(%dma_start3A_72 : memref<10000x128xf32, #tpu.memory_space<hbm>>) target(%arg10 : memref<128x128xf32, #tpu.memory_space<vmem>>) offsets(%arg8 : memref<128xi32, #tpu.memory_space<vmem>>) semaphore(%arg15 : memref<!tpu.dma_semaphore, #tpu.memory_space<semaphore_mem>>)
      } else {
      }
      %dma_wait3A_45 = arith.constant 0 : i32
      %dma_wait3A_46 = arith.constant 0 : i32
      %dma_wait3A_47 = tpu.memref_slice %arg4[%dma_wait3A_45, %dma_wait3A_46] : memref<10000x128xf32, #tpu.memory_space<hbm>> -> memref<10000x128xf32, #tpu.memory_space<hbm>>
      tpu.wait_indirect_dma semaphore(%arg16 : memref<!tpu.dma_semaphore, #tpu.memory_space<semaphore_mem>>) src(%dma_wait3A_47 : memref<10000x128xf32, #tpu.memory_space<hbm>>) dst(%arg13 : memref<128x128xf32, #tpu.memory_space<vmem>>)
      %dma_wait3A_48 = arith.constant 0 : i32
      %dma_wait3A_49 = arith.constant 0 : i32
      %dma_wait3A_50 = tpu.memref_slice %arg5[%dma_wait3A_48, %dma_wait3A_49] : memref<10000x128xf32, #tpu.memory_space<hbm>> -> memref<10000x128xf32, #tpu.memory_space<hbm>>
      tpu.wait_indirect_dma semaphore(%arg16 : memref<!tpu.dma_semaphore, #tpu.memory_space<semaphore_mem>>) src(%dma_wait3A_50 : memref<10000x128xf32, #tpu.memory_space<hbm>>) dst(%arg14 : memref<128x128xf32, #tpu.memory_space<vmem>>)
      %scan3A_51 = arith.constant 0 : i32
      %scan3A_52 = arith.constant 0 : i32
      %scan3A_53 = arith.constant 128 : i32
      %scan3A_54 = arith.addi %scan3A_52, %scan3A_53 : i32
      %scan3A_55 = arith.constant 1 : i32
      scf.for %scan3A_62 = %scan3A_52 to %scan3A_54 step %scan3A_55  : i32 {
        %get3A = arith.index_cast %scan3A_62 : i32 to index
        %get3A_63 = arith.constant 0 : index
        %get3A_64 = tpu.vector_load %arg13[%get3A, %get3A_63] {strides = array<i32>} : memref<128x128xf32, #tpu.memory_space<vmem>>, vector<1x16xf32>,
        %get3A_65 = vector.shape_cast %get3A_64 : vector<1x16xf32> to vector<16xf32>
        %get3A_66 = arith.index_cast %scan3A_62 : i32 to index
        %get3A_67 = arith.constant 0 : index
        %get3A_68 = tpu.vector_load %arg14[%get3A_66, %get3A_67] {strides = array<i32>} : memref<128x128xf32, #tpu.memory_space<vmem>>, vector<1x16xf32>,
        %get3A_69 = vector.shape_cast %get3A_68 : vector<1x16xf32> to vector<16xf32>
        %add3A_70 = arith.addf %get3A_65, %get3A_69 : vector<16xf32>
        %swap3A = arith.index_cast %scan3A_62 : i32 to index
        %swap3A_71 = arith.constant 0 : index
        %swap3A_72 = tpu.vector_load %arg13[%swap3A, %swap3A_71] {strides = array<i32>} : memref<128x128xf32, #tpu.memory_space<vmem>>, vector<1x16xf32>,
        %swap3A_73 = vector.shape_cast %swap3A_72 : vector<1x16xf32> to vector<16xf32>
        %swap3A_74 = vector.shape_cast %add3A_70 : vector<16xf32> to vector<1x16xf32>
        tpu.vector_store %arg13[%swap3A, %swap3A_71], %swap3A_74 {strides = array<i32>} : memref<128x128xf32, #tpu.memory_space<vmem>>, vector<1x16xf32>,
        %get3A_75 = arith.index_cast %scan3A_62 : i32 to index
        %get3A_76 = arith.constant 16 : index
        %get3A_77 = tpu.vector_load %arg13[%get3A_75, %get3A_76] {strides = array<i32>} : memref<128x128xf32, #tpu.memory_space<vmem>>, vector<1x16xf32>,
        %get3A_78 = vector.shape_cast %get3A_77 : vector<1x16xf32> to vector<16xf32>
        %get3A_79 = arith.index_cast %scan3A_62 : i32 to index
        %get3A_80 = arith.constant 16 : index
        %get3A_81 = tpu.vector_load %arg14[%get3A_79, %get3A_80] {strides = array<i32>} : memref<128x128xf32, #tpu.memory_space<vmem>>, vector<1x16xf32>,
        %get3A_82 = vector.shape_cast %get3A_81 : vector<1x16xf32> to vector<16xf32>
        %add3A_83 = arith.addf %get3A_78, %get3A_82 : vector<16xf32>
        %swap3A_84 = arith.index_cast %scan3A_62 : i32 to index
        %swap3A_85 = arith.constant 16 : index
        %swap3A_86 = tpu.vector_load %arg13[%swap3A_84, %swap3A_85] {strides = array<i32>} : memref<128x128xf32, #tpu.memory_space<vmem>>, vector<1x16xf32>,
        %swap3A_87 = vector.shape_cast %swap3A_86 : vector<1x16xf32> to vector<16xf32>
        %swap3A_88 = vector.shape_cast %add3A_83 : vector<16xf32> to vector<1x16xf32>
        tpu.vector_store %arg13[%swap3A_84, %swap3A_85], %swap3A_88 {strides = array<i32>} : memref<128x128xf32, #tpu.memory_space<vmem>>, vector<1x16xf32>,
        %get3A_89 = arith.index_cast %scan3A_62 : i32 to index
        %get3A_90 = arith.constant 32 : index
        %get3A_91 = tpu.vector_load %arg13[%get3A_89, %get3A_90] {strides = array<i32>} : memref<128x128xf32, #tpu.memory_space<vmem>>, vector<1x16xf32>,
        %get3A_92 = vector.shape_cast %get3A_91 : vector<1x16xf32> to vector<16xf32>
        %get3A_93 = arith.index_cast %scan3A_62 : i32 to index
        %get3A_94 = arith.constant 32 : index
        %get3A_95 = tpu.vector_load %arg14[%get3A_93, %get3A_94] {strides = array<i32>} : memref<128x128xf32, #tpu.memory_space<vmem>>, vector<1x16xf32>,
        %get3A_96 = vector.shape_cast %get3A_95 : vector<1x16xf32> to vector<16xf32>
        %add3A_97 = arith.addf %get3A_92, %get3A_96 : vector<16xf32>
        %swap3A_98 = arith.index_cast %scan3A_62 : i32 to index
        %swap3A_99 = arith.constant 32 : index
        %swap3A_100 = tpu.vector_load %arg13[%swap3A_98, %swap3A_99] {strides = array<i32>} : memref<128x128xf32, #tpu.memory_space<vmem>>, vector<1x16xf32>,
        %swap3A_101 = vector.shape_cast %swap3A_100 : vector<1x16xf32> to vector<16xf32>
        %swap3A_102 = vector.shape_cast %add3A_97 : vector<16xf32> to vector<1x16xf32>
        tpu.vector_store %arg13[%swap3A_98, %swap3A_99], %swap3A_102 {strides = array<i32>} : memref<128x128xf32, #tpu.memory_space<vmem>>, vector<1x16xf32>,
        %get3A_103 = arith.index_cast %scan3A_62 : i32 to index
        %get3A_104 = arith.constant 48 : index
        %get3A_105 = tpu.vector_load %arg13[%get3A_103, %get3A_104] {strides = array<i32>} : memref<128x128xf32, #tpu.memory_space<vmem>>, vector<1x16xf32>,
        %get3A_106 = vector.shape_cast %get3A_105 : vector<1x16xf32> to vector<16xf32>
        %get3A_107 = arith.index_cast %scan3A_62 : i32 to index
        %get3A_108 = arith.constant 48 : index
        %get3A_109 = tpu.vector_load %arg14[%get3A_107, %get3A_108] {strides = array<i32>} : memref<128x128xf32, #tpu.memory_space<vmem>>, vector<1x16xf32>,
        %get3A_110 = vector.shape_cast %get3A_109 : vector<1x16xf32> to vector<16xf32>
        %add3A_111 = arith.addf %get3A_106, %get3A_110 : vector<16xf32>
        %swap3A_112 = arith.index_cast %scan3A_62 : i32 to index
        %swap3A_113 = arith.constant 48 : index
        %swap3A_114 = tpu.vector_load %arg13[%swap3A_112, %swap3A_113] {strides = array<i32>} : memref<128x128xf32, #tpu.memory_space<vmem>>, vector<1x16xf32>,
        %swap3A_115 = vector.shape_cast %swap3A_114 : vector<1x16xf32> to vector<16xf32>
        %swap3A_116 = vector.shape_cast %add3A_111 : vector<16xf32> to vector<1x16xf32>
        tpu.vector_store %arg13[%swap3A_112, %swap3A_113], %swap3A_116 {strides = array<i32>} : memref<128x128xf32, #tpu.memory_space<vmem>>, vector<1x16xf32>,
        %get3A_117 = arith.index_cast %scan3A_62 : i32 to index
        %get3A_118 = arith.constant 64 : index
        %get3A_119 = tpu.vector_load %arg13[%get3A_117, %get3A_118] {strides = array<i32>} : memref<128x128xf32, #tpu.memory_space<vmem>>, vector<1x16xf32>,
        %get3A_120 = vector.shape_cast %get3A_119 : vector<1x16xf32> to vector<16xf32>
        %get3A_121 = arith.index_cast %scan3A_62 : i32 to index
        %get3A_122 = arith.constant 64 : index
        %get3A_123 = tpu.vector_load %arg14[%get3A_121, %get3A_122] {strides = array<i32>} : memref<128x128xf32, #tpu.memory_space<vmem>>, vector<1x16xf32>,
        %get3A_124 = vector.shape_cast %get3A_123 : vector<1x16xf32> to vector<16xf32>
        %add3A_125 = arith.addf %get3A_120, %get3A_124 : vector<16xf32>
        %swap3A_126 = arith.index_cast %scan3A_62 : i32 to index
        %swap3A_127 = arith.constant 64 : index
        %swap3A_128 = tpu.vector_load %arg13[%swap3A_126, %swap3A_127] {strides = array<i32>} : memref<128x128xf32, #tpu.memory_space<vmem>>, vector<1x16xf32>,
        %swap3A_129 = vector.shape_cast %swap3A_128 : vector<1x16xf32> to vector<16xf32>
        %swap3A_130 = vector.shape_cast %add3A_125 : vector<16xf32> to vector<1x16xf32>
        tpu.vector_store %arg13[%swap3A_126, %swap3A_127], %swap3A_130 {strides = array<i32>} : memref<128x128xf32, #tpu.memory_space<vmem>>, vector<1x16xf32>,
        %get3A_131 = arith.index_cast %scan3A_62 : i32 to index
        %get3A_132 = arith.constant 80 : index
        %get3A_133 = tpu.vector_load %arg13[%get3A_131, %get3A_132] {strides = array<i32>} : memref<128x128xf32, #tpu.memory_space<vmem>>, vector<1x16xf32>,
        %get3A_134 = vector.shape_cast %get3A_133 : vector<1x16xf32> to vector<16xf32>
        %get3A_135 = arith.index_cast %scan3A_62 : i32 to index
        %get3A_136 = arith.constant 80 : index
        %get3A_137 = tpu.vector_load %arg14[%get3A_135, %get3A_136] {strides = array<i32>} : memref<128x128xf32, #tpu.memory_space<vmem>>, vector<1x16xf32>,
        %get3A_138 = vector.shape_cast %get3A_137 : vector<1x16xf32> to vector<16xf32>
        %add3A_139 = arith.addf %get3A_134, %get3A_138 : vector<16xf32>
        %swap3A_140 = arith.index_cast %scan3A_62 : i32 to index
        %swap3A_141 = arith.constant 80 : index
        %swap3A_142 = tpu.vector_load %arg13[%swap3A_140, %swap3A_141] {strides = array<i32>} : memref<128x128xf32, #tpu.memory_space<vmem>>, vector<1x16xf32>,
        %swap3A_143 = vector.shape_cast %swap3A_142 : vector<1x16xf32> to vector<16xf32>
        %swap3A_144 = vector.shape_cast %add3A_139 : vector<16xf32> to vector<1x16xf32>
        tpu.vector_store %arg13[%swap3A_140, %swap3A_141], %swap3A_144 {strides = array<i32>} : memref<128x128xf32, #tpu.memory_space<vmem>>, vector<1x16xf32>,
        %get3A_145 = arith.index_cast %scan3A_62 : i32 to index
        %get3A_146 = arith.constant 96 : index
        %get3A_147 = tpu.vector_load %arg13[%get3A_145, %get3A_146] {strides = array<i32>} : memref<128x128xf32, #tpu.memory_space<vmem>>, vector<1x16xf32>,
        %get3A_148 = vector.shape_cast %get3A_147 : vector<1x16xf32> to vector<16xf32>
        %get3A_149 = arith.index_cast %scan3A_62 : i32 to index
        %get3A_150 = arith.constant 96 : index
        %get3A_151 = tpu.vector_load %arg14[%get3A_149, %get3A_150] {strides = array<i32>} : memref<128x128xf32, #tpu.memory_space<vmem>>, vector<1x16xf32>,
        %get3A_152 = vector.shape_cast %get3A_151 : vector<1x16xf32> to vector<16xf32>
        %add3A_153 = arith.addf %get3A_148, %get3A_152 : vector<16xf32>
        %swap3A_154 = arith.index_cast %scan3A_62 : i32 to index
        %swap3A_155 = arith.constant 96 : index
        %swap3A_156 = tpu.vector_load %arg13[%swap3A_154, %swap3A_155] {strides = array<i32>} : memref<128x128xf32, #tpu.memory_space<vmem>>, vector<1x16xf32>,
        %swap3A_157 = vector.shape_cast %swap3A_156 : vector<1x16xf32> to vector<16xf32>
        %swap3A_158 = vector.shape_cast %add3A_153 : vector<16xf32> to vector<1x16xf32>
        tpu.vector_store %arg13[%swap3A_154, %swap3A_155], %swap3A_158 {strides = array<i32>} : memref<128x128xf32, #tpu.memory_space<vmem>>, vector<1x16xf32>,
        %get3A_159 = arith.index_cast %scan3A_62 : i32 to index
        %get3A_160 = arith.constant 112 : index
        %get3A_161 = tpu.vector_load %arg13[%get3A_159, %get3A_160] {strides = array<i32>} : memref<128x128xf32, #tpu.memory_space<vmem>>, vector<1x16xf32>,
        %get3A_162 = vector.shape_cast %get3A_161 : vector<1x16xf32> to vector<16xf32>
        %get3A_163 = arith.index_cast %scan3A_62 : i32 to index
        %get3A_164 = arith.constant 112 : index
        %get3A_165 = tpu.vector_load %arg14[%get3A_163, %get3A_164] {strides = array<i32>} : memref<128x128xf32, #tpu.memory_space<vmem>>, vector<1x16xf32>,
        %get3A_166 = vector.shape_cast %get3A_165 : vector<1x16xf32> to vector<16xf32>
        %add3A_167 = arith.addf %get3A_162, %get3A_166 : vector<16xf32>
        %swap3A_168 = arith.index_cast %scan3A_62 : i32 to index
        %swap3A_169 = arith.constant 112 : index
        %swap3A_170 = tpu.vector_load %arg13[%swap3A_168, %swap3A_169] {strides = array<i32>} : memref<128x128xf32, #tpu.memory_space<vmem>>, vector<1x16xf32>,
        %swap3A_171 = vector.shape_cast %swap3A_170 : vector<1x16xf32> to vector<16xf32>
        %swap3A_172 = vector.shape_cast %add3A_167 : vector<16xf32> to vector<1x16xf32>
        tpu.vector_store %arg13[%swap3A_168, %swap3A_169], %swap3A_172 {strides = array<i32>} : memref<128x128xf32, #tpu.memory_space<vmem>>, vector<1x16xf32>,
      }
      %scan3A_56 = arith.constant 128 : i32
      %add3A_57 = arith.constant 1 : i32
      %add3A_58 = arith.addi %mul3A_17, %add3A_57 : i32
      %mul3A_59 = arith.constant 128 : i32
      %mul3A_60 = arith.muli %add3A_58, %mul3A_59 : i32
      %add3A_61 = arith.addi %mul3A_2, %mul3A_60 : i32
      "tpu.region"() ({
        %run_scoped3A = tpu.sem_alloc : memref<!tpu.dma_semaphore, #tpu.memory_space<semaphore_mem>>
        %dma_start3A_62 = arith.constant 0 : i32
        %dma_start3A_63 = tpu.memref_slice %arg6[%add3A_61, %dma_start3A_62] : memref<81920x128xf32, #tpu.memory_space<hbm>> -> memref<128x128xf32, #tpu.memory_space<hbm>>
        %dma_start3A_64 = arith.constant 0 : i32
        %dma_start3A_65 = tpu.memref_slice %arg6[%add3A_61, %dma_start3A_64] : memref<81920x128xf32, #tpu.memory_space<hbm>> -> memref<128x128xf32, #tpu.memory_space<hbm>>
        tpu.enqueue_dma source(%arg13 : memref<128x128xf32, #tpu.memory_space<vmem>>) target(%dma_start3A_65 : memref<128x128xf32, #tpu.memory_space<hbm>>) target_semaphore(%run_scoped3A : memref<!tpu.dma_semaphore, #tpu.memory_space<semaphore_mem>>)
        %dma_wait3A_66 = arith.constant 0 : i32
        %dma_wait3A_67 = tpu.memref_slice %arg6[%add3A_61, %dma_wait3A_66] : memref<81920x128xf32, #tpu.memory_space<hbm>> -> memref<128x128xf32, #tpu.memory_space<hbm>>
        %dma_wait3A_68 = arith.constant 0 : i32
        %dma_wait3A_69 = tpu.memref_slice %arg6[%add3A_61, %dma_wait3A_68] : memref<81920x128xf32, #tpu.memory_space<hbm>> -> memref<128x128xf32, #tpu.memory_space<hbm>>
        tpu.wait_dma2 semaphore(%run_scoped3A : memref<!tpu.dma_semaphore, #tpu.memory_space<semaphore_mem>>) src(%arg13 : memref<128x128xf32, #tpu.memory_space<vmem>>) dst(%dma_wait3A_69 : memref<128x128xf32, #tpu.memory_space<hbm>>)
        tpu.yield
      }) : () -> ()
    }
    %scan3A_14 = arith.constant 10 : i32
    return
  }
}

module attributes {stable_mosaic.version = 14 : i64} {
  func.func @_proj_body(%arg0: i32, %arg1: memref<2000x128xf32, #tpu.memory_space<vmem>>, %arg2: memref<128x128xf32, #tpu.memory_space<vmem>>, %arg3: memref<128x128xf32, #tpu.memory_space<vmem>>, %arg4: memref<2000x128xf32, #tpu.memory_space<vmem>>, %arg5: memref<2000x128xf32, #tpu.memory_space<vmem>>) attributes {dimension_semantics = [#tpu.dimension_semantics<arbitrary>], iteration_bounds = array<i64: 5>, scalar_prefetch = 0 : i64, scratch_operands = 0 : i64, tpu.core_type = #tpu.core_type<tc>, window_params = [{transform_indices = @transform_0, window_bounds = array<i64: 2000, 128>}, {pipeline_mode = #tpu.pipeline_mode<synchronous>, transform_indices = @transform_1, window_bounds = array<i64: 128, 128>}, {pipeline_mode = #tpu.pipeline_mode<synchronous>, transform_indices = @transform_2, window_bounds = array<i64: 128, 128>}, {transform_indices = @transform_3, window_bounds = array<i64: 2000, 128>}, {transform_indices = @transform_4, window_bounds = array<i64: 2000, 128>}]} {
    %get3A = arith.constant 0 : index
    %get3A_0 = arith.constant 0 : index
    %get3A_1 = vector.load %arg1[%get3A, %get3A_0] : memref<2000x128xf32, #tpu.memory_space<vmem>>, vector<2000x128xf32>
    %get3A_2 = arith.constant 0 : index
    %get3A_3 = arith.constant 0 : index
    %get3A_4 = vector.load %arg2[%get3A_2, %get3A_3] : memref<128x128xf32, #tpu.memory_space<vmem>>, vector<128x128xf32>
    %dot_general3A = arith.constant dense<0.000000e+00> : vector<2000x128xf32>
    %dot_general3A_5 = tpu.matmul %get3A_1, %get3A_4, %dot_general3A {dimension_numbers = #tpu.dot_dimension_numbers<[1], [0], [0], [1], [0, 0, 1, 1], [], []>, transpose_lhs_hint = false} : vector<2000x128xf32>, vector<128x128xf32>, vector<2000x128xf32> -> vector<2000x128xf32>
    %swap3A = arith.constant 0 : index
    %swap3A_6 = arith.constant 0 : index
    %swap3A_7 = vector.load %arg4[%swap3A, %swap3A_6] : memref<2000x128xf32, #tpu.memory_space<vmem>>, vector<2000x128xf32>
    tpu.vector_store %arg4[%swap3A, %swap3A_6], %dot_general3A_5 {strides = array<i32>} : memref<2000x128xf32, #tpu.memory_space<vmem>>, vector<2000x128xf32>,
    %get3A_8 = arith.constant 0 : index
    %get3A_9 = arith.constant 0 : index
    %get3A_10 = vector.load %arg3[%get3A_8, %get3A_9] : memref<128x128xf32, #tpu.memory_space<vmem>>, vector<128x128xf32>
    %dot_general3A_11 = arith.constant dense<0.000000e+00> : vector<2000x128xf32>
    %dot_general3A_12 = tpu.matmul %get3A_1, %get3A_10, %dot_general3A_11 {dimension_numbers = #tpu.dot_dimension_numbers<[1], [0], [0], [1], [0, 0, 1, 1], [], []>, transpose_lhs_hint = false} : vector<2000x128xf32>, vector<128x128xf32>, vector<2000x128xf32> -> vector<2000x128xf32>
    %swap3A_13 = arith.constant 0 : index
    %swap3A_14 = arith.constant 0 : index
    %swap3A_15 = vector.load %arg5[%swap3A_13, %swap3A_14] : memref<2000x128xf32, #tpu.memory_space<vmem>>, vector<2000x128xf32>
    tpu.vector_store %arg5[%swap3A_13, %swap3A_14], %dot_general3A_12 {strides = array<i32>} : memref<2000x128xf32, #tpu.memory_space<vmem>>, vector<2000x128xf32>,
    return
  }
  func.func @transform_0(%arg0: i32) -> (i32, i32) {
    %c0_i32 = arith.constant 0 : i32
    %c0_i32_0 = arith.constant 0 : i32
    return %arg0, %c0_i32 : i32, i32
  }
  func.func @transform_1(%arg0: i32) -> (i32, i32) {
    %c0_i32 = arith.constant 0 : i32
    %c0_i32_0 = arith.constant 0 : i32
    %c0_i32_1 = arith.constant 0 : i32
    return %c0_i32, %c0_i32_0 : i32, i32
  }
  func.func @transform_2(%arg0: i32) -> (i32, i32) {
    %c0_i32 = arith.constant 0 : i32
    %c0_i32_0 = arith.constant 0 : i32
    %c0_i32_1 = arith.constant 0 : i32
    return %c0_i32, %c0_i32_0 : i32, i32
  }
  func.func @transform_3(%arg0: i32) -> (i32, i32) {
    %c0_i32 = arith.constant 0 : i32
    %c0_i32_0 = arith.constant 0 : i32
    return %arg0, %c0_i32 : i32, i32
  }
  func.func @transform_4(%arg0: i32) -> (i32, i32) {
    %c0_i32 = arith.constant 0 : i32
    %c0_i32_0 = arith.constant 0 : i32
    return %arg0, %c0_i32 : i32, i32
  }
}

module attributes {stable_mosaic.version = 14 : i64} {
  func.func @_edge_body(%arg0: i32, %arg1: memref<8000x128xf32, #tpu.memory_space<vmem>>, %arg2: memref<8000x128xf32, #tpu.memory_space<vmem>>, %arg3: memref<128x128xf32, #tpu.memory_space<vmem>>, %arg4: memref<128x128xf32, #tpu.memory_space<vmem>>, %arg5: memref<1x128xf32, #tpu.memory_space<vmem>>, %arg6: memref<1x128xf32, #tpu.memory_space<vmem>>, %arg7: memref<1x128xf32, #tpu.memory_space<vmem>>, %arg8: memref<1x128xf32, #tpu.memory_space<vmem>>, %arg9: memref<8000x128xf32, #tpu.memory_space<vmem>>) attributes {dimension_semantics = [#tpu.dimension_semantics<arbitrary>], iteration_bounds = array<i64: 10>, scalar_prefetch = 0 : i64, scratch_operands = 0 : i64, tpu.core_type = #tpu.core_type<tc>, window_params = [{transform_indices = @transform_0, window_bounds = array<i64: 8000, 128>}, {transform_indices = @transform_1, window_bounds = array<i64: 8000, 128>}, {pipeline_mode = #tpu.pipeline_mode<synchronous>, transform_indices = @transform_2, window_bounds = array<i64: 128, 128>}, {pipeline_mode = #tpu.pipeline_mode<synchronous>, transform_indices = @transform_3, window_bounds = array<i64: 128, 128>}, {pipeline_mode = #tpu.pipeline_mode<synchronous>, transform_indices = @transform_4, window_bounds = array<i64: 1, 128>}, {pipeline_mode = #tpu.pipeline_mode<synchronous>, transform_indices = @transform_5, window_bounds = array<i64: 1, 128>}, {pipeline_mode = #tpu.pipeline_mode<synchronous>, transform_indices = @transform_6, window_bounds = array<i64: 1, 128>}, {pipeline_mode = #tpu.pipeline_mode<synchronous>, transform_indices = @transform_7, window_bounds = array<i64: 1, 128>}, {transform_indices = @transform_8, window_bounds = array<i64: 8000, 128>}]} {
    %get3A = arith.constant 0 : index
    %get3A_0 = arith.constant 0 : index
    %get3A_1 = vector.load %arg1[%get3A, %get3A_0] : memref<8000x128xf32, #tpu.memory_space<vmem>>, vector<8000x128xf32>
    %get3A_2 = arith.constant 0 : index
    %get3A_3 = arith.constant 0 : index
    %get3A_4 = vector.load %arg2[%get3A_2, %get3A_3] : memref<8000x128xf32, #tpu.memory_space<vmem>>, vector<8000x128xf32>
    %get3A_5 = arith.constant 0 : index
    %get3A_6 = arith.constant 0 : index
    %get3A_7 = vector.load %arg3[%get3A_5, %get3A_6] : memref<128x128xf32, #tpu.memory_space<vmem>>, vector<128x128xf32>
    %get3A_8 = arith.constant 0 : index
    %get3A_9 = arith.constant 0 : index
    %get3A_10 = vector.load %arg4[%get3A_8, %get3A_9] : memref<128x128xf32, #tpu.memory_space<vmem>>, vector<128x128xf32>
    %get3A_11 = arith.constant 0 : index
    %get3A_12 = arith.constant 0 : index
    %get3A_13 = vector.load %arg5[%get3A_11, %get3A_12] : memref<1x128xf32, #tpu.memory_space<vmem>>, vector<1x128xf32>
    %get3A_14 = arith.constant 0 : index
    %get3A_15 = arith.constant 0 : index
    %get3A_16 = vector.load %arg6[%get3A_14, %get3A_15] : memref<1x128xf32, #tpu.memory_space<vmem>>, vector<1x128xf32>
    %get3A_17 = arith.constant 0 : index
    %get3A_18 = arith.constant 0 : index
    %get3A_19 = vector.load %arg7[%get3A_17, %get3A_18] : memref<1x128xf32, #tpu.memory_space<vmem>>, vector<1x128xf32>
    %get3A_20 = arith.constant 0 : index
    %get3A_21 = arith.constant 0 : index
    %get3A_22 = vector.load %arg8[%get3A_20, %get3A_21] : memref<1x128xf32, #tpu.memory_space<vmem>>, vector<1x128xf32>
    %dot_general3A = arith.constant dense<0.000000e+00> : vector<8000x128xf32>
    %dot_general3A_23 = tpu.matmul %get3A_1, %get3A_7, %dot_general3A {dimension_numbers = #tpu.dot_dimension_numbers<[1], [0], [0], [1], [0, 0, 1, 1], [], []>, transpose_lhs_hint = false} : vector<8000x128xf32>, vector<128x128xf32>, vector<8000x128xf32> -> vector<8000x128xf32>
    %add3A = arith.addf %dot_general3A_23, %get3A_4 : vector<8000x128xf32>
    %add3A_24 = vector.broadcast %get3A_13 : vector<1x128xf32> to vector<8000x128xf32>
    %add3A_25 = arith.addf %add3A, %add3A_24 : vector<8000x128xf32>
    %neg3A = arith.constant 0.000000e+00 : f32
    %neg3A_26 = vector.broadcast %neg3A : f32 to vector<8000x128xf32>
    %neg3A_27 = arith.subf %neg3A_26, %add3A_25 : vector<8000x128xf32>
    %exp3A = math.exp %neg3A_27 : vector<8000x128xf32>
    %add3A_28 = arith.constant 1.000000e+00 : f32
    %add3A_29 = vector.broadcast %add3A_28 : f32 to vector<8000x128xf32>
    %add3A_30 = arith.addf %add3A_29, %exp3A : vector<8000x128xf32>
    %div3A = arith.constant 1.000000e+00 : f32
    %div3A_31 = vector.broadcast %div3A : f32 to vector<8000x128xf32>
    %div3A_32 = arith.divf %div3A_31, %add3A_30 : vector<8000x128xf32>
    %mul3A = arith.mulf %add3A_25, %div3A_32 : vector<8000x128xf32>
    %dot_general3A_33 = arith.constant dense<0.000000e+00> : vector<8000x128xf32>
    %dot_general3A_34 = tpu.matmul %mul3A, %get3A_10, %dot_general3A_33 {dimension_numbers = #tpu.dot_dimension_numbers<[1], [0], [0], [1], [0, 0, 1, 1], [], []>, transpose_lhs_hint = false} : vector<8000x128xf32>, vector<128x128xf32>, vector<8000x128xf32> -> vector<8000x128xf32>
    %add3A_35 = vector.broadcast %get3A_16 : vector<1x128xf32> to vector<8000x128xf32>
    %add3A_36 = arith.addf %dot_general3A_34, %add3A_35 : vector<8000x128xf32>
    %reduce_sum3A = arith.constant dense<0.000000e+00> : vector<8000xf32>
    %reduce_sum3A_37 = vector.multi_reduction <add>, %add3A_36, %reduce_sum3A [1] : vector<8000x128xf32> to vector<8000xf32>
    %broadcast_in_dim3A = vector.shape_cast %reduce_sum3A_37 : vector<8000xf32> to vector<8000x1xf32>
    %div3A_38 = arith.constant 1.280000e+02 : f32
    %div3A_39 = vector.broadcast %div3A_38 : f32 to vector<8000x1xf32>
    %div3A_40 = arith.divf %broadcast_in_dim3A, %div3A_39 : vector<8000x1xf32>
    %sub3A = vector.broadcast %div3A_40 : vector<8000x1xf32> to vector<8000x128xf32>
    %sub3A_41 = arith.subf %add3A_36, %sub3A : vector<8000x128xf32>
    %mul3A_42 = arith.mulf %sub3A_41, %sub3A_41 : vector<8000x128xf32>
    %reduce_sum3A_43 = arith.constant dense<0.000000e+00> : vector<8000xf32>
    %reduce_sum3A_44 = vector.multi_reduction <add>, %mul3A_42, %reduce_sum3A_43 [1] : vector<8000x128xf32> to vector<8000xf32>
    %broadcast_in_dim3A_45 = vector.shape_cast %reduce_sum3A_44 : vector<8000xf32> to vector<8000x1xf32>
    %div3A_46 = arith.constant 1.280000e+02 : f32
    %div3A_47 = vector.broadcast %div3A_46 : f32 to vector<8000x1xf32>
    %div3A_48 = arith.divf %broadcast_in_dim3A_45, %div3A_47 : vector<8000x1xf32>
    %mul3A_49 = vector.broadcast %get3A_19 : vector<1x128xf32> to vector<8000x128xf32>
    %mul3A_50 = arith.mulf %mul3A_49, %sub3A_41 : vector<8000x128xf32>
    %add3A_51 = arith.constant 9.99999974E-6 : f32
    %add3A_52 = vector.broadcast %add3A_51 : f32 to vector<8000x1xf32>
    %add3A_53 = arith.addf %div3A_48, %add3A_52 : vector<8000x1xf32>
    %rsqrt3A = math.rsqrt %add3A_53 : vector<8000x1xf32>
    %mul3A_54 = vector.broadcast %rsqrt3A : vector<8000x1xf32> to vector<8000x128xf32>
    %mul3A_55 = arith.mulf %mul3A_50, %mul3A_54 : vector<8000x128xf32>
    %add3A_56 = vector.broadcast %get3A_22 : vector<1x128xf32> to vector<8000x128xf32>
    %add3A_57 = arith.addf %mul3A_55, %add3A_56 : vector<8000x128xf32>
    %add3A_58 = arith.addf %add3A_57, %get3A_1 : vector<8000x128xf32>
    %swap3A = arith.constant 0 : index
    %swap3A_59 = arith.constant 0 : index
    %swap3A_60 = vector.load %arg9[%swap3A, %swap3A_59] : memref<8000x128xf32, #tpu.memory_space<vmem>>, vector<8000x128xf32>
    tpu.vector_store %arg9[%swap3A, %swap3A_59], %add3A_58 {strides = array<i32>} : memref<8000x128xf32, #tpu.memory_space<vmem>>, vector<8000x128xf32>,
    return
  }
  func.func @transform_0(%arg0: i32) -> (i32, i32) {
    %add3A = arith.constant 0 : i32
    %add3A_0 = arith.addi %add3A, %arg0 : i32
    %c0_i32 = arith.constant 0 : i32
    %c0_i32_1 = arith.constant 0 : i32
    return %add3A_0, %c0_i32 : i32, i32
  }
  func.func @transform_1(%arg0: i32) -> (i32, i32) {
    %c0_i32 = arith.constant 0 : i32
    %c0_i32_0 = arith.constant 0 : i32
    return %arg0, %c0_i32 : i32, i32
  }
  func.func @transform_2(%arg0: i32) -> (i32, i32) {
    %c0_i32 = arith.constant 0 : i32
    %c0_i32_0 = arith.constant 0 : i32
    %c0_i32_1 = arith.constant 0 : i32
    return %c0_i32, %c0_i32_0 : i32, i32
  }
  func.func @transform_3(%arg0: i32) -> (i32, i32) {
    %c0_i32 = arith.constant 0 : i32
    %c0_i32_0 = arith.constant 0 : i32
    %c0_i32_1 = arith.constant 0 : i32
    return %c0_i32, %c0_i32_0 : i32, i32
  }
  func.func @transform_4(%arg0: i32) -> (i32, i32) {
    %c0_i32 = arith.constant 0 : i32
    %c0_i32_0 = arith.constant 0 : i32
    %c0_i32_1 = arith.constant 0 : i32
    return %c0_i32, %c0_i32_0 : i32, i32
  }
  func.func @transform_5(%arg0: i32) -> (i32, i32) {
    %c0_i32 = arith.constant 0 : i32
    %c0_i32_0 = arith.constant 0 : i32
    %c0_i32_1 = arith.constant 0 : i32
    return %c0_i32, %c0_i32_0 : i32, i32
  }
  func.func @transform_6(%arg0: i32) -> (i32, i32) {
    %c0_i32 = arith.constant 0 : i32
    %c0_i32_0 = arith.constant 0 : i32
    %c0_i32_1 = arith.constant 0 : i32
    return %c0_i32, %c0_i32_0 : i32, i32
  }
  func.func @transform_7(%arg0: i32) -> (i32, i32) {
    %c0_i32 = arith.constant 0 : i32
    %c0_i32_0 = arith.constant 0 : i32
    %c0_i32_1 = arith.constant 0 : i32
    return %c0_i32, %c0_i32_0 : i32, i32
  }
  func.func @transform_8(%arg0: i32) -> (i32, i32) {
    %add3A = arith.constant 0 : i32
    %add3A_0 = arith.addi %add3A, %arg0 : i32
    %c0_i32 = arith.constant 0 : i32
    %c0_i32_1 = arith.constant 0 : i32
    return %add3A_0, %c0_i32 : i32, i32
  }
}

module attributes {stable_mosaic.version = 14 : i64} {
  func.func @_edge_body_alias(%arg0: i32, %arg1: memref<8000x128xf32, #tpu.memory_space<vmem>>, %arg2: memref<8000x128xf32, #tpu.memory_space<vmem>>, %arg3: memref<128x128xf32, #tpu.memory_space<vmem>>, %arg4: memref<128x128xf32, #tpu.memory_space<vmem>>, %arg5: memref<1x128xf32, #tpu.memory_space<vmem>>, %arg6: memref<1x128xf32, #tpu.memory_space<vmem>>, %arg7: memref<1x128xf32, #tpu.memory_space<vmem>>, %arg8: memref<1x128xf32, #tpu.memory_space<vmem>>, %arg9: memref<320000x128xf32, #tpu.memory_space<any>>, %arg10: memref<8000x128xf32, #tpu.memory_space<vmem>>) attributes {dimension_semantics = [#tpu.dimension_semantics<arbitrary>], iteration_bounds = array<i64: 10>, scalar_prefetch = 0 : i64, scratch_operands = 0 : i64, tpu.core_type = #tpu.core_type<tc>, window_params = [{transform_indices = @transform_0, window_bounds = array<i64: 8000, 128>}, {transform_indices = @transform_1, window_bounds = array<i64: 8000, 128>}, {pipeline_mode = #tpu.pipeline_mode<synchronous>, transform_indices = @transform_2, window_bounds = array<i64: 128, 128>}, {pipeline_mode = #tpu.pipeline_mode<synchronous>, transform_indices = @transform_3, window_bounds = array<i64: 128, 128>}, {pipeline_mode = #tpu.pipeline_mode<synchronous>, transform_indices = @transform_4, window_bounds = array<i64: 1, 128>}, {pipeline_mode = #tpu.pipeline_mode<synchronous>, transform_indices = @transform_5, window_bounds = array<i64: 1, 128>}, {pipeline_mode = #tpu.pipeline_mode<synchronous>, transform_indices = @transform_6, window_bounds = array<i64: 1, 128>}, {pipeline_mode = #tpu.pipeline_mode<synchronous>, transform_indices = @transform_7, window_bounds = array<i64: 1, 128>}, {}, {transform_indices = @transform_9, window_bounds = array<i64: 8000, 128>}]} {
    %get3A = arith.constant 0 : index
    %get3A_0 = arith.constant 0 : index
    %get3A_1 = vector.load %arg1[%get3A, %get3A_0] : memref<8000x128xf32, #tpu.memory_space<vmem>>, vector<8000x128xf32>
    %get3A_2 = arith.constant 0 : index
    %get3A_3 = arith.constant 0 : index
    %get3A_4 = vector.load %arg2[%get3A_2, %get3A_3] : memref<8000x128xf32, #tpu.memory_space<vmem>>, vector<8000x128xf32>
    %get3A_5 = arith.constant 0 : index
    %get3A_6 = arith.constant 0 : index
    %get3A_7 = vector.load %arg3[%get3A_5, %get3A_6] : memref<128x128xf32, #tpu.memory_space<vmem>>, vector<128x128xf32>
    %get3A_8 = arith.constant 0 : index
    %get3A_9 = arith.constant 0 : index
    %get3A_10 = vector.load %arg4[%get3A_8, %get3A_9] : memref<128x128xf32, #tpu.memory_space<vmem>>, vector<128x128xf32>
    %get3A_11 = arith.constant 0 : index
    %get3A_12 = arith.constant 0 : index
    %get3A_13 = vector.load %arg5[%get3A_11, %get3A_12] : memref<1x128xf32, #tpu.memory_space<vmem>>, vector<1x128xf32>
    %get3A_14 = arith.constant 0 : index
    %get3A_15 = arith.constant 0 : index
    %get3A_16 = vector.load %arg6[%get3A_14, %get3A_15] : memref<1x128xf32, #tpu.memory_space<vmem>>, vector<1x128xf32>
    %get3A_17 = arith.constant 0 : index
    %get3A_18 = arith.constant 0 : index
    %get3A_19 = vector.load %arg7[%get3A_17, %get3A_18] : memref<1x128xf32, #tpu.memory_space<vmem>>, vector<1x128xf32>
    %get3A_20 = arith.constant 0 : index
    %get3A_21 = arith.constant 0 : index
    %get3A_22 = vector.load %arg8[%get3A_20, %get3A_21] : memref<1x128xf32, #tpu.memory_space<vmem>>, vector<1x128xf32>
    %dot_general3A = arith.constant dense<0.000000e+00> : vector<8000x128xf32>
    %dot_general3A_23 = tpu.matmul %get3A_1, %get3A_7, %dot_general3A {dimension_numbers = #tpu.dot_dimension_numbers<[1], [0], [0], [1], [0, 0, 1, 1], [], []>, transpose_lhs_hint = false} : vector<8000x128xf32>, vector<128x128xf32>, vector<8000x128xf32> -> vector<8000x128xf32>
    %add3A = arith.addf %dot_general3A_23, %get3A_4 : vector<8000x128xf32>
    %add3A_24 = vector.broadcast %get3A_13 : vector<1x128xf32> to vector<8000x128xf32>
    %add3A_25 = arith.addf %add3A, %add3A_24 : vector<8000x128xf32>
    %neg3A = arith.constant 0.000000e+00 : f32
    %neg3A_26 = vector.broadcast %neg3A : f32 to vector<8000x128xf32>
    %neg3A_27 = arith.subf %neg3A_26, %add3A_25 : vector<8000x128xf32>
    %exp3A = math.exp %neg3A_27 : vector<8000x128xf32>
    %add3A_28 = arith.constant 1.000000e+00 : f32
    %add3A_29 = vector.broadcast %add3A_28 : f32 to vector<8000x128xf32>
    %add3A_30 = arith.addf %add3A_29, %exp3A : vector<8000x128xf32>
    %div3A = arith.constant 1.000000e+00 : f32
    %div3A_31 = vector.broadcast %div3A : f32 to vector<8000x128xf32>
    %div3A_32 = arith.divf %div3A_31, %add3A_30 : vector<8000x128xf32>
    %mul3A = arith.mulf %add3A_25, %div3A_32 : vector<8000x128xf32>
    %dot_general3A_33 = arith.constant dense<0.000000e+00> : vector<8000x128xf32>
    %dot_general3A_34 = tpu.matmul %mul3A, %get3A_10, %dot_general3A_33 {dimension_numbers = #tpu.dot_dimension_numbers<[1], [0], [0], [1], [0, 0, 1, 1], [], []>, transpose_lhs_hint = false} : vector<8000x128xf32>, vector<128x128xf32>, vector<8000x128xf32> -> vector<8000x128xf32>
    %add3A_35 = vector.broadcast %get3A_16 : vector<1x128xf32> to vector<8000x128xf32>
    %add3A_36 = arith.addf %dot_general3A_34, %add3A_35 : vector<8000x128xf32>
    %reduce_sum3A = arith.constant dense<0.000000e+00> : vector<8000xf32>
    %reduce_sum3A_37 = vector.multi_reduction <add>, %add3A_36, %reduce_sum3A [1] : vector<8000x128xf32> to vector<8000xf32>
    %broadcast_in_dim3A = vector.shape_cast %reduce_sum3A_37 : vector<8000xf32> to vector<8000x1xf32>
    %div3A_38 = arith.constant 1.280000e+02 : f32
    %div3A_39 = vector.broadcast %div3A_38 : f32 to vector<8000x1xf32>
    %div3A_40 = arith.divf %broadcast_in_dim3A, %div3A_39 : vector<8000x1xf32>
    %sub3A = vector.broadcast %div3A_40 : vector<8000x1xf32> to vector<8000x128xf32>
    %sub3A_41 = arith.subf %add3A_36, %sub3A : vector<8000x128xf32>
    %mul3A_42 = arith.mulf %sub3A_41, %sub3A_41 : vector<8000x128xf32>
    %reduce_sum3A_43 = arith.constant dense<0.000000e+00> : vector<8000xf32>
    %reduce_sum3A_44 = vector.multi_reduction <add>, %mul3A_42, %reduce_sum3A_43 [1] : vector<8000x128xf32> to vector<8000xf32>
    %broadcast_in_dim3A_45 = vector.shape_cast %reduce_sum3A_44 : vector<8000xf32> to vector<8000x1xf32>
    %div3A_46 = arith.constant 1.280000e+02 : f32
    %div3A_47 = vector.broadcast %div3A_46 : f32 to vector<8000x1xf32>
    %div3A_48 = arith.divf %broadcast_in_dim3A_45, %div3A_47 : vector<8000x1xf32>
    %mul3A_49 = vector.broadcast %get3A_19 : vector<1x128xf32> to vector<8000x128xf32>
    %mul3A_50 = arith.mulf %mul3A_49, %sub3A_41 : vector<8000x128xf32>
    %add3A_51 = arith.constant 9.99999974E-6 : f32
    %add3A_52 = vector.broadcast %add3A_51 : f32 to vector<8000x1xf32>
    %add3A_53 = arith.addf %div3A_48, %add3A_52 : vector<8000x1xf32>
    %rsqrt3A = math.rsqrt %add3A_53 : vector<8000x1xf32>
    %mul3A_54 = vector.broadcast %rsqrt3A : vector<8000x1xf32> to vector<8000x128xf32>
    %mul3A_55 = arith.mulf %mul3A_50, %mul3A_54 : vector<8000x128xf32>
    %add3A_56 = vector.broadcast %get3A_22 : vector<1x128xf32> to vector<8000x128xf32>
    %add3A_57 = arith.addf %mul3A_55, %add3A_56 : vector<8000x128xf32>
    %add3A_58 = arith.addf %add3A_57, %get3A_1 : vector<8000x128xf32>
    %swap3A = arith.constant 0 : index
    %swap3A_59 = arith.constant 0 : index
    %swap3A_60 = vector.load %arg10[%swap3A, %swap3A_59] : memref<8000x128xf32, #tpu.memory_space<vmem>>, vector<8000x128xf32>
    tpu.vector_store %arg10[%swap3A, %swap3A_59], %add3A_58 {strides = array<i32>} : memref<8000x128xf32, #tpu.memory_space<vmem>>, vector<8000x128xf32>,
    return
  }
  func.func @transform_0(%arg0: i32) -> (i32, i32) {
    %add3A = arith.constant 10 : i32
    %add3A_0 = arith.addi %add3A, %arg0 : i32
    %c0_i32 = arith.constant 0 : i32
    %c0_i32_1 = arith.constant 0 : i32
    return %add3A_0, %c0_i32 : i32, i32
  }
  func.func @transform_1(%arg0: i32) -> (i32, i32) {
    %c0_i32 = arith.constant 0 : i32
    %c0_i32_0 = arith.constant 0 : i32
    return %arg0, %c0_i32 : i32, i32
  }
  func.func @transform_2(%arg0: i32) -> (i32, i32) {
    %c0_i32 = arith.constant 0 : i32
    %c0_i32_0 = arith.constant 0 : i32
    %c0_i32_1 = arith.constant 0 : i32
    return %c0_i32, %c0_i32_0 : i32, i32
  }
  func.func @transform_3(%arg0: i32) -> (i32, i32) {
    %c0_i32 = arith.constant 0 : i32
    %c0_i32_0 = arith.constant 0 : i32
    %c0_i32_1 = arith.constant 0 : i32
    return %c0_i32, %c0_i32_0 : i32, i32
  }
  func.func @transform_4(%arg0: i32) -> (i32, i32) {
    %c0_i32 = arith.constant 0 : i32
    %c0_i32_0 = arith.constant 0 : i32
    %c0_i32_1 = arith.constant 0 : i32
    return %c0_i32, %c0_i32_0 : i32, i32
  }
  func.func @transform_5(%arg0: i32) -> (i32, i32) {
    %c0_i32 = arith.constant 0 : i32
    %c0_i32_0 = arith.constant 0 : i32
    %c0_i32_1 = arith.constant 0 : i32
    return %c0_i32, %c0_i32_0 : i32, i32
  }
  func.func @transform_6(%arg0: i32) -> (i32, i32) {
    %c0_i32 = arith.constant 0 : i32
    %c0_i32_0 = arith.constant 0 : i32
    %c0_i32_1 = arith.constant 0 : i32
    return %c0_i32, %c0_i32_0 : i32, i32
  }
  func.func @transform_7(%arg0: i32) -> (i32, i32) {
    %c0_i32 = arith.constant 0 : i32
    %c0_i32_0 = arith.constant 0 : i32
    %c0_i32_1 = arith.constant 0 : i32
    return %c0_i32, %c0_i32_0 : i32, i32
  }
  func.func @transform_9(%arg0: i32) -> (i32, i32) {
    %add3A = arith.constant 10 : i32
    %add3A_0 = arith.addi %add3A, %arg0 : i32
    %c0_i32 = arith.constant 0 : i32
    %c0_i32_1 = arith.constant 0 : i32
    return %add3A_0, %c0_i32 : i32, i32
  }
}

module attributes {stable_mosaic.version = 14 : i64} {
  func.func @_edge_body_alias(%arg0: i32, %arg1: memref<8000x128xf32, #tpu.memory_space<vmem>>, %arg2: memref<8000x128xf32, #tpu.memory_space<vmem>>, %arg3: memref<128x128xf32, #tpu.memory_space<vmem>>, %arg4: memref<128x128xf32, #tpu.memory_space<vmem>>, %arg5: memref<1x128xf32, #tpu.memory_space<vmem>>, %arg6: memref<1x128xf32, #tpu.memory_space<vmem>>, %arg7: memref<1x128xf32, #tpu.memory_space<vmem>>, %arg8: memref<1x128xf32, #tpu.memory_space<vmem>>, %arg9: memref<320000x128xf32, #tpu.memory_space<any>>, %arg10: memref<8000x128xf32, #tpu.memory_space<vmem>>) attributes {dimension_semantics = [#tpu.dimension_semantics<arbitrary>], iteration_bounds = array<i64: 10>, scalar_prefetch = 0 : i64, scratch_operands = 0 : i64, tpu.core_type = #tpu.core_type<tc>, window_params = [{transform_indices = @transform_0, window_bounds = array<i64: 8000, 128>}, {transform_indices = @transform_1, window_bounds = array<i64: 8000, 128>}, {pipeline_mode = #tpu.pipeline_mode<synchronous>, transform_indices = @transform_2, window_bounds = array<i64: 128, 128>}, {pipeline_mode = #tpu.pipeline_mode<synchronous>, transform_indices = @transform_3, window_bounds = array<i64: 128, 128>}, {pipeline_mode = #tpu.pipeline_mode<synchronous>, transform_indices = @transform_4, window_bounds = array<i64: 1, 128>}, {pipeline_mode = #tpu.pipeline_mode<synchronous>, transform_indices = @transform_5, window_bounds = array<i64: 1, 128>}, {pipeline_mode = #tpu.pipeline_mode<synchronous>, transform_indices = @transform_6, window_bounds = array<i64: 1, 128>}, {pipeline_mode = #tpu.pipeline_mode<synchronous>, transform_indices = @transform_7, window_bounds = array<i64: 1, 128>}, {}, {transform_indices = @transform_9, window_bounds = array<i64: 8000, 128>}]} {
    %get3A = arith.constant 0 : index
    %get3A_0 = arith.constant 0 : index
    %get3A_1 = vector.load %arg1[%get3A, %get3A_0] : memref<8000x128xf32, #tpu.memory_space<vmem>>, vector<8000x128xf32>
    %get3A_2 = arith.constant 0 : index
    %get3A_3 = arith.constant 0 : index
    %get3A_4 = vector.load %arg2[%get3A_2, %get3A_3] : memref<8000x128xf32, #tpu.memory_space<vmem>>, vector<8000x128xf32>
    %get3A_5 = arith.constant 0 : index
    %get3A_6 = arith.constant 0 : index
    %get3A_7 = vector.load %arg3[%get3A_5, %get3A_6] : memref<128x128xf32, #tpu.memory_space<vmem>>, vector<128x128xf32>
    %get3A_8 = arith.constant 0 : index
    %get3A_9 = arith.constant 0 : index
    %get3A_10 = vector.load %arg4[%get3A_8, %get3A_9] : memref<128x128xf32, #tpu.memory_space<vmem>>, vector<128x128xf32>
    %get3A_11 = arith.constant 0 : index
    %get3A_12 = arith.constant 0 : index
    %get3A_13 = vector.load %arg5[%get3A_11, %get3A_12] : memref<1x128xf32, #tpu.memory_space<vmem>>, vector<1x128xf32>
    %get3A_14 = arith.constant 0 : index
    %get3A_15 = arith.constant 0 : index
    %get3A_16 = vector.load %arg6[%get3A_14, %get3A_15] : memref<1x128xf32, #tpu.memory_space<vmem>>, vector<1x128xf32>
    %get3A_17 = arith.constant 0 : index
    %get3A_18 = arith.constant 0 : index
    %get3A_19 = vector.load %arg7[%get3A_17, %get3A_18] : memref<1x128xf32, #tpu.memory_space<vmem>>, vector<1x128xf32>
    %get3A_20 = arith.constant 0 : index
    %get3A_21 = arith.constant 0 : index
    %get3A_22 = vector.load %arg8[%get3A_20, %get3A_21] : memref<1x128xf32, #tpu.memory_space<vmem>>, vector<1x128xf32>
    %dot_general3A = arith.constant dense<0.000000e+00> : vector<8000x128xf32>
    %dot_general3A_23 = tpu.matmul %get3A_1, %get3A_7, %dot_general3A {dimension_numbers = #tpu.dot_dimension_numbers<[1], [0], [0], [1], [0, 0, 1, 1], [], []>, transpose_lhs_hint = false} : vector<8000x128xf32>, vector<128x128xf32>, vector<8000x128xf32> -> vector<8000x128xf32>
    %add3A = arith.addf %dot_general3A_23, %get3A_4 : vector<8000x128xf32>
    %add3A_24 = vector.broadcast %get3A_13 : vector<1x128xf32> to vector<8000x128xf32>
    %add3A_25 = arith.addf %add3A, %add3A_24 : vector<8000x128xf32>
    %neg3A = arith.constant 0.000000e+00 : f32
    %neg3A_26 = vector.broadcast %neg3A : f32 to vector<8000x128xf32>
    %neg3A_27 = arith.subf %neg3A_26, %add3A_25 : vector<8000x128xf32>
    %exp3A = math.exp %neg3A_27 : vector<8000x128xf32>
    %add3A_28 = arith.constant 1.000000e+00 : f32
    %add3A_29 = vector.broadcast %add3A_28 : f32 to vector<8000x128xf32>
    %add3A_30 = arith.addf %add3A_29, %exp3A : vector<8000x128xf32>
    %div3A = arith.constant 1.000000e+00 : f32
    %div3A_31 = vector.broadcast %div3A : f32 to vector<8000x128xf32>
    %div3A_32 = arith.divf %div3A_31, %add3A_30 : vector<8000x128xf32>
    %mul3A = arith.mulf %add3A_25, %div3A_32 : vector<8000x128xf32>
    %dot_general3A_33 = arith.constant dense<0.000000e+00> : vector<8000x128xf32>
    %dot_general3A_34 = tpu.matmul %mul3A, %get3A_10, %dot_general3A_33 {dimension_numbers = #tpu.dot_dimension_numbers<[1], [0], [0], [1], [0, 0, 1, 1], [], []>, transpose_lhs_hint = false} : vector<8000x128xf32>, vector<128x128xf32>, vector<8000x128xf32> -> vector<8000x128xf32>
    %add3A_35 = vector.broadcast %get3A_16 : vector<1x128xf32> to vector<8000x128xf32>
    %add3A_36 = arith.addf %dot_general3A_34, %add3A_35 : vector<8000x128xf32>
    %reduce_sum3A = arith.constant dense<0.000000e+00> : vector<8000xf32>
    %reduce_sum3A_37 = vector.multi_reduction <add>, %add3A_36, %reduce_sum3A [1] : vector<8000x128xf32> to vector<8000xf32>
    %broadcast_in_dim3A = vector.shape_cast %reduce_sum3A_37 : vector<8000xf32> to vector<8000x1xf32>
    %div3A_38 = arith.constant 1.280000e+02 : f32
    %div3A_39 = vector.broadcast %div3A_38 : f32 to vector<8000x1xf32>
    %div3A_40 = arith.divf %broadcast_in_dim3A, %div3A_39 : vector<8000x1xf32>
    %sub3A = vector.broadcast %div3A_40 : vector<8000x1xf32> to vector<8000x128xf32>
    %sub3A_41 = arith.subf %add3A_36, %sub3A : vector<8000x128xf32>
    %mul3A_42 = arith.mulf %sub3A_41, %sub3A_41 : vector<8000x128xf32>
    %reduce_sum3A_43 = arith.constant dense<0.000000e+00> : vector<8000xf32>
    %reduce_sum3A_44 = vector.multi_reduction <add>, %mul3A_42, %reduce_sum3A_43 [1] : vector<8000x128xf32> to vector<8000xf32>
    %broadcast_in_dim3A_45 = vector.shape_cast %reduce_sum3A_44 : vector<8000xf32> to vector<8000x1xf32>
    %div3A_46 = arith.constant 1.280000e+02 : f32
    %div3A_47 = vector.broadcast %div3A_46 : f32 to vector<8000x1xf32>
    %div3A_48 = arith.divf %broadcast_in_dim3A_45, %div3A_47 : vector<8000x1xf32>
    %mul3A_49 = vector.broadcast %get3A_19 : vector<1x128xf32> to vector<8000x128xf32>
    %mul3A_50 = arith.mulf %mul3A_49, %sub3A_41 : vector<8000x128xf32>
    %add3A_51 = arith.constant 9.99999974E-6 : f32
    %add3A_52 = vector.broadcast %add3A_51 : f32 to vector<8000x1xf32>
    %add3A_53 = arith.addf %div3A_48, %add3A_52 : vector<8000x1xf32>
    %rsqrt3A = math.rsqrt %add3A_53 : vector<8000x1xf32>
    %mul3A_54 = vector.broadcast %rsqrt3A : vector<8000x1xf32> to vector<8000x128xf32>
    %mul3A_55 = arith.mulf %mul3A_50, %mul3A_54 : vector<8000x128xf32>
    %add3A_56 = vector.broadcast %get3A_22 : vector<1x128xf32> to vector<8000x128xf32>
    %add3A_57 = arith.addf %mul3A_55, %add3A_56 : vector<8000x128xf32>
    %add3A_58 = arith.addf %add3A_57, %get3A_1 : vector<8000x128xf32>
    %swap3A = arith.constant 0 : index
    %swap3A_59 = arith.constant 0 : index
    %swap3A_60 = vector.load %arg10[%swap3A, %swap3A_59] : memref<8000x128xf32, #tpu.memory_space<vmem>>, vector<8000x128xf32>
    tpu.vector_store %arg10[%swap3A, %swap3A_59], %add3A_58 {strides = array<i32>} : memref<8000x128xf32, #tpu.memory_space<vmem>>, vector<8000x128xf32>,
    return
  }
  func.func @transform_0(%arg0: i32) -> (i32, i32) {
    %add3A = arith.constant 20 : i32
    %add3A_0 = arith.addi %add3A, %arg0 : i32
    %c0_i32 = arith.constant 0 : i32
    %c0_i32_1 = arith.constant 0 : i32
    return %add3A_0, %c0_i32 : i32, i32
  }
  func.func @transform_1(%arg0: i32) -> (i32, i32) {
    %c0_i32 = arith.constant 0 : i32
    %c0_i32_0 = arith.constant 0 : i32
    return %arg0, %c0_i32 : i32, i32
  }
  func.func @transform_2(%arg0: i32) -> (i32, i32) {
    %c0_i32 = arith.constant 0 : i32
    %c0_i32_0 = arith.constant 0 : i32
    %c0_i32_1 = arith.constant 0 : i32
    return %c0_i32, %c0_i32_0 : i32, i32
  }
  func.func @transform_3(%arg0: i32) -> (i32, i32) {
    %c0_i32 = arith.constant 0 : i32
    %c0_i32_0 = arith.constant 0 : i32
    %c0_i32_1 = arith.constant 0 : i32
    return %c0_i32, %c0_i32_0 : i32, i32
  }
  func.func @transform_4(%arg0: i32) -> (i32, i32) {
    %c0_i32 = arith.constant 0 : i32
    %c0_i32_0 = arith.constant 0 : i32
    %c0_i32_1 = arith.constant 0 : i32
    return %c0_i32, %c0_i32_0 : i32, i32
  }
  func.func @transform_5(%arg0: i32) -> (i32, i32) {
    %c0_i32 = arith.constant 0 : i32
    %c0_i32_0 = arith.constant 0 : i32
    %c0_i32_1 = arith.constant 0 : i32
    return %c0_i32, %c0_i32_0 : i32, i32
  }
  func.func @transform_6(%arg0: i32) -> (i32, i32) {
    %c0_i32 = arith.constant 0 : i32
    %c0_i32_0 = arith.constant 0 : i32
    %c0_i32_1 = arith.constant 0 : i32
    return %c0_i32, %c0_i32_0 : i32, i32
  }
  func.func @transform_7(%arg0: i32) -> (i32, i32) {
    %c0_i32 = arith.constant 0 : i32
    %c0_i32_0 = arith.constant 0 : i32
    %c0_i32_1 = arith.constant 0 : i32
    return %c0_i32, %c0_i32_0 : i32, i32
  }
  func.func @transform_9(%arg0: i32) -> (i32, i32) {
    %add3A = arith.constant 20 : i32
    %add3A_0 = arith.addi %add3A, %arg0 : i32
    %c0_i32 = arith.constant 0 : i32
    %c0_i32_1 = arith.constant 0 : i32
    return %add3A_0, %c0_i32 : i32, i32
  }
}

module attributes {stable_mosaic.version = 14 : i64} {
  func.func @_edge_body_alias(%arg0: i32, %arg1: memref<8000x128xf32, #tpu.memory_space<vmem>>, %arg2: memref<8000x128xf32, #tpu.memory_space<vmem>>, %arg3: memref<128x128xf32, #tpu.memory_space<vmem>>, %arg4: memref<128x128xf32, #tpu.memory_space<vmem>>, %arg5: memref<1x128xf32, #tpu.memory_space<vmem>>, %arg6: memref<1x128xf32, #tpu.memory_space<vmem>>, %arg7: memref<1x128xf32, #tpu.memory_space<vmem>>, %arg8: memref<1x128xf32, #tpu.memory_space<vmem>>, %arg9: memref<320000x128xf32, #tpu.memory_space<any>>, %arg10: memref<8000x128xf32, #tpu.memory_space<vmem>>) attributes {dimension_semantics = [#tpu.dimension_semantics<arbitrary>], iteration_bounds = array<i64: 10>, scalar_prefetch = 0 : i64, scratch_operands = 0 : i64, tpu.core_type = #tpu.core_type<tc>, window_params = [{transform_indices = @transform_0, window_bounds = array<i64: 8000, 128>}, {transform_indices = @transform_1, window_bounds = array<i64: 8000, 128>}, {pipeline_mode = #tpu.pipeline_mode<synchronous>, transform_indices = @transform_2, window_bounds = array<i64: 128, 128>}, {pipeline_mode = #tpu.pipeline_mode<synchronous>, transform_indices = @transform_3, window_bounds = array<i64: 128, 128>}, {pipeline_mode = #tpu.pipeline_mode<synchronous>, transform_indices = @transform_4, window_bounds = array<i64: 1, 128>}, {pipeline_mode = #tpu.pipeline_mode<synchronous>, transform_indices = @transform_5, window_bounds = array<i64: 1, 128>}, {pipeline_mode = #tpu.pipeline_mode<synchronous>, transform_indices = @transform_6, window_bounds = array<i64: 1, 128>}, {pipeline_mode = #tpu.pipeline_mode<synchronous>, transform_indices = @transform_7, window_bounds = array<i64: 1, 128>}, {}, {transform_indices = @transform_9, window_bounds = array<i64: 8000, 128>}]} {
    %get3A = arith.constant 0 : index
    %get3A_0 = arith.constant 0 : index
    %get3A_1 = vector.load %arg1[%get3A, %get3A_0] : memref<8000x128xf32, #tpu.memory_space<vmem>>, vector<8000x128xf32>
    %get3A_2 = arith.constant 0 : index
    %get3A_3 = arith.constant 0 : index
    %get3A_4 = vector.load %arg2[%get3A_2, %get3A_3] : memref<8000x128xf32, #tpu.memory_space<vmem>>, vector<8000x128xf32>
    %get3A_5 = arith.constant 0 : index
    %get3A_6 = arith.constant 0 : index
    %get3A_7 = vector.load %arg3[%get3A_5, %get3A_6] : memref<128x128xf32, #tpu.memory_space<vmem>>, vector<128x128xf32>
    %get3A_8 = arith.constant 0 : index
    %get3A_9 = arith.constant 0 : index
    %get3A_10 = vector.load %arg4[%get3A_8, %get3A_9] : memref<128x128xf32, #tpu.memory_space<vmem>>, vector<128x128xf32>
    %get3A_11 = arith.constant 0 : index
    %get3A_12 = arith.constant 0 : index
    %get3A_13 = vector.load %arg5[%get3A_11, %get3A_12] : memref<1x128xf32, #tpu.memory_space<vmem>>, vector<1x128xf32>
    %get3A_14 = arith.constant 0 : index
    %get3A_15 = arith.constant 0 : index
    %get3A_16 = vector.load %arg6[%get3A_14, %get3A_15] : memref<1x128xf32, #tpu.memory_space<vmem>>, vector<1x128xf32>
    %get3A_17 = arith.constant 0 : index
    %get3A_18 = arith.constant 0 : index
    %get3A_19 = vector.load %arg7[%get3A_17, %get3A_18] : memref<1x128xf32, #tpu.memory_space<vmem>>, vector<1x128xf32>
    %get3A_20 = arith.constant 0 : index
    %get3A_21 = arith.constant 0 : index
    %get3A_22 = vector.load %arg8[%get3A_20, %get3A_21] : memref<1x128xf32, #tpu.memory_space<vmem>>, vector<1x128xf32>
    %dot_general3A = arith.constant dense<0.000000e+00> : vector<8000x128xf32>
    %dot_general3A_23 = tpu.matmul %get3A_1, %get3A_7, %dot_general3A {dimension_numbers = #tpu.dot_dimension_numbers<[1], [0], [0], [1], [0, 0, 1, 1], [], []>, transpose_lhs_hint = false} : vector<8000x128xf32>, vector<128x128xf32>, vector<8000x128xf32> -> vector<8000x128xf32>
    %add3A = arith.addf %dot_general3A_23, %get3A_4 : vector<8000x128xf32>
    %add3A_24 = vector.broadcast %get3A_13 : vector<1x128xf32> to vector<8000x128xf32>
    %add3A_25 = arith.addf %add3A, %add3A_24 : vector<8000x128xf32>
    %neg3A = arith.constant 0.000000e+00 : f32
    %neg3A_26 = vector.broadcast %neg3A : f32 to vector<8000x128xf32>
    %neg3A_27 = arith.subf %neg3A_26, %add3A_25 : vector<8000x128xf32>
    %exp3A = math.exp %neg3A_27 : vector<8000x128xf32>
    %add3A_28 = arith.constant 1.000000e+00 : f32
    %add3A_29 = vector.broadcast %add3A_28 : f32 to vector<8000x128xf32>
    %add3A_30 = arith.addf %add3A_29, %exp3A : vector<8000x128xf32>
    %div3A = arith.constant 1.000000e+00 : f32
    %div3A_31 = vector.broadcast %div3A : f32 to vector<8000x128xf32>
    %div3A_32 = arith.divf %div3A_31, %add3A_30 : vector<8000x128xf32>
    %mul3A = arith.mulf %add3A_25, %div3A_32 : vector<8000x128xf32>
    %dot_general3A_33 = arith.constant dense<0.000000e+00> : vector<8000x128xf32>
    %dot_general3A_34 = tpu.matmul %mul3A, %get3A_10, %dot_general3A_33 {dimension_numbers = #tpu.dot_dimension_numbers<[1], [0], [0], [1], [0, 0, 1, 1], [], []>, transpose_lhs_hint = false} : vector<8000x128xf32>, vector<128x128xf32>, vector<8000x128xf32> -> vector<8000x128xf32>
    %add3A_35 = vector.broadcast %get3A_16 : vector<1x128xf32> to vector<8000x128xf32>
    %add3A_36 = arith.addf %dot_general3A_34, %add3A_35 : vector<8000x128xf32>
    %reduce_sum3A = arith.constant dense<0.000000e+00> : vector<8000xf32>
    %reduce_sum3A_37 = vector.multi_reduction <add>, %add3A_36, %reduce_sum3A [1] : vector<8000x128xf32> to vector<8000xf32>
    %broadcast_in_dim3A = vector.shape_cast %reduce_sum3A_37 : vector<8000xf32> to vector<8000x1xf32>
    %div3A_38 = arith.constant 1.280000e+02 : f32
    %div3A_39 = vector.broadcast %div3A_38 : f32 to vector<8000x1xf32>
    %div3A_40 = arith.divf %broadcast_in_dim3A, %div3A_39 : vector<8000x1xf32>
    %sub3A = vector.broadcast %div3A_40 : vector<8000x1xf32> to vector<8000x128xf32>
    %sub3A_41 = arith.subf %add3A_36, %sub3A : vector<8000x128xf32>
    %mul3A_42 = arith.mulf %sub3A_41, %sub3A_41 : vector<8000x128xf32>
    %reduce_sum3A_43 = arith.constant dense<0.000000e+00> : vector<8000xf32>
    %reduce_sum3A_44 = vector.multi_reduction <add>, %mul3A_42, %reduce_sum3A_43 [1] : vector<8000x128xf32> to vector<8000xf32>
    %broadcast_in_dim3A_45 = vector.shape_cast %reduce_sum3A_44 : vector<8000xf32> to vector<8000x1xf32>
    %div3A_46 = arith.constant 1.280000e+02 : f32
    %div3A_47 = vector.broadcast %div3A_46 : f32 to vector<8000x1xf32>
    %div3A_48 = arith.divf %broadcast_in_dim3A_45, %div3A_47 : vector<8000x1xf32>
    %mul3A_49 = vector.broadcast %get3A_19 : vector<1x128xf32> to vector<8000x128xf32>
    %mul3A_50 = arith.mulf %mul3A_49, %sub3A_41 : vector<8000x128xf32>
    %add3A_51 = arith.constant 9.99999974E-6 : f32
    %add3A_52 = vector.broadcast %add3A_51 : f32 to vector<8000x1xf32>
    %add3A_53 = arith.addf %div3A_48, %add3A_52 : vector<8000x1xf32>
    %rsqrt3A = math.rsqrt %add3A_53 : vector<8000x1xf32>
    %mul3A_54 = vector.broadcast %rsqrt3A : vector<8000x1xf32> to vector<8000x128xf32>
    %mul3A_55 = arith.mulf %mul3A_50, %mul3A_54 : vector<8000x128xf32>
    %add3A_56 = vector.broadcast %get3A_22 : vector<1x128xf32> to vector<8000x128xf32>
    %add3A_57 = arith.addf %mul3A_55, %add3A_56 : vector<8000x128xf32>
    %add3A_58 = arith.addf %add3A_57, %get3A_1 : vector<8000x128xf32>
    %swap3A = arith.constant 0 : index
    %swap3A_59 = arith.constant 0 : index
    %swap3A_60 = vector.load %arg10[%swap3A, %swap3A_59] : memref<8000x128xf32, #tpu.memory_space<vmem>>, vector<8000x128xf32>
    tpu.vector_store %arg10[%swap3A, %swap3A_59], %add3A_58 {strides = array<i32>} : memref<8000x128xf32, #tpu.memory_space<vmem>>, vector<8000x128xf32>,
    return
  }
  func.func @transform_0(%arg0: i32) -> (i32, i32) {
    %add3A = arith.constant 30 : i32
    %add3A_0 = arith.addi %add3A, %arg0 : i32
    %c0_i32 = arith.constant 0 : i32
    %c0_i32_1 = arith.constant 0 : i32
    return %add3A_0, %c0_i32 : i32, i32
  }
  func.func @transform_1(%arg0: i32) -> (i32, i32) {
    %c0_i32 = arith.constant 0 : i32
    %c0_i32_0 = arith.constant 0 : i32
    return %arg0, %c0_i32 : i32, i32
  }
  func.func @transform_2(%arg0: i32) -> (i32, i32) {
    %c0_i32 = arith.constant 0 : i32
    %c0_i32_0 = arith.constant 0 : i32
    %c0_i32_1 = arith.constant 0 : i32
    return %c0_i32, %c0_i32_0 : i32, i32
  }
  func.func @transform_3(%arg0: i32) -> (i32, i32) {
    %c0_i32 = arith.constant 0 : i32
    %c0_i32_0 = arith.constant 0 : i32
    %c0_i32_1 = arith.constant 0 : i32
    return %c0_i32, %c0_i32_0 : i32, i32
  }
  func.func @transform_4(%arg0: i32) -> (i32, i32) {
    %c0_i32 = arith.constant 0 : i32
    %c0_i32_0 = arith.constant 0 : i32
    %c0_i32_1 = arith.constant 0 : i32
    return %c0_i32, %c0_i32_0 : i32, i32
  }
  func.func @transform_5(%arg0: i32) -> (i32, i32) {
    %c0_i32 = arith.constant 0 : i32
    %c0_i32_0 = arith.constant 0 : i32
    %c0_i32_1 = arith.constant 0 : i32
    return %c0_i32, %c0_i32_0 : i32, i32
  }
  func.func @transform_6(%arg0: i32) -> (i32, i32) {
    %c0_i32 = arith.constant 0 : i32
    %c0_i32_0 = arith.constant 0 : i32
    %c0_i32_1 = arith.constant 0 : i32
    return %c0_i32, %c0_i32_0 : i32, i32
  }
  func.func @transform_7(%arg0: i32) -> (i32, i32) {
    %c0_i32 = arith.constant 0 : i32
    %c0_i32_0 = arith.constant 0 : i32
    %c0_i32_1 = arith.constant 0 : i32
    return %c0_i32, %c0_i32_0 : i32, i32
  }
  func.func @transform_9(%arg0: i32) -> (i32, i32) {
    %add3A = arith.constant 30 : i32
    %add3A_0 = arith.addi %add3A, %arg0 : i32
    %c0_i32 = arith.constant 0 : i32
    %c0_i32_1 = arith.constant 0 : i32
    return %add3A_0, %c0_i32 : i32, i32
  }
}

</mosaic_0001>

<sc_bundles>
// kernel: kernel.11.cloned.1.call-start
scs
__scs_entry_jumppad:
0x0: {  	(pc) =	sbr.rel $0x88, $3  }
0x1: {  	(tag) =	ssettag $0x0;
	lr =	simm.s32 $0x1  }
0x2: {  	[smem:$0x3F96] =	sst lr;
	_ =	strace $0xD0000000  }
0x3: {  	_ = 	snop  }
0x4: {  	_ = 	snop  }
0x5: {  	_ = 	snop  }
0x6: {  	_ = 	snop  }
0x7: {  	_ = 	snop  }
__scs_overlays_trampoline_lowered:
0x8: {  	[smem:$0x3FA5] =	sst s0  }
0x9: {  	[smem:$0x3FA6] =	sst s1  }
0xa: {  	[smem:$0x3FA7] =	sst s2  }
0xb: {  	[smem:$0x3FA8] =	sst s3  }
0xc: {  	[smem:$0x3FA9] =	sst s4  }
0xd: {  	[smem:$0x3FAA] =	sst s5  }
0xe: {  	[smem:$0x3FAB] =	sst s6  }
0xf: {  	[smem:$0x3FAC] =	sst s7  }
0x10: {  	[smem:$0x3FAD] =	sst s8  }
0x11: {  	[smem:$0x3FAE] =	sst s9;
	s0 =	simm.s32 @!p0 $0x0  }
0x12: {  	s1 =	sld [smem:$0x3F94];
	s0 =	simm.s32 @p0 $0x1  }
0x13: {  	[smem:$0x3FAF] =	sst s0;
	s0 =	simm.s32 @!p1 $0x0  }
0x14: {  	s2 =	sld [smem:$0x3F93];
	s0 =	simm.s32 @p1 $0x1  }
0x15: {  	[smem:$0x3FB0] =	sst s0;
	s0 =	simm.s32 @!p2 $0x0  }
0x16: {  	s3 =	sld [smem:$0x3FDB];
	s0 =	simm.s32 @p2 $0x1  }
0x17: {  	s4 =	simm.s32 $0x1BF5;
	[smem:$0x3FB2] =	sst s0  }
0x18: {  	s0 =	sld [smem:$0x3F95];
	_ =	swait.ge [sflag:s4], $0x0  }
0x19: {  	s7 =	sld [smem:$0x3F96]  }
0x1a: {  	s8 =	sadd.s32 $0xFFFFE003, lr  }
0x1b: {  	s9 =	sadd.s32 $0xFFFFFEF7, lr;
	s5 =	simm.s32 $0xFFFFFFFF;
	p2 =	slt.u32 s8, $0xFFFFF086  }
0x1c: {  	p1 =	slt.u32 s9, $0xF7A;
	s5 =	simm.s32 @!p2 $0x0  }
0x1d: {  	s5 =	simm.s32 @p1 $0x1;
	p0 =	seq.s32 s7, s2  }
0x1e: {  	s7 =	smul.u32 @!p0 $0xF7A, s2;
	p2 =	seq.s32 @!p0 s5, $0x0  }
0x1f: {  	s9 =	smul.u32 $0xF7A, s1;
	s8 =	simm.s32 @!p0 $0x1BF5;
	p2 =	por !p2, p0  }
0x20: {  	[sflag:s8] =	ssyncset.s32 @!p0 $0xFFFFF086;
	s6 =	sadd.s32 @!p0 s3, s7;
	s7 =	simm.s32 @!p0 $0x108  }
0x21: {  	s3 =	sadd.s32 s3, s9;
	s6 =	sadd.s32 @!p0 $0x88, s6;
	s7 =	simm.s32 @p2 $0x1082  }
0x22: {  	[simem:s7], [sflag:s8] =	dma.local @!p0 [hbm:s6], $0xF7A  }
0x23: {  	s9 =	sor.u32 $0xD0000000, s2;
	s6 =	simm.s32 $0x108;
	_ =	swait.ge @!p0 [sflag:s8], $0x0  }
0x24: {  	s3 =	sadd.s32 $0x88, s3;
	s6 =	simm.s32 @!p1 $0x1082;
	[sflag:s4] =	ssyncset.s32 $0xFFFFF086  }
0x25: {  	[simem:s6], [sflag:s4] =	dma.local [hbm:s3], $0xF7A  }
0x26: {  	[smem:$0x3F96] =	sst s1;
	(tag) =	ssettag s2;
	_ =	strace s9  }
0x27: {  	s1 =	sld [smem:$0x3FA6]  }
0x28: {  	s2 =	sld [smem:$0x3FA7]  }
0x29: {  	s4 =	sld [smem:$0x3FA9]  }
0x2a: {  	p0 =	seq.s32 s5, $0x0;
	s5 =	sld [smem:$0x3FAA]  }
0x2b: {  	s6 =	sld [smem:$0x3FAB]  }
0x2c: {  	s7 =	sld [smem:$0x3FAC]  }
0x2d: {  	s3 =	simm.s32 $0x108;
	s8 =	sld [smem:$0x3FAD]  }
0x2e: {  	s3 =	simm.s32 @!p0 $0x1082;
	s9 =	sld [smem:$0x3FAE]  }
0x2f: {  	lr =	sadd.s32 s0, s3;
	s0 =	sld [smem:$0x3FA5]  }
0x30: {  	s3 =	sld [smem:$0x3FA8]  }
0x31: {  	[smem:$0x3FB1] =	sst s10  }
0x32: {  	s10 =	sld [smem:$0x3FAF];
	_ =	sdelay $0x3  }
0x33: {  	p0 =	seq.s32 s10, $0x1;
	s10 =	sld [smem:$0x3FB1];
	_ =	sdelay $0x3  }
0x34: {  	[smem:$0x3FB1] =	sst s10  }
0x35: {  	s10 =	sld [smem:$0x3FB0];
	_ =	sdelay $0x3  }
0x36: {  	p1 =	seq.s32 s10, $0x1;
	s10 =	sld [smem:$0x3FB1];
	_ =	sdelay $0x3  }
0x37: {  	[smem:$0x3FB1] =	sst s10  }
0x38: {  	s10 =	sld [smem:$0x3FB2]  }
0x39: {  	_ = 	snop;
	(pc) =	sbr.ind lr, $3  }
0x3a: {  	_ = 	snop  }
0x3b: {  	_ = 	snop  }
0x3c: {  	p2 =	seq.s32 s10, $0x1;
	s10 =	sld [smem:$0x3FB1]  }
0x3d: {  	_ =	shalt  }
0x3e: {  	_ =	shalt  }
0x3f: {  	_ =	shalt  }
0x40: {  	_ =	shalt  }
0x41: {  	_ =	shalt  }
0x42: {  	_ =	shalt  }
0x43: {  	_ =	shalt  }
0x44: {  	_ =	shalt  }
0x45: {  	_ =	shalt  }
0x46: {  	_ =	shalt  }
0x47: {  	_ =	shalt  }
0x48: {  	_ =	shalt  }
0x49: {  	_ =	shalt  }
0x4a: {  	_ =	shalt  }
0x4b: {  	_ =	shalt  }
0x4c: {  	_ =	shalt  }
0x4d: {  	_ =	shalt  }
0x4e: {  	_ =	shalt  }
0x4f: {  	_ =	shalt  }
0x50: {  	_ =	shalt  }
0x51: {  	_ =	shalt  }
0x52: {  	_ =	shalt  }
0x53: {  	_ =	shalt  }
0x54: {  	_ =	shalt  }
0x55: {  	_ =	shalt  }
0x56: {  	_ =	shalt  }
0x57: {  	_ =	shalt  }
0x58: {  	_ =	shalt  }
0x59: {  	_ =	shalt  }
0x5a: {  	_ =	shalt  }
0x5b: {  	_ =	shalt  }
0x5c: {  	_ =	shalt  }
0x5d: {  	_ =	shalt  }
0x5e: {  	_ =	shalt  }
0x5f: {  	_ =	shalt  }
0x60: {  	_ =	shalt  }
0x61: {  	_ =	shalt  }
0x62: {  	_ =	shalt  }
0x63: {  	_ =	shalt  }
0x64: {  	_ =	shalt  }
0x65: {  	_ =	shalt  }
0x66: {  	_ =	shalt  }
0x67: {  	_ =	shalt  }
0x68: {  	_ =	shalt  }
0x69: {  	_ =	shalt  }
0x6a: {  	_ =	shalt  }
0x6b: {  	_ =	shalt  }
0x6c: {  	_ =	shalt  }
0x6d: {  	_ =	shalt  }
0x6e: {  	_ =	shalt  }
0x6f: {  	_ =	shalt  }
0x70: {  	_ =	shalt  }
0x71: {  	_ =	shalt  }
0x72: {  	_ =	shalt  }
0x73: {  	_ =	shalt  }
0x74: {  	_ =	shalt  }
0x75: {  	_ =	shalt  }
0x76: {  	_ =	shalt  }
0x77: {  	_ =	shalt  }
0x78: {  	_ =	shalt  }
0x79: {  	_ =	shalt  }
0x7a: {  	_ =	shalt  }
0x7b: {  	_ =	shalt  }
0x7c: {  	_ =	shalt  }
0x7d: {  	_ =	shalt  }
0x7e: {  	_ =	shalt  }
0x7f: {  	_ =	shalt  }
0x80: {  	_ =	shalt  }
0x81: {  	_ =	shalt  }
0x82: {  	_ =	shalt  }
0x83: {  	_ =	shalt  }
0x84: {  	_ =	shalt  }
0x85: {  	_ =	shalt  }
0x86: {  	_ =	shalt  }
0x87: {  	_ =	shalt  }
.Lfunc_end0:
.L_simem_size_0:
called_computation_lowered:
.L_overlay_start_0:
0x88: {  	s2 =	sld [smem:$0x3FD9]  }
0x89: {  	s3 =	sld [smem:$0x3FFE];
	_ =	sdelay $0x1  }
0x8a: {  	s1 =	srdreg.scid  }
0x8b: {  	s0 =	sand.u32 $0x1, s1  }
0x8c: {  	s14 =	sshll.u32 s0, $0xA;
	s2 =	sadd.s32 s3, s2  }
0x8d: {  	s2 =	sadd.s32 s2, s14  }
0x8e: {  	[smem:$0x3FBD] =	sst s2  }
0x8f: {  	_ = 	snop  }
0x90: {  	s2 =	sld [smem:$0x3FD0];
	_ =	sdelay $0x2  }
0x91: {  	s15 =	simm.s32 $0xD;
	s4 =	simm.s32 $0x10  }
0x92: {  	[smem:s4], [sflag:s15] =	dma.local [hbm:s2], $0x1  }
0x93: {  	_ =	swait.eq [sflag:s15], $0x1  }
0x94: {  	[sflag:s15] =	ssyncset.done $0x0  }
0x95: {  	s16 =	sld [smem:$0x10];
	[sflag:s15] =	ssyncadd.s32 $0xFFFFFFFF  }
0x96: {  	s17 =	sld [smem:$0x11];
	(tm) =	ssettm $0x1  }
0x97: {  	s18 =	sld [smem:$0x3FFB];
	_ =	sdelay $0x3  }
0x98: {  	_ =	strace s18  }
0x99: {  	s4 =	sld [smem:$0x3FFC];
	_ =	sdelay $0x3  }
0x9a: {  	_ =	strace s4  }
0x9b: {  	s4 =	sld [smem:$0x3FFD];
	_ =	sdelay $0x3  }
0x9c: {  	_ =	strace s4  }
0x9d: {  	_ =	strace $0x8FFFFFFF  }
0x9e: {  	s19 =	sld [smem:$0x3FDB];
	_ =	sdelay $0x1  }
0x9f: {  	s5 =	simm.s32 $_scs_section_size  }
0xa0: {  	s6 =	simm.s32 $_size__tile_overlayer_lowered;
	s7 =	simm.s32 $_tile_overlayer_lowered  }
0xa1: {  	s22 =	simm.s32 $0x1BFF;
	s21 =	sshll.u32 s7, $0x1;
	s4 =	sadd.s32 s5, s19  }
0xa2: {  	s8 =	simm.s32 $0x0;
	s20 =	sshll.u32 s6, $0x1;
	s6 =	sadd.s32 s21, s4  }
0xa3: {  	[timem:s8], [sflag:s22] =	dma.local [hbm:s6], s20  }
0xa4: {  	_ =	swait.ge [sflag:s22], s20  }
0xa5: {  	s5 =	ssub.s32 $0x0, s20;
	[sflag:s22] =	ssyncset.done $0x0  }
0xa6: {  	[sflag:s22] =	ssyncadd.s32 s5;
	_ =	sdelay $0x1  }
0xa7: {  	s23 =	simm.s32 $0x1B8B  }
0xa8: {  	_ =	swait.ge [sflag:s23], $0x1  }
0xa9: {  	[sflag:s23] =	ssyncset.done $0x0  }
0xaa: {  	s25 =	simm.s32 $0x1B8E;
	s24 =	sld [smem:$0x3FFE];
	[sflag:s23] =	ssyncadd.s32 $0xFFFFFFFF  }
0xab: {  	s26 =	simm.s32 $execute0_lowered;
	[smem:$0x3FD2] =	sst s25  }
0xac: {  	s6 =	sshll.u32 s26, $0x1;
	_ =	strace $0x80000046;
	[dreg:$0x1] =	wrdreg $0xFFFFFFFF  }
0xad: {  	s28 =	simm.s32 $_size_execute0_lowered;
	s4 =	sadd.s32 s4, s6;
	[dreg:$0x0] =	wrdreg $0x0  }
0xae: {  	s6 =	sshll.u32 s28, $0x1;
	[dreg:$0x2] =	wrdreg s4  }
0xaf: {  	[dreg:$0x3] =	wrdreg s6  }
0xb0: {  	[dreg:$0x4] =	wrdreg $0xC0  }
0xb1: {  	_ =	task [dreg:s8], $0x5FFFF  }
0xb2: {  	[dreg:$0x1] =	wrdreg $0xFFFFFFFF  }
0xb3: {  	[dreg:$0x0] =	wrdreg $0x60  }
0xb4: {  	[dreg:$0x2] =	wrdreg s24  }
0xb5: {  	[dreg:$0x3] =	wrdreg s16  }
0xb6: {  	[dreg:$0x4] =	wrdreg s17  }
0xb7: {  	[dreg:$0x5] =	wrdreg $0x9  }
0xb8: {  	_ =	task.clear_ibuf [dreg:s8], $0x6FFFF;
	_ =	strace $0x90000046  }
0xb9: {  	s29 =	simm.s32 $0x9;
	_ =	strace $0x80000048  }
0xba: {  	_ =	swait.ge [sflag:s29], $0x1  }
0xbb: {  	[sflag:s29] =	ssyncadd.s32 $0xFFFFFFFF  }
0xbc: {  	_ =	strace $0x90000048  }
0xbd: {  	_ =	sfence  }
0xbe: {  	s30 =	sld [smem:$0x0];
	_ =	sdelay $0x2  }
0xbf: {  	s31 =	sshll.u32 s1, $0xD;
	s1 =	sshrl.u32 s1, $0x2  }
0xc0: {  	s3 =	sand.u32 $0x4000, s31;
	s1 =	sadd.s32 s1, s30  }
0xc1: {  	s0 =	sor.u32 s3, s0;
	s1 =	sshll.u32 s1, $0x11  }
0xc2: {  	s0 =	sor.u32 s1, s0  }
0xc3: {  	s0 =	sadd.s32 $0x8F2B, s0  }
0xc4: {  	[sflag:s0] =	ssyncadd.remote.s32 $0x1  }
0xc5: {  	_ =	sfence.sel $0xFFFF  }
0xc6: {  	[dreg:$0x0] =	wrdreg $0xFFFFFFFF;
	(pc) =	sbr.abs _section_cstart, $3  }
0xc7: {  	[dreg:$0x1] =	wrdreg $0xFFFFFFFF  }
0xc8: {  	_ =	task.clear_ibuf [dreg:s8], $0x2FFFF;
	_ =	strace $0x9FFFFFFF  }
0xc9: {  	(tm) =	ssettm $0x7FFFFFFF  }
tec
execute0_lowered:
.L_overlay_start_1:
0x0: {  	(tag) =	ssettag $0x1  }
0x1: {  	s8 =	rddreg [dreg:$0x0]  }
0x2: {  	s2 =	rddreg [dreg:$0x1];
	s1 =	srdreg.scid  }
0x3: {  	s0 =	stileid.u32;
	s3 =	rddreg [dreg:$0x2];
	s4 =	simm.s32 $0x0  }
0x4: {  	s14 =	simm.s32 $0x3;
	s15 =	simm.s32 $0x80;
	s16 =	simm.s32 $0x100  }
0x5: {  	s17 =	simm.s32 $0x4100;
	s18 =	simm.s32 $0x8100;
	s19 =	simm.s32 $0x8180  }
0x6: {  	s20 =	simm.s32 $0x8200;
	s21 =	simm.s32 $0xC200;
	s22 =	simm.s32 $0x1  }
0x7: {  	s23 =	simm.s32 $0x2;
	s7 =	sand.u32 $0x1, s1;
	s1 =	rddreg [dreg:$0x3]  }
0x8: {  	s24 =	simm.s32 $0x0;
	s5 =	sshll.u32 s0, $0x1;
	[smem:$0x7FF] =	sst s4  }
0x9: {  	s6 =	sadd.s32 $0x28E00, s8;
	s11 =	sor.u32 s7, s5;
	s9 =	ssub.s32 $0x2, s7  }
0xa: {  	_ =	strace $0x80000047;
	s5 =	smul.u32 $0xA00, s11;
	s10 =	sshrl.u32 s9, $0x1  }
0xb: {  	s7 =	sadd.s32 $0x1C00, s8;
	s8 =	sadd.s32 $0x3A600, s8;
	s13 =	ssub.s32 s9, s10  }
0xc: {  	s11 =	smul.u32 $0x50000, s11;
	s12 =	sshrl.u32 s5, $0x3;
	s13 =	smax.u32 s13, $0x1  }
0xd: {  	s9 =	sadd.s32 s6, s12;
	s10 =	sadd.s32 s2, s12;
	s12 =	sor.u32 $0x100, s5  }
.LBB2_1:
0xe: {  	[tilespmem:s4], [sflag:$0x3] =	stream.linear.gather [hbm4b:s9+s4], $0x80, $0x38;
	[tilespmem:$0x10200] =	vst v63  }
0xf: {  	_ =	swait.ge [sflag:s14], $0x80  }
0x10: {  	[sflag:s14] =	ssyncset.done $0x0  }
0x11: {  	[sflag:s14] =	ssyncadd.s32 $0xFFFFFF80  }
0x12: {  	[tilespmem:s15], [sflag:$0x3] =	stream.linear.gather [hbm4b:s10+s4], $0x80, $0x38;
	[tilespmem:$0x10200] =	vst v63  }
0x13: {  	_ =	swait.ge [sflag:s14], $0x80  }
0x14: {  	[sflag:s14] =	ssyncset.done $0x0  }
0x15: {  	[sflag:s14] =	ssyncadd.s32 $0xFFFFFF80  }
0x16: {  	[tilespmem:s16], [sflag:$0x1] =	stream.indirect.gather [hbm4b:s3+s15], $0x80, s4, s15, $0xb8;
	[tilespmem:$0x10200] =	vst v63  }
0x17: {  	s25 =	simm.s32 $0x0  }
0x18: {  	[tilespmem:s17], [sflag:$0x1] =	stream.indirect.gather [hbm4b:s7+s15], $0x80, s15, s15, $0xb8;
	[tilespmem:$0x10200] =	vst v63  }
.LBB2_2:
0x19: {  	s28 =	sshll.u32 s25, $0x8  }
0x1a: {  	s26 =	sadd.s32 s28, s5  }
0x1b: {  	s26 =	sadd.s32 $0x80, s26  }
0x1c: {  	s29 =	sshrl.u32 s26, $0x3  }
0x1d: {  	s31 =	simm.s32 $0x0;
	s30 =	sadd.s32 s6, s29  }
0x1e: {  	[tilespmem:s18], [sflag:$0x3] =	stream.linear.gather [hbm4b:s30+s31], $0x80, $0x38;
	[tilespmem:$0x10200] =	vst v63  }
0x1f: {  	_ =	swait.ge [sflag:s14], $0x80  }
0x20: {  	[sflag:s14] =	ssyncset.done $0x0  }
0x21: {  	s29 =	sadd.s32 s2, s29;
	[sflag:s14] =	ssyncadd.s32 $0xFFFFFF80  }
0x22: {  	[tilespmem:s19], [sflag:$0x3] =	stream.linear.gather [hbm4b:s29+s31], $0x80, $0x38;
	[tilespmem:$0x10200] =	vst v63  }
0x23: {  	_ =	swait.ge [sflag:s14], $0x80  }
0x24: {  	[sflag:s14] =	ssyncset.done $0x0  }
0x25: {  	[sflag:s14] =	ssyncadd.s32 $0xFFFFFF80  }
0x26: {  	[tilespmem:s20], [sflag:$0x2] =	stream.indirect.gather [hbm4b:s3+s15], $0x80, s18, s15, $0xb8;
	[tilespmem:$0x10200] =	vst v63  }
0x27: {  	_ = 	snop  }
0x28: {  	[tilespmem:s21], [sflag:$0x2] =	stream.indirect.gather [hbm4b:s7+s15], $0x80, s19, s15, $0xb8;
	[tilespmem:$0x10200] =	vst v63  }
0x29: {  	_ =	swait.ge [sflag:s22], $0x4000  }
0x2a: {  	[sflag:s22] =	ssyncset.done $0x0  }
0x2b: {  	[sflag:s22] =	ssyncadd.s32 $0xFFFFC000  }
0x2c: {  	_ =	swait.ge [sflag:s22], $0x4000  }
0x2d: {  	[sflag:s22] =	ssyncset.done $0x0  }
0x2e: {  	s29 =	simm.s32 $0x0;
	[sflag:s22] =	ssyncadd.s32 $0xFFFFC000  }
0x2f: {  	v7 =	vld [tilespmem:s29+$0x4100]  }
0x30: {  	v11 =	vld [tilespmem:s29+$0x4110]  }
0x31: {  	v5 =	vld [tilespmem:s29+$0x4120]  }
0x32: {  	v4 =	vld [tilespmem:s29+$0x4130]  }
0x33: {  	v3 =	vld [tilespmem:s29+$0x4140]  }
0x34: {  	v2 =	vld [tilespmem:s29+$0x4150]  }
0x35: {  	v1 =	vld [tilespmem:s29+$0x4160]  }
0x36: {  	v0 =	vld [tilespmem:s29+$0x4170]  }
0x37: {  	v12 =	vld [tilespmem:s29+$0x100]  }
0x38: {  	v13 =	vld [tilespmem:s29+$0x110]  }
0x39: {  	v10 =	vld [tilespmem:s29+$0x120]  }
0x3a: {  	v9 =	vld [tilespmem:s29+$0x130]  }
0x3b: {  	v8 =	vld [tilespmem:s29+$0x140]  }
0x3c: {  	v6 =	vld [tilespmem:s29+$0x150];
	v12 =	vadd.f32 v7, v12  }
0x3d: {  	s30 =	simm.s32 $0x200;
	v11 =	vadd.f32 v11, v13;
	v7 =	vld [tilespmem:s29+$0x160]  }
.LBB2_3:
0x3e: {  	s31 =	sshra.s32 s30, $0x2;
	p0 =	sne.s32 s30, $0xFE00;
	[tilespmem:s29+$0x100] =	vst v12;
	v5 =	vadd.f32 v5, v10;
	v10 =	vld [tilespmem:s29+$0x170]  }
0x3f: {  	v12 =	vld [tilespmem:s31+$0x4100];
	[tilespmem:s29+$0x110] =	vst v11;
	v4 =	vadd.f32 v4, v9  }
0x40: {  	v11 =	vld [tilespmem:s31+$0x4110];
	[tilespmem:s29+$0x120] =	vst v5;
	v3 =	vadd.f32 v3, v8  }
0x41: {  	v5 =	vld [tilespmem:s31+$0x4120];
	[tilespmem:s29+$0x130] =	vst v4;
	v2 =	vadd.f32 v2, v6  }
0x42: {  	v4 =	vld [tilespmem:s31+$0x4130];
	[tilespmem:s29+$0x140] =	vst v3;
	v1 =	vadd.f32 v1, v7  }
0x43: {  	v3 =	vld [tilespmem:s31+$0x4140];
	[tilespmem:s29+$0x150] =	vst v2;
	v0 =	vadd.f32 v0, v10  }
0x44: {  	v2 =	vld [tilespmem:s31+$0x4150];
	[tilespmem:s29+$0x160] =	vst v1  }
0x45: {  	v1 =	vld [tilespmem:s31+$0x4160];
	[tilespmem:s29+$0x170] =	vst v0;
	s29 =	smov.u32 s31  }
0x46: {  	v0 =	vld [tilespmem:s29+$0x4170]  }
0x47: {  	v6 =	vld [tilespmem:s29+$0x100]  }
0x48: {  	v7 =	vld [tilespmem:s29+$0x110]  }
.Ltmp0:
0x49: {  	v10 =	vld [tilespmem:s29+$0x120];
	(pc) =	sbr.rel @p0 .LBB2_3-.Ltmp0, $4  }
0x4a: {  	v9 =	vld [tilespmem:s29+$0x130]  }
0x4b: {  	v8 =	vld [tilespmem:s29+$0x140]  }
0x4c: {  	v12 =	vadd.f32 v12, v6;
	v6 =	vld [tilespmem:s29+$0x150]  }
0x4d: {  	s30 =	sadd.s32 $0x200, s30;
	v11 =	vadd.f32 v11, v7;
	v7 =	vld [tilespmem:s29+$0x160]  }
0x4e: {  	[tilespmem:s29+$0x100] =	vst v12;
	v5 =	vadd.f32 v5, v10;
	v10 =	vld [tilespmem:s29+$0x170]  }
0x4f: {  	[tilespmem:s29+$0x110] =	vst v11;
	v4 =	vadd.f32 v4, v9  }
0x50: {  	[tilespmem:s29+$0x120] =	vst v5;
	v3 =	vadd.f32 v3, v8  }
0x51: {  	[tilespmem:s29+$0x130] =	vst v4;
	v2 =	vadd.f32 v2, v6  }
0x52: {  	s30 =	sshll.u32 s25, $0xF;
	[tilespmem:s29+$0x140] =	vst v3;
	v1 =	vadd.f32 v1, v7  }
0x53: {  	s30 =	sadd.s32 s11, s30;
	[tilespmem:s29+$0x150] =	vst v2;
	v0 =	vadd.f32 v0, v10  }
0x54: {  	s30 =	sshrl.u32 s30, $0x3;
	[tilespmem:s29+$0x160] =	vst v1  }
0x55: {  	p0 =	seq.s32 s25, $0x9;
	[tilespmem:s29+$0x170] =	vst v0;
	s29 =	sadd.s32 s8, s30  }
0x56: {  	[hbm4b:s29+s4] =	stream.linear.scatter [tilespmem:s16], [sflag:$0x3], $0x4000, $0x38;
	[tilespmem:$0x10200] =	vst v63  }
0x57: {  	s28 =	sadd.s32 @!p0 s28, s12;
	_ =	swait.ge [sflag:s14], $0x4000  }
0x58: {  	s28 =	sshrl.u32 @!p0 s28, $0x3;
	[sflag:s14] =	ssyncset.done $0x0  }
0x59: {  	s30 =	simm.s32 @!p0 $0x0;
	s29 =	sadd.s32 @!p0 s6, s28;
	[sflag:s14] =	ssyncadd.s32 $0xFFFFC000  }
0x5a: {  	[tilespmem:s30], [sflag:$0x3] =	stream.linear.gather @!p0 [hbm4b:s29+s30], $0x80, $0x38;
	[tilespmem:$0x10200] =	vst v63  }
0x5b: {  	s29 =	simm.s32 @!p0 $0x3  }
0x5c: {  	_ =	swait.ge @!p0 [sflag:s29], $0x80  }
0x5d: {  	[sflag:s29] =	ssyncset.done @!p0 $0x0  }
0x5e: {  	s31 =	simm.s32 @!p0 $0x80;
	s28 =	sadd.s32 @!p0 s2, s28;
	[sflag:s29] =	ssyncadd.s32 @!p0 $0xFFFFFF80  }
0x5f: {  	[tilespmem:s31], [sflag:$0x3] =	stream.linear.gather @!p0 [hbm4b:s28+s30], $0x80, $0x38;
	[tilespmem:$0x10200] =	vst v63  }
0x60: {  	_ =	swait.ge @!p0 [sflag:s29], $0x80  }
0x61: {  	[sflag:s29] =	ssyncset.done @!p0 $0x0  }
0x62: {  	s28 =	simm.s32 @!p0 $0x100;
	[sflag:s29] =	ssyncadd.s32 @!p0 $0xFFFFFF80  }
0x63: {  	[tilespmem:s28], [sflag:$0x1] =	stream.indirect.gather @!p0 [hbm4b:s3+s31], $0x80, s30, s31, $0xb8;
	[tilespmem:$0x10200] =	vst v63  }
0x64: {  	s28 =	simm.s32 @!p0 $0x4100  }
0x65: {  	[tilespmem:s28], [sflag:$0x1] =	stream.indirect.gather @!p0 [hbm4b:s7+s31], $0x80, s31, s31, $0xb8;
	[tilespmem:$0x10200] =	vst v63  }
0x66: {  	_ =	swait.ge [sflag:s23], $0x4000  }
0x67: {  	[sflag:s23] =	ssyncset.done $0x0  }
0x68: {  	[sflag:s23] =	ssyncadd.s32 $0xFFFFC000  }
0x69: {  	_ =	swait.ge [sflag:s23], $0x4000  }
0x6a: {  	[sflag:s23] =	ssyncset.done $0x0  }
0x6b: {  	s28 =	simm.s32 $0x0;
	[sflag:s23] =	ssyncadd.s32 $0xFFFFC000  }
0x6c: {  	v7 =	vld [tilespmem:s28+$0xC200]  }
0x6d: {  	v11 =	vld [tilespmem:s28+$0xC210]  }
0x6e: {  	v5 =	vld [tilespmem:s28+$0xC220]  }
0x6f: {  	v4 =	vld [tilespmem:s28+$0xC230]  }
0x70: {  	v3 =	vld [tilespmem:s28+$0xC240]  }
0x71: {  	v2 =	vld [tilespmem:s28+$0xC250]  }
0x72: {  	v1 =	vld [tilespmem:s28+$0xC260]  }
0x73: {  	v0 =	vld [tilespmem:s28+$0xC270]  }
0x74: {  	v12 =	vld [tilespmem:s28+$0x8200]  }
0x75: {  	v13 =	vld [tilespmem:s28+$0x8210]  }
0x76: {  	v10 =	vld [tilespmem:s28+$0x8220]  }
0x77: {  	v9 =	vld [tilespmem:s28+$0x8230]  }
0x78: {  	v8 =	vld [tilespmem:s28+$0x8240]  }
0x79: {  	v6 =	vld [tilespmem:s28+$0x8250];
	v12 =	vadd.f32 v7, v12  }
0x7a: {  	s29 =	simm.s32 $0x200;
	v11 =	vadd.f32 v11, v13;
	v7 =	vld [tilespmem:s28+$0x8260]  }
.LBB2_5:
0x7b: {  	s30 =	sshra.s32 s29, $0x2;
	p0 =	sne.s32 s29, $0xFE00;
	[tilespmem:s28+$0x8200] =	vst v12;
	v5 =	vadd.f32 v5, v10;
	v10 =	vld [tilespmem:s28+$0x8270]  }
0x7c: {  	v12 =	vld [tilespmem:s30+$0xC200];
	[tilespmem:s28+$0x8210] =	vst v11;
	v4 =	vadd.f32 v4, v9  }
0x7d: {  	v11 =	vld [tilespmem:s30+$0xC210];
	[tilespmem:s28+$0x8220] =	vst v5;
	v3 =	vadd.f32 v3, v8  }
0x7e: {  	v5 =	vld [tilespmem:s30+$0xC220];
	[tilespmem:s28+$0x8230] =	vst v4;
	v2 =	vadd.f32 v2, v6  }
0x7f: {  	v4 =	vld [tilespmem:s30+$0xC230];
	[tilespmem:s28+$0x8240] =	vst v3;
	v1 =	vadd.f32 v1, v7  }
0x80: {  	v3 =	vld [tilespmem:s30+$0xC240];
	[tilespmem:s28+$0x8250] =	vst v2;
	v0 =	vadd.f32 v0, v10  }
0x81: {  	v2 =	vld [tilespmem:s30+$0xC250];
	[tilespmem:s28+$0x8260] =	vst v1  }
0x82: {  	v1 =	vld [tilespmem:s30+$0xC260];
	[tilespmem:s28+$0x8270] =	vst v0;
	s28 =	smov.u32 s30  }
0x83: {  	v0 =	vld [tilespmem:s28+$0xC270]  }
0x84: {  	v6 =	vld [tilespmem:s28+$0x8200]  }
0x85: {  	v7 =	vld [tilespmem:s28+$0x8210]  }
.Ltmp1:
0x86: {  	v10 =	vld [tilespmem:s28+$0x8220];
	(pc) =	sbr.rel @p0 .LBB2_5-.Ltmp1, $4  }
0x87: {  	v9 =	vld [tilespmem:s28+$0x8230]  }
0x88: {  	v8 =	vld [tilespmem:s28+$0x8240]  }
0x89: {  	v12 =	vadd.f32 v12, v6;
	v6 =	vld [tilespmem:s28+$0x8250]  }
0x8a: {  	s29 =	sadd.s32 $0x200, s29;
	v11 =	vadd.f32 v11, v7;
	v7 =	vld [tilespmem:s28+$0x8260]  }
0x8b: {  	[tilespmem:s28+$0x8200] =	vst v12;
	v5 =	vadd.f32 v5, v10;
	v63 =	vld [tilespmem:s28+$0x8270]  }
0x8c: {  	[tilespmem:s28+$0x8210] =	vst v11;
	v4 =	vadd.f32 v4, v9  }
0x8d: {  	[tilespmem:s28+$0x8220] =	vst v5;
	v3 =	vadd.f32 v3, v8  }
0x8e: {  	[tilespmem:s28+$0x8230] =	vst v4;
	v2 =	vadd.f32 v2, v6  }
0x8f: {  	[tilespmem:s28+$0x8240] =	vst v3;
	v1 =	vadd.f32 v1, v7  }
0x90: {  	s25 =	sadd.s32 $0x1, s25;
	[tilespmem:s28+$0x8250] =	vst v2;
	v0 =	vadd.f32 v0, v63  }
0x91: {  	s26 =	sshll.u32 s26, $0x4;
	p0 =	sne.s32 s25, $0xA;
	[tilespmem:s28+$0x8260] =	vst v1  }
.Ltmp2:
0x92: {  	s26 =	sadd.s32 s8, s26;
	[tilespmem:s28+$0x8270] =	vst v0;
	(pc) =	sbr.rel @p0 .LBB2_2-.Ltmp2, $4  }
0x93: {  	[hbm4b:s26+s4] =	stream.linear.scatter [tilespmem:s20], [sflag:$0x3], $0x4000, $0x38;
	[tilespmem:$0x10200] =	vst v63  }
0x94: {  	_ =	swait.ge [sflag:s14], $0x4000  }
0x95: {  	[sflag:s14] =	ssyncset.done $0x0  }
0x96: {  	[sflag:s14] =	ssyncadd.s32 $0xFFFFC000  }
0x97: {  	s24 =	sadd.s32 $0x1, s24  }
0x98: {  	p0 =	sne.s32 s24, s13  }
.Ltmp3:
0x99: {  	_ = 	snop;
	(pc) =	sbr.rel @p0 .LBB2_1-.Ltmp3, $1  }
0x9a: {  	_ =	sdelay $0x3  }
0x9b: {  	_ =	sfence.sel $0x180000  }
0x9c: {  	[bflag:$0x0] =	sbarrier.arrive $0xFFFF  }
0x9d: {  	p0 =	sne.s32 s0, $0x0;
	_ =	strace $0x90000047  }
0x9e: {  	s0 =	sadd.s32 @!p0 $0x100000, s1;
	[bflag:$0x2] =	sbarrier.arrive $0xFFFF  }
0x9f: {  	[sflag:s0] =	ssyncadd.tile.s32 @!p0 $0x1;
	_ =	shalt  }
.Lfunc_end2:
_tile_overlayer_lowered:
.L_overlay_start_2:
0xa0: {  	(tag) =	ssettag $0x2  }
0xa1: {  	s0 =	rddreg [dreg:$0x0];
	s2 =	stileid.u32  }
0xa2: {  	s1 =	rddreg [dreg:$0x1];
	p0 =	sne.s32 s2, $0x0  }
0xa3: {  	s3 =	rddreg [dreg:$0x2];
	[bflag:$0x3] =	sbarrier.arrive $0xFFFF;
	s2 =	simm.s32 @!p0 $0x1C03  }
0xa4: {  	[timem:s3], [sflag:s2] =	dma.local @!p0 [hbm:s0], s1  }
0xa5: {  	s0 =	simm.s32 @!p0 $0x3  }
0xa6: {  	_ =	swait.ge @!p0 [sflag:s0], s1  }
0xa7: {  	s1 =	ssub.s32 @!p0 $0x0, s1;
	[sflag:s0] =	ssyncset.done @!p0 $0x0  }
0xa8: {  	[sflag:s0] =	ssyncadd.s32 @!p0 s1  }
0xa9: {  	[bflag:$0x3] =	sbarrier.arrive $0xFFFF  }
0xaa: {  	_ =	shalt  }

// kernel: kernel.14.cloned.1.call-start
scs
__scs_entry_jumppad:
0x0: {  	(pc) =	sbr.rel $0x88, $3  }
0x1: {  	(tag) =	ssettag $0x0;
	lr =	simm.s32 $0x1  }
0x2: {  	[smem:$0x3F96] =	sst lr;
	_ =	strace $0xD0000000  }
0x3: {  	_ = 	snop  }
0x4: {  	_ = 	snop  }
0x5: {  	_ = 	snop  }
0x6: {  	_ = 	snop  }
0x7: {  	_ = 	snop  }
__scs_overlays_trampoline_lowered:
0x8: {  	[smem:$0x3FA5] =	sst s0  }
0x9: {  	[smem:$0x3FA6] =	sst s1  }
0xa: {  	[smem:$0x3FA7] =	sst s2  }
0xb: {  	[smem:$0x3FA8] =	sst s3  }
0xc: {  	[smem:$0x3FA9] =	sst s4  }
0xd: {  	[smem:$0x3FAA] =	sst s5  }
0xe: {  	[smem:$0x3FAB] =	sst s6  }
0xf: {  	[smem:$0x3FAC] =	sst s7  }
0x10: {  	[smem:$0x3FAD] =	sst s8  }
0x11: {  	[smem:$0x3FAE] =	sst s9;
	s0 =	simm.s32 @!p0 $0x0  }
0x12: {  	s1 =	sld [smem:$0x3F94];
	s0 =	simm.s32 @p0 $0x1  }
0x13: {  	[smem:$0x3FAF] =	sst s0;
	s0 =	simm.s32 @!p1 $0x0  }
0x14: {  	s2 =	sld [smem:$0x3F93];
	s0 =	simm.s32 @p1 $0x1  }
0x15: {  	[smem:$0x3FB0] =	sst s0;
	s0 =	simm.s32 @!p2 $0x0  }
0x16: {  	s3 =	sld [smem:$0x3FDB];
	s0 =	simm.s32 @p2 $0x1  }
0x17: {  	s4 =	simm.s32 $0x1BF5;
	[smem:$0x3FB2] =	sst s0  }
0x18: {  	s0 =	sld [smem:$0x3F95];
	_ =	swait.ge [sflag:s4], $0x0  }
0x19: {  	s7 =	sld [smem:$0x3F96]  }
0x1a: {  	s8 =	sadd.s32 $0xFFFFE003, lr  }
0x1b: {  	s9 =	sadd.s32 $0xFFFFFEF7, lr;
	s5 =	simm.s32 $0xFFFFFFFF;
	p2 =	slt.u32 s8, $0xFFFFF086  }
0x1c: {  	p1 =	slt.u32 s9, $0xF7A;
	s5 =	simm.s32 @!p2 $0x0  }
0x1d: {  	s5 =	simm.s32 @p1 $0x1;
	p0 =	seq.s32 s7, s2  }
0x1e: {  	s7 =	smul.u32 @!p0 $0xF7A, s2;
	p2 =	seq.s32 @!p0 s5, $0x0  }
0x1f: {  	s9 =	smul.u32 $0xF7A, s1;
	s8 =	simm.s32 @!p0 $0x1BF5;
	p2 =	por !p2, p0  }
0x20: {  	[sflag:s8] =	ssyncset.s32 @!p0 $0xFFFFF086;
	s6 =	sadd.s32 @!p0 s3, s7;
	s7 =	simm.s32 @!p0 $0x108  }
0x21: {  	s3 =	sadd.s32 s3, s9;
	s6 =	sadd.s32 @!p0 $0x88, s6;
	s7 =	simm.s32 @p2 $0x1082  }
0x22: {  	[simem:s7], [sflag:s8] =	dma.local @!p0 [hbm:s6], $0xF7A  }
0x23: {  	s9 =	sor.u32 $0xD0000000, s2;
	s6 =	simm.s32 $0x108;
	_ =	swait.ge @!p0 [sflag:s8], $0x0  }
0x24: {  	s3 =	sadd.s32 $0x88, s3;
	s6 =	simm.s32 @!p1 $0x1082;
	[sflag:s4] =	ssyncset.s32 $0xFFFFF086  }
0x25: {  	[simem:s6], [sflag:s4] =	dma.local [hbm:s3], $0xF7A  }
0x26: {  	[smem:$0x3F96] =	sst s1;
	(tag) =	ssettag s2;
	_ =	strace s9  }
0x27: {  	s1 =	sld [smem:$0x3FA6]  }
0x28: {  	s2 =	sld [smem:$0x3FA7]  }
0x29: {  	s4 =	sld [smem:$0x3FA9]  }
0x2a: {  	p0 =	seq.s32 s5, $0x0;
	s5 =	sld [smem:$0x3FAA]  }
0x2b: {  	s6 =	sld [smem:$0x3FAB]  }
0x2c: {  	s7 =	sld [smem:$0x3FAC]  }
0x2d: {  	s3 =	simm.s32 $0x108;
	s8 =	sld [smem:$0x3FAD]  }
0x2e: {  	s3 =	simm.s32 @!p0 $0x1082;
	s9 =	sld [smem:$0x3FAE]  }
0x2f: {  	lr =	sadd.s32 s0, s3;
	s0 =	sld [smem:$0x3FA5]  }
0x30: {  	s3 =	sld [smem:$0x3FA8]  }
0x31: {  	[smem:$0x3FB1] =	sst s10  }
0x32: {  	s10 =	sld [smem:$0x3FAF];
	_ =	sdelay $0x3  }
0x33: {  	p0 =	seq.s32 s10, $0x1;
	s10 =	sld [smem:$0x3FB1];
	_ =	sdelay $0x3  }
0x34: {  	[smem:$0x3FB1] =	sst s10  }
0x35: {  	s10 =	sld [smem:$0x3FB0];
	_ =	sdelay $0x3  }
0x36: {  	p1 =	seq.s32 s10, $0x1;
	s10 =	sld [smem:$0x3FB1];
	_ =	sdelay $0x3  }
0x37: {  	[smem:$0x3FB1] =	sst s10  }
0x38: {  	s10 =	sld [smem:$0x3FB2]  }
0x39: {  	_ = 	snop;
	(pc) =	sbr.ind lr, $3  }
0x3a: {  	_ = 	snop  }
0x3b: {  	_ = 	snop  }
0x3c: {  	p2 =	seq.s32 s10, $0x1;
	s10 =	sld [smem:$0x3FB1]  }
0x3d: {  	_ =	shalt  }
0x3e: {  	_ =	shalt  }
0x3f: {  	_ =	shalt  }
0x40: {  	_ =	shalt  }
0x41: {  	_ =	shalt  }
0x42: {  	_ =	shalt  }
0x43: {  	_ =	shalt  }
0x44: {  	_ =	shalt  }
0x45: {  	_ =	shalt  }
0x46: {  	_ =	shalt  }
0x47: {  	_ =	shalt  }
0x48: {  	_ =	shalt  }
0x49: {  	_ =	shalt  }
0x4a: {  	_ =	shalt  }
0x4b: {  	_ =	shalt  }
0x4c: {  	_ =	shalt  }
0x4d: {  	_ =	shalt  }
0x4e: {  	_ =	shalt  }
0x4f: {  	_ =	shalt  }
0x50: {  	_ =	shalt  }
0x51: {  	_ =	shalt  }
0x52: {  	_ =	shalt  }
0x53: {  	_ =	shalt  }
0x54: {  	_ =	shalt  }
0x55: {  	_ =	shalt  }
0x56: {  	_ =	shalt  }
0x57: {  	_ =	shalt  }
0x58: {  	_ =	shalt  }
0x59: {  	_ =	shalt  }
0x5a: {  	_ =	shalt  }
0x5b: {  	_ =	shalt  }
0x5c: {  	_ =	shalt  }
0x5d: {  	_ =	shalt  }
0x5e: {  	_ =	shalt  }
0x5f: {  	_ =	shalt  }
0x60: {  	_ =	shalt  }
0x61: {  	_ =	shalt  }
0x62: {  	_ =	shalt  }
0x63: {  	_ =	shalt  }
0x64: {  	_ =	shalt  }
0x65: {  	_ =	shalt  }
0x66: {  	_ =	shalt  }
0x67: {  	_ =	shalt  }
0x68: {  	_ =	shalt  }
0x69: {  	_ =	shalt  }
0x6a: {  	_ =	shalt  }
0x6b: {  	_ =	shalt  }
0x6c: {  	_ =	shalt  }
0x6d: {  	_ =	shalt  }
0x6e: {  	_ =	shalt  }
0x6f: {  	_ =	shalt  }
0x70: {  	_ =	shalt  }
0x71: {  	_ =	shalt  }
0x72: {  	_ =	shalt  }
0x73: {  	_ =	shalt  }
0x74: {  	_ =	shalt  }
0x75: {  	_ =	shalt  }
0x76: {  	_ =	shalt  }
0x77: {  	_ =	shalt  }
0x78: {  	_ =	shalt  }
0x79: {  	_ =	shalt  }
0x7a: {  	_ =	shalt  }
0x7b: {  	_ =	shalt  }
0x7c: {  	_ =	shalt  }
0x7d: {  	_ =	shalt  }
0x7e: {  	_ =	shalt  }
0x7f: {  	_ =	shalt  }
0x80: {  	_ =	shalt  }
0x81: {  	_ =	shalt  }
0x82: {  	_ =	shalt  }
0x83: {  	_ =	shalt  }
0x84: {  	_ =	shalt  }
0x85: {  	_ =	shalt  }
0x86: {  	_ =	shalt  }
0x87: {  	_ =	shalt  }
.Lfunc_end0:
.L_simem_size_0:
called_computation.1_lowered:
.L_overlay_start_0:
0x88: {  	s2 =	sld [smem:$0x3FD9]  }
0x89: {  	s3 =	sld [smem:$0x3FFE];
	_ =	sdelay $0x1  }
0x8a: {  	s1 =	srdreg.scid  }
0x8b: {  	s0 =	sand.u32 $0x1, s1  }
0x8c: {  	s15 =	sshll.u32 s0, $0xA;
	s2 =	sadd.s32 s3, s2  }
0x8d: {  	s2 =	sadd.s32 s2, s15  }
0x8e: {  	[smem:$0x3FBD] =	sst s2  }
0x8f: {  	_ = 	snop  }
0x90: {  	s2 =	sld [smem:$0x3FD0];
	_ =	sdelay $0x2  }
0x91: {  	s16 =	simm.s32 $0xD;
	s4 =	simm.s32 $0x10  }
0x92: {  	[smem:s4], [sflag:s16] =	dma.local [hbm:s2], $0x1  }
0x93: {  	_ =	swait.eq [sflag:s16], $0x1  }
0x94: {  	[sflag:s16] =	ssyncset.done $0x0  }
0x95: {  	[sflag:s16] =	ssyncadd.s32 $0xFFFFFFFF  }
0x96: {  	s17 =	sld [smem:$0x11];
	(tm) =	ssettm $0x1  }
0x97: {  	s18 =	sld [smem:$0x3FFB];
	_ =	sdelay $0x3  }
0x98: {  	_ =	strace s18  }
0x99: {  	s2 =	sld [smem:$0x3FFC];
	_ =	sdelay $0x3  }
0x9a: {  	_ =	strace s2  }
0x9b: {  	s2 =	sld [smem:$0x3FFD];
	_ =	sdelay $0x3  }
0x9c: {  	_ =	strace s2  }
0x9d: {  	_ =	strace $0x8FFFFFFF  }
0x9e: {  	s19 =	sld [smem:$0x3FDB];
	_ =	sdelay $0x1  }
0x9f: {  	s20 =	simm.s32 $_scs_section_size  }
0xa0: {  	s5 =	simm.s32 $_size__tile_overlayer_lowered;
	s6 =	simm.s32 $_tile_overlayer_lowered  }
0xa1: {  	s7 =	simm.s32 $0x1BFF;
	s21 =	sshll.u32 s6, $0x1;
	s4 =	sadd.s32 s20, s19  }
0xa2: {  	s22 =	simm.s32 $0x0;
	s5 =	sshll.u32 s5, $0x1;
	s6 =	sadd.s32 s21, s4  }
0xa3: {  	[timem:s22], [sflag:s7] =	dma.local [hbm:s6], s5  }
0xa4: {  	_ =	swait.ge [sflag:s7], s5  }
0xa5: {  	s5 =	ssub.s32 $0x0, s5;
	[sflag:s7] =	ssyncset.done $0x0  }
0xa6: {  	[sflag:s7] =	ssyncadd.s32 s5;
	_ =	sdelay $0x1  }
0xa7: {  	s23 =	simm.s32 $0x1B8B  }
0xa8: {  	_ =	swait.ge [sflag:s23], $0x1  }
0xa9: {  	[sflag:s23] =	ssyncset.done $0x0  }
0xaa: {  	[sflag:s23] =	ssyncadd.s32 $0xFFFFFFFF  }
0xab: {  	s5 =	sld [smem:$0x0]  }
0xac: {  	s6 =	sand.u32 $0xFFFFFFFE, s1  }
0xad: {  	p0 =	sne.s32 s1, s6  }
0xae: {  	s6 =	sshll.u32 @p0 s6, $0xE  }
0xaf: {  	s6 =	sadd.s32 @p0 $0x11B8D, s6;
	s7 =	sshll.u32 @p0 s5, $0x11  }
0xb0: {  	s6 =	sor.u32 @p0 s7, s6  }
0xb1: {  	[sflag:s6] =	ssyncadd.remote.s32 @p0 $0x1;
	_ =	sdelay $0x1  }
0xb2: {  	s6 =	simm.s32 @p0 $0x1B8D  }
0xb3: {  	_ =	swait.eq @p0 [sflag:s6], $0x1  }
0xb4: {  	[sflag:s6] =	ssyncadd.s32 @p0 $0xFFFFFFFF  }
0xb5: {  	s7 =	sshll.u32 @!p0 s1, $0xE  }
0xb6: {  	s7 =	sor.u32 @!p0 $0x4000, s7;
	s6 =	simm.s32 @!p0 $0x1B8D  }
0xb7: {  	s5 =	sshll.u32 @!p0 s5, $0x11;
	s7 =	sadd.s32 @!p0 $0x11B8D, s7;
	_ =	swait.eq @!p0 [sflag:s6], $0x1  }
0xb8: {  	s5 =	sor.u32 @!p0 s5, s7;
	[sflag:s6] =	ssyncadd.s32 @!p0 $0xFFFFFFFF  }
0xb9: {  	s25 =	simm.s32 $0x1B8E;
	s24 =	sld [smem:$0x3FFE];
	[sflag:s5] =	ssyncadd.remote.s32 @!p0 $0x1  }
0xba: {  	s26 =	simm.s32 $execute0_lowered;
	[smem:$0x3FD2] =	sst s25  }
0xbb: {  	s6 =	sshll.u32 s26, $0x1;
	_ =	strace $0x80000049;
	[dreg:$0x1] =	wrdreg $0xFFFFFFFF  }
0xbc: {  	s28 =	simm.s32 $_size_execute0_lowered;
	s4 =	sadd.s32 s4, s6;
	[dreg:$0x0] =	wrdreg $0x0  }
0xbd: {  	s6 =	sshll.u32 s28, $0x1;
	[dreg:$0x2] =	wrdreg s4  }
0xbe: {  	[dreg:$0x3] =	wrdreg s6  }
0xbf: {  	[dreg:$0x4] =	wrdreg $0xC0  }
0xc0: {  	_ =	task [dreg:s22], $0x5FFFF  }
0xc1: {  	[dreg:$0x1] =	wrdreg $0xFFFFFFFF  }
0xc2: {  	[dreg:$0x0] =	wrdreg $0x60  }
0xc3: {  	[dreg:$0x2] =	wrdreg s24  }
0xc4: {  	[dreg:$0x3] =	wrdreg s17  }
0xc5: {  	[dreg:$0x4] =	wrdreg $0xA  }
0xc6: {  	_ =	task.clear_ibuf [dreg:s22], $0x5FFFF;
	_ =	strace $0x90000049  }
0xc7: {  	s29 =	simm.s32 $0xA;
	_ =	strace $0x8000004B  }
0xc8: {  	_ =	swait.ge [sflag:s29], $0x1  }
0xc9: {  	[sflag:s29] =	ssyncadd.s32 $0xFFFFFFFF  }
0xca: {  	_ =	strace $0x9000004B  }
0xcb: {  	_ =	sfence  }
0xcc: {  	s30 =	sld [smem:$0x0];
	_ =	sdelay $0x2  }
0xcd: {  	s31 =	sshll.u32 s1, $0xD;
	s1 =	sshrl.u32 s1, $0x2  }
0xce: {  	s4 =	sand.u32 $0x4000, s31;
	s1 =	sadd.s32 s1, s30  }
0xcf: {  	s0 =	sor.u32 s4, s0;
	s1 =	sshll.u32 s1, $0x11  }
0xd0: {  	s0 =	sor.u32 s1, s0  }
0xd1: {  	s0 =	sadd.s32 $0x8F2B, s0  }
0xd2: {  	[sflag:s0] =	ssyncadd.remote.s32 $0x1  }
0xd3: {  	_ =	sfence.sel $0xFFFF  }
0xd4: {  	[dreg:$0x0] =	wrdreg $0xFFFFFFFF;
	(pc) =	sbr.abs _section_cstart, $3  }
0xd5: {  	[dreg:$0x1] =	wrdreg $0xFFFFFFFF  }
0xd6: {  	_ =	task.clear_ibuf [dreg:s22], $0x2FFFF;
	_ =	strace $0x9FFFFFFF  }
0xd7: {  	(tm) =	ssettm $0x7FFFFFFF  }
tec
execute0_lowered:
.L_overlay_start_1:
0x0: {  	(tag) =	ssettag $0x1  }
0x1: {  	s8 =	rddreg [dreg:$0x0]  }
0x2: {  	s2 =	rddreg [dreg:$0x1]  }
0x3: {  	s0 =	rddreg [dreg:$0x2]  }
0x4: {  	s4 =	srdreg.scid;
	s1 =	stileid.u32;
	s3 =	simm.s32 $0x0  }
0x5: {  	s14 =	simm.s32 $0x3;
	s15 =	simm.s32 $0x80;
	s16 =	simm.s32 $0x100  }
0x6: {  	s17 =	simm.s32 $0x4100;
	s18 =	simm.s32 $0x8100;
	s19 =	simm.s32 $0x8180  }
0x7: {  	s20 =	simm.s32 $0x8200;
	s21 =	simm.s32 $0xC200;
	s22 =	simm.s32 $0x1  }
0x8: {  	s23 =	simm.s32 $0x2;
	s24 =	simm.s32 $0x0;
	s7 =	sand.u32 $0x1, s4  }
0x9: {  	s31 =	sshll.u32 s1, $0x1;
	[smem:$0x7FF] =	sst s3;
	s5 =	sadd.s32 $0x2B600, s8  }
0xa: {  	s6 =	sadd.s32 $0x2DE00, s8;
	s11 =	sor.u32 s7, s31;
	s9 =	ssub.s32 $0x2, s7  }
0xb: {  	_ =	strace $0x8000004A;
	s4 =	smul.u32 $0xA00, s11;
	s10 =	sshrl.u32 s9, $0x1  }
0xc: {  	s7 =	sadd.s32 $0x1C00, s8;
	s8 =	sadd.s32 $0x17A600, s8;
	s13 =	ssub.s32 s9, s10  }
0xd: {  	s11 =	smul.u32 $0x50000, s11;
	s12 =	sshrl.u32 s4, $0x3;
	s13 =	smax.u32 s13, $0x1  }
0xe: {  	s9 =	sadd.s32 s5, s12;
	s10 =	sadd.s32 s6, s12;
	s12 =	sor.u32 $0x100, s4  }
.LBB2_1:
0xf: {  	[tilespmem:s3], [sflag:$0x3] =	stream.linear.gather [hbm4b:s9+s3], $0x80, $0x38;
	[tilespmem:$0x10200] =	vst v63  }
0x10: {  	_ =	swait.ge [sflag:s14], $0x80  }
0x11: {  	[sflag:s14] =	ssyncset.done $0x0  }
0x12: {  	[sflag:s14] =	ssyncadd.s32 $0xFFFFFF80  }
0x13: {  	[tilespmem:s15], [sflag:$0x3] =	stream.linear.gather [hbm4b:s10+s3], $0x80, $0x38;
	[tilespmem:$0x10200] =	vst v63  }
0x14: {  	_ =	swait.ge [sflag:s14], $0x80  }
0x15: {  	[sflag:s14] =	ssyncset.done $0x0  }
0x16: {  	[sflag:s14] =	ssyncadd.s32 $0xFFFFFF80  }
0x17: {  	[tilespmem:s16], [sflag:$0x1] =	stream.indirect.gather [hbm4b:s2+s15], $0x80, s3, s15, $0xb8;
	[tilespmem:$0x10200] =	vst v63  }
0x18: {  	s25 =	simm.s32 $0x0  }
0x19: {  	[tilespmem:s17], [sflag:$0x1] =	stream.indirect.gather [hbm4b:s7+s15], $0x80, s15, s15, $0xb8;
	[tilespmem:$0x10200] =	vst v63  }
.LBB2_2:
0x1a: {  	s28 =	sshll.u32 s25, $0x8  }
0x1b: {  	s26 =	sadd.s32 s28, s4  }
0x1c: {  	s26 =	sadd.s32 $0x80, s26  }
0x1d: {  	s29 =	sshrl.u32 s26, $0x3  }
0x1e: {  	s31 =	simm.s32 $0x0;
	s30 =	sadd.s32 s5, s29  }
0x1f: {  	[tilespmem:s18], [sflag:$0x3] =	stream.linear.gather [hbm4b:s30+s31], $0x80, $0x38;
	[tilespmem:$0x10200] =	vst v63  }
0x20: {  	_ =	swait.ge [sflag:s14], $0x80  }
0x21: {  	[sflag:s14] =	ssyncset.done $0x0  }
0x22: {  	s29 =	sadd.s32 s6, s29;
	[sflag:s14] =	ssyncadd.s32 $0xFFFFFF80  }
0x23: {  	[tilespmem:s19], [sflag:$0x3] =	stream.linear.gather [hbm4b:s29+s31], $0x80, $0x38;
	[tilespmem:$0x10200] =	vst v63  }
0x24: {  	_ =	swait.ge [sflag:s14], $0x80  }
0x25: {  	[sflag:s14] =	ssyncset.done $0x0  }
0x26: {  	[sflag:s14] =	ssyncadd.s32 $0xFFFFFF80  }
0x27: {  	[tilespmem:s20], [sflag:$0x2] =	stream.indirect.gather [hbm4b:s2+s15], $0x80, s18, s15, $0xb8;
	[tilespmem:$0x10200] =	vst v63  }
0x28: {  	_ = 	snop  }
0x29: {  	[tilespmem:s21], [sflag:$0x2] =	stream.indirect.gather [hbm4b:s7+s15], $0x80, s19, s15, $0xb8;
	[tilespmem:$0x10200] =	vst v63  }
0x2a: {  	_ =	swait.ge [sflag:s22], $0x4000  }
0x2b: {  	[sflag:s22] =	ssyncset.done $0x0  }
0x2c: {  	[sflag:s22] =	ssyncadd.s32 $0xFFFFC000  }
0x2d: {  	_ =	swait.ge [sflag:s22], $0x4000  }
0x2e: {  	[sflag:s22] =	ssyncset.done $0x0  }
0x2f: {  	s29 =	simm.s32 $0x0;
	[sflag:s22] =	ssyncadd.s32 $0xFFFFC000  }
0x30: {  	v7 =	vld [tilespmem:s29+$0x4100]  }
0x31: {  	v11 =	vld [tilespmem:s29+$0x4110]  }
0x32: {  	v5 =	vld [tilespmem:s29+$0x4120]  }
0x33: {  	v4 =	vld [tilespmem:s29+$0x4130]  }
0x34: {  	v3 =	vld [tilespmem:s29+$0x4140]  }
0x35: {  	v2 =	vld [tilespmem:s29+$0x4150]  }
0x36: {  	v1 =	vld [tilespmem:s29+$0x4160]  }
0x37: {  	v0 =	vld [tilespmem:s29+$0x4170]  }
0x38: {  	v12 =	vld [tilespmem:s29+$0x100]  }
0x39: {  	v13 =	vld [tilespmem:s29+$0x110]  }
0x3a: {  	v10 =	vld [tilespmem:s29+$0x120]  }
0x3b: {  	v9 =	vld [tilespmem:s29+$0x130]  }
0x3c: {  	v8 =	vld [tilespmem:s29+$0x140]  }
0x3d: {  	v6 =	vld [tilespmem:s29+$0x150];
	v12 =	vadd.f32 v7, v12  }
0x3e: {  	s30 =	simm.s32 $0x200;
	v11 =	vadd.f32 v11, v13;
	v7 =	vld [tilespmem:s29+$0x160]  }
.LBB2_3:
0x3f: {  	s31 =	sshra.s32 s30, $0x2;
	p0 =	sne.s32 s30, $0xFE00;
	[tilespmem:s29+$0x100] =	vst v12;
	v5 =	vadd.f32 v5, v10;
	v10 =	vld [tilespmem:s29+$0x170]  }
0x40: {  	v12 =	vld [tilespmem:s31+$0x4100];
	[tilespmem:s29+$0x110] =	vst v11;
	v4 =	vadd.f32 v4, v9  }
0x41: {  	v11 =	vld [tilespmem:s31+$0x4110];
	[tilespmem:s29+$0x120] =	vst v5;
	v3 =	vadd.f32 v3, v8  }
0x42: {  	v5 =	vld [tilespmem:s31+$0x4120];
	[tilespmem:s29+$0x130] =	vst v4;
	v2 =	vadd.f32 v2, v6  }
0x43: {  	v4 =	vld [tilespmem:s31+$0x4130];
	[tilespmem:s29+$0x140] =	vst v3;
	v1 =	vadd.f32 v1, v7  }
0x44: {  	v3 =	vld [tilespmem:s31+$0x4140];
	[tilespmem:s29+$0x150] =	vst v2;
	v0 =	vadd.f32 v0, v10  }
0x45: {  	v2 =	vld [tilespmem:s31+$0x4150];
	[tilespmem:s29+$0x160] =	vst v1  }
0x46: {  	v1 =	vld [tilespmem:s31+$0x4160];
	[tilespmem:s29+$0x170] =	vst v0;
	s29 =	smov.u32 s31  }
0x47: {  	v0 =	vld [tilespmem:s29+$0x4170]  }
0x48: {  	v6 =	vld [tilespmem:s29+$0x100]  }
0x49: {  	v7 =	vld [tilespmem:s29+$0x110]  }
.Ltmp0:
0x4a: {  	v10 =	vld [tilespmem:s29+$0x120];
	(pc) =	sbr.rel @p0 .LBB2_3-.Ltmp0, $4  }
0x4b: {  	v9 =	vld [tilespmem:s29+$0x130]  }
0x4c: {  	v8 =	vld [tilespmem:s29+$0x140]  }
0x4d: {  	v12 =	vadd.f32 v12, v6;
	v6 =	vld [tilespmem:s29+$0x150]  }
0x4e: {  	s30 =	sadd.s32 $0x200, s30;
	v11 =	vadd.f32 v11, v7;
	v7 =	vld [tilespmem:s29+$0x160]  }
0x4f: {  	[tilespmem:s29+$0x100] =	vst v12;
	v5 =	vadd.f32 v5, v10;
	v10 =	vld [tilespmem:s29+$0x170]  }
0x50: {  	[tilespmem:s29+$0x110] =	vst v11;
	v4 =	vadd.f32 v4, v9  }
0x51: {  	[tilespmem:s29+$0x120] =	vst v5;
	v3 =	vadd.f32 v3, v8  }
0x52: {  	[tilespmem:s29+$0x130] =	vst v4;
	v2 =	vadd.f32 v2, v6  }
0x53: {  	s30 =	sshll.u32 s25, $0xF;
	[tilespmem:s29+$0x140] =	vst v3;
	v1 =	vadd.f32 v1, v7  }
0x54: {  	s30 =	sadd.s32 s11, s30;
	[tilespmem:s29+$0x150] =	vst v2;
	v0 =	vadd.f32 v0, v10  }
0x55: {  	s30 =	sshrl.u32 s30, $0x3;
	[tilespmem:s29+$0x160] =	vst v1  }
0x56: {  	p0 =	seq.s32 s25, $0x9;
	[tilespmem:s29+$0x170] =	vst v0;
	s29 =	sadd.s32 s8, s30  }
0x57: {  	[hbm4b:s29+s3] =	stream.linear.scatter [tilespmem:s16], [sflag:$0x3], $0x4000, $0x38;
	[tilespmem:$0x10200] =	vst v63  }
0x58: {  	s28 =	sadd.s32 @!p0 s28, s12;
	_ =	swait.ge [sflag:s14], $0x4000  }
0x59: {  	s28 =	sshrl.u32 @!p0 s28, $0x3;
	[sflag:s14] =	ssyncset.done $0x0  }
0x5a: {  	s30 =	simm.s32 @!p0 $0x0;
	s29 =	sadd.s32 @!p0 s5, s28;
	[sflag:s14] =	ssyncadd.s32 $0xFFFFC000  }
0x5b: {  	[tilespmem:s30], [sflag:$0x3] =	stream.linear.gather @!p0 [hbm4b:s29+s30], $0x80, $0x38;
	[tilespmem:$0x10200] =	vst v63  }
0x5c: {  	s29 =	simm.s32 @!p0 $0x3  }
0x5d: {  	_ =	swait.ge @!p0 [sflag:s29], $0x80  }
0x5e: {  	[sflag:s29] =	ssyncset.done @!p0 $0x0  }
0x5f: {  	s31 =	simm.s32 @!p0 $0x80;
	s28 =	sadd.s32 @!p0 s6, s28;
	[sflag:s29] =	ssyncadd.s32 @!p0 $0xFFFFFF80  }
0x60: {  	[tilespmem:s31], [sflag:$0x3] =	stream.linear.gather @!p0 [hbm4b:s28+s30], $0x80, $0x38;
	[tilespmem:$0x10200] =	vst v63  }
0x61: {  	_ =	swait.ge @!p0 [sflag:s29], $0x80  }
0x62: {  	[sflag:s29] =	ssyncset.done @!p0 $0x0  }
0x63: {  	s28 =	simm.s32 @!p0 $0x100;
	[sflag:s29] =	ssyncadd.s32 @!p0 $0xFFFFFF80  }
0x64: {  	[tilespmem:s28], [sflag:$0x1] =	stream.indirect.gather @!p0 [hbm4b:s2+s31], $0x80, s30, s31, $0xb8;
	[tilespmem:$0x10200] =	vst v63  }
0x65: {  	s28 =	simm.s32 @!p0 $0x4100  }
0x66: {  	[tilespmem:s28], [sflag:$0x1] =	stream.indirect.gather @!p0 [hbm4b:s7+s31], $0x80, s31, s31, $0xb8;
	[tilespmem:$0x10200] =	vst v63  }
0x67: {  	_ =	swait.ge [sflag:s23], $0x4000  }
0x68: {  	[sflag:s23] =	ssyncset.done $0x0  }
0x69: {  	[sflag:s23] =	ssyncadd.s32 $0xFFFFC000  }
0x6a: {  	_ =	swait.ge [sflag:s23], $0x4000  }
0x6b: {  	[sflag:s23] =	ssyncset.done $0x0  }
0x6c: {  	s28 =	simm.s32 $0x0;
	[sflag:s23] =	ssyncadd.s32 $0xFFFFC000  }
0x6d: {  	v7 =	vld [tilespmem:s28+$0xC200]  }
0x6e: {  	v11 =	vld [tilespmem:s28+$0xC210]  }
0x6f: {  	v5 =	vld [tilespmem:s28+$0xC220]  }
0x70: {  	v4 =	vld [tilespmem:s28+$0xC230]  }
0x71: {  	v3 =	vld [tilespmem:s28+$0xC240]  }
0x72: {  	v2 =	vld [tilespmem:s28+$0xC250]  }
0x73: {  	v1 =	vld [tilespmem:s28+$0xC260]  }
0x74: {  	v0 =	vld [tilespmem:s28+$0xC270]  }
0x75: {  	v12 =	vld [tilespmem:s28+$0x8200]  }
0x76: {  	v13 =	vld [tilespmem:s28+$0x8210]  }
0x77: {  	v10 =	vld [tilespmem:s28+$0x8220]  }
0x78: {  	v9 =	vld [tilespmem:s28+$0x8230]  }
0x79: {  	v8 =	vld [tilespmem:s28+$0x8240]  }
0x7a: {  	v6 =	vld [tilespmem:s28+$0x8250];
	v12 =	vadd.f32 v7, v12  }
0x7b: {  	s29 =	simm.s32 $0x200;
	v11 =	vadd.f32 v11, v13;
	v7 =	vld [tilespmem:s28+$0x8260]  }
.LBB2_5:
0x7c: {  	s30 =	sshra.s32 s29, $0x2;
	p0 =	sne.s32 s29, $0xFE00;
	[tilespmem:s28+$0x8200] =	vst v12;
	v5 =	vadd.f32 v5, v10;
	v10 =	vld [tilespmem:s28+$0x8270]  }
0x7d: {  	v12 =	vld [tilespmem:s30+$0xC200];
	[tilespmem:s28+$0x8210] =	vst v11;
	v4 =	vadd.f32 v4, v9  }
0x7e: {  	v11 =	vld [tilespmem:s30+$0xC210];
	[tilespmem:s28+$0x8220] =	vst v5;
	v3 =	vadd.f32 v3, v8  }
0x7f: {  	v5 =	vld [tilespmem:s30+$0xC220];
	[tilespmem:s28+$0x8230] =	vst v4;
	v2 =	vadd.f32 v2, v6  }
0x80: {  	v4 =	vld [tilespmem:s30+$0xC230];
	[tilespmem:s28+$0x8240] =	vst v3;
	v1 =	vadd.f32 v1, v7  }
0x81: {  	v3 =	vld [tilespmem:s30+$0xC240];
	[tilespmem:s28+$0x8250] =	vst v2;
	v0 =	vadd.f32 v0, v10  }
0x82: {  	v2 =	vld [tilespmem:s30+$0xC250];
	[tilespmem:s28+$0x8260] =	vst v1  }
0x83: {  	v1 =	vld [tilespmem:s30+$0xC260];
	[tilespmem:s28+$0x8270] =	vst v0;
	s28 =	smov.u32 s30  }
0x84: {  	v0 =	vld [tilespmem:s28+$0xC270]  }
0x85: {  	v6 =	vld [tilespmem:s28+$0x8200]  }
0x86: {  	v7 =	vld [tilespmem:s28+$0x8210]  }
.Ltmp1:
0x87: {  	v10 =	vld [tilespmem:s28+$0x8220];
	(pc) =	sbr.rel @p0 .LBB2_5-.Ltmp1, $4  }
0x88: {  	v9 =	vld [tilespmem:s28+$0x8230]  }
0x89: {  	v8 =	vld [tilespmem:s28+$0x8240]  }
0x8a: {  	v12 =	vadd.f32 v12, v6;
	v6 =	vld [tilespmem:s28+$0x8250]  }
0x8b: {  	s29 =	sadd.s32 $0x200, s29;
	v11 =	vadd.f32 v11, v7;
	v7 =	vld [tilespmem:s28+$0x8260]  }
0x8c: {  	[tilespmem:s28+$0x8200] =	vst v12;
	v5 =	vadd.f32 v5, v10;
	v63 =	vld [tilespmem:s28+$0x8270]  }
0x8d: {  	[tilespmem:s28+$0x8210] =	vst v11;
	v4 =	vadd.f32 v4, v9  }
0x8e: {  	[tilespmem:s28+$0x8220] =	vst v5;
	v3 =	vadd.f32 v3, v8  }
0x8f: {  	[tilespmem:s28+$0x8230] =	vst v4;
	v2 =	vadd.f32 v2, v6  }
0x90: {  	[tilespmem:s28+$0x8240] =	vst v3;
	v1 =	vadd.f32 v1, v7  }
0x91: {  	s25 =	sadd.s32 $0x1, s25;
	[tilespmem:s28+$0x8250] =	vst v2;
	v0 =	vadd.f32 v0, v63  }
0x92: {  	s26 =	sshll.u32 s26, $0x4;
	p0 =	sne.s32 s25, $0xA;
	[tilespmem:s28+$0x8260] =	vst v1  }
.Ltmp2:
0x93: {  	s26 =	sadd.s32 s8, s26;
	[tilespmem:s28+$0x8270] =	vst v0;
	(pc) =	sbr.rel @p0 .LBB2_2-.Ltmp2, $4  }
0x94: {  	[hbm4b:s26+s3] =	stream.linear.scatter [tilespmem:s20], [sflag:$0x3], $0x4000, $0x38;
	[tilespmem:$0x10200] =	vst v63  }
0x95: {  	_ =	swait.ge [sflag:s14], $0x4000  }
0x96: {  	[sflag:s14] =	ssyncset.done $0x0  }
0x97: {  	[sflag:s14] =	ssyncadd.s32 $0xFFFFC000  }
0x98: {  	s24 =	sadd.s32 $0x1, s24  }
0x99: {  	p0 =	sne.s32 s24, s13  }
.Ltmp3:
0x9a: {  	_ = 	snop;
	(pc) =	sbr.rel @p0 .LBB2_1-.Ltmp3, $1  }
0x9b: {  	_ =	sdelay $0x3  }
0x9c: {  	_ =	sfence.sel $0x180000  }
0x9d: {  	[bflag:$0x0] =	sbarrier.arrive $0xFFFF  }
0x9e: {  	p0 =	sne.s32 s1, $0x0;
	_ =	strace $0x9000004A  }
0x9f: {  	s0 =	sadd.s32 @!p0 $0x100000, s0;
	[bflag:$0x2] =	sbarrier.arrive $0xFFFF  }
0xa0: {  	[sflag:s0] =	ssyncadd.tile.s32 @!p0 $0x1;
	_ =	shalt  }
.Lfunc_end2:
_tile_overlayer_lowered:
.L_overlay_start_2:
0xa1: {  	(tag) =	ssettag $0x2  }
0xa2: {  	s0 =	rddreg [dreg:$0x0];
	s2 =	stileid.u32  }
0xa3: {  	s1 =	rddreg [dreg:$0x1];
	p0 =	sne.s32 s2, $0x0  }
0xa4: {  	s3 =	rddreg [dreg:$0x2];
	[bflag:$0x3] =	sbarrier.arrive $0xFFFF;
	s2 =	simm.s32 @!p0 $0x1C03  }
0xa5: {  	[timem:s3], [sflag:s2] =	dma.local @!p0 [hbm:s0], s1  }
0xa6: {  	s0 =	simm.s32 @!p0 $0x3  }
0xa7: {  	_ =	swait.ge @!p0 [sflag:s0], s1  }
0xa8: {  	s1 =	ssub.s32 @!p0 $0x0, s1;
	[sflag:s0] =	ssyncset.done @!p0 $0x0  }
0xa9: {  	[sflag:s0] =	ssyncadd.s32 @!p0 s1  }
0xaa: {  	[bflag:$0x3] =	sbarrier.arrive $0xFFFF  }
0xab: {  	_ =	shalt  }

// kernel: kernel.17.cloned.1.call-start
scs
__scs_entry_jumppad:
0x0: {  	(pc) =	sbr.rel $0x88, $3  }
0x1: {  	(tag) =	ssettag $0x0;
	lr =	simm.s32 $0x1  }
0x2: {  	[smem:$0x3F96] =	sst lr;
	_ =	strace $0xD0000000  }
0x3: {  	_ = 	snop  }
0x4: {  	_ = 	snop  }
0x5: {  	_ = 	snop  }
0x6: {  	_ = 	snop  }
0x7: {  	_ = 	snop  }
__scs_overlays_trampoline_lowered:
0x8: {  	[smem:$0x3FA5] =	sst s0  }
0x9: {  	[smem:$0x3FA6] =	sst s1  }
0xa: {  	[smem:$0x3FA7] =	sst s2  }
0xb: {  	[smem:$0x3FA8] =	sst s3  }
0xc: {  	[smem:$0x3FA9] =	sst s4  }
0xd: {  	[smem:$0x3FAA] =	sst s5  }
0xe: {  	[smem:$0x3FAB] =	sst s6  }
0xf: {  	[smem:$0x3FAC] =	sst s7  }
0x10: {  	[smem:$0x3FAD] =	sst s8  }
0x11: {  	[smem:$0x3FAE] =	sst s9;
	s0 =	simm.s32 @!p0 $0x0  }
0x12: {  	s1 =	sld [smem:$0x3F94];
	s0 =	simm.s32 @p0 $0x1  }
0x13: {  	[smem:$0x3FAF] =	sst s0;
	s0 =	simm.s32 @!p1 $0x0  }
0x14: {  	s2 =	sld [smem:$0x3F93];
	s0 =	simm.s32 @p1 $0x1  }
0x15: {  	[smem:$0x3FB0] =	sst s0;
	s0 =	simm.s32 @!p2 $0x0  }
0x16: {  	s3 =	sld [smem:$0x3FDB];
	s0 =	simm.s32 @p2 $0x1  }
0x17: {  	s4 =	simm.s32 $0x1BF5;
	[smem:$0x3FB2] =	sst s0  }
0x18: {  	s0 =	sld [smem:$0x3F95];
	_ =	swait.ge [sflag:s4], $0x0  }
0x19: {  	s7 =	sld [smem:$0x3F96]  }
0x1a: {  	s8 =	sadd.s32 $0xFFFFE003, lr  }
0x1b: {  	s9 =	sadd.s32 $0xFFFFFEF7, lr;
	s5 =	simm.s32 $0xFFFFFFFF;
	p2 =	slt.u32 s8, $0xFFFFF086  }
0x1c: {  	p1 =	slt.u32 s9, $0xF7A;
	s5 =	simm.s32 @!p2 $0x0  }
0x1d: {  	s5 =	simm.s32 @p1 $0x1;
	p0 =	seq.s32 s7, s2  }
0x1e: {  	s7 =	smul.u32 @!p0 $0xF7A, s2;
	p2 =	seq.s32 @!p0 s5, $0x0  }
0x1f: {  	s9 =	smul.u32 $0xF7A, s1;
	s8 =	simm.s32 @!p0 $0x1BF5;
	p2 =	por !p2, p0  }
0x20: {  	[sflag:s8] =	ssyncset.s32 @!p0 $0xFFFFF086;
	s6 =	sadd.s32 @!p0 s3, s7;
	s7 =	simm.s32 @!p0 $0x108  }
0x21: {  	s3 =	sadd.s32 s3, s9;
	s6 =	sadd.s32 @!p0 $0x88, s6;
	s7 =	simm.s32 @p2 $0x1082  }
0x22: {  	[simem:s7], [sflag:s8] =	dma.local @!p0 [hbm:s6], $0xF7A  }
0x23: {  	s9 =	sor.u32 $0xD0000000, s2;
	s6 =	simm.s32 $0x108;
	_ =	swait.ge @!p0 [sflag:s8], $0x0  }
0x24: {  	s3 =	sadd.s32 $0x88, s3;
	s6 =	simm.s32 @!p1 $0x1082;
	[sflag:s4] =	ssyncset.s32 $0xFFFFF086  }
0x25: {  	[simem:s6], [sflag:s4] =	dma.local [hbm:s3], $0xF7A  }
0x26: {  	[smem:$0x3F96] =	sst s1;
	(tag) =	ssettag s2;
	_ =	strace s9  }
0x27: {  	s1 =	sld [smem:$0x3FA6]  }
0x28: {  	s2 =	sld [smem:$0x3FA7]  }
0x29: {  	s4 =	sld [smem:$0x3FA9]  }
0x2a: {  	p0 =	seq.s32 s5, $0x0;
	s5 =	sld [smem:$0x3FAA]  }
0x2b: {  	s6 =	sld [smem:$0x3FAB]  }
0x2c: {  	s7 =	sld [smem:$0x3FAC]  }
0x2d: {  	s3 =	simm.s32 $0x108;
	s8 =	sld [smem:$0x3FAD]  }
0x2e: {  	s3 =	simm.s32 @!p0 $0x1082;
	s9 =	sld [smem:$0x3FAE]  }
0x2f: {  	lr =	sadd.s32 s0, s3;
	s0 =	sld [smem:$0x3FA5]  }
0x30: {  	s3 =	sld [smem:$0x3FA8]  }
0x31: {  	[smem:$0x3FB1] =	sst s10  }
0x32: {  	s10 =	sld [smem:$0x3FAF];
	_ =	sdelay $0x3  }
0x33: {  	p0 =	seq.s32 s10, $0x1;
	s10 =	sld [smem:$0x3FB1];
	_ =	sdelay $0x3  }
0x34: {  	[smem:$0x3FB1] =	sst s10  }
0x35: {  	s10 =	sld [smem:$0x3FB0];
	_ =	sdelay $0x3  }
0x36: {  	p1 =	seq.s32 s10, $0x1;
	s10 =	sld [smem:$0x3FB1];
	_ =	sdelay $0x3  }
0x37: {  	[smem:$0x3FB1] =	sst s10  }
0x38: {  	s10 =	sld [smem:$0x3FB2]  }
0x39: {  	_ = 	snop;
	(pc) =	sbr.ind lr, $3  }
0x3a: {  	_ = 	snop  }
0x3b: {  	_ = 	snop  }
0x3c: {  	p2 =	seq.s32 s10, $0x1;
	s10 =	sld [smem:$0x3FB1]  }
0x3d: {  	_ =	shalt  }
0x3e: {  	_ =	shalt  }
0x3f: {  	_ =	shalt  }
0x40: {  	_ =	shalt  }
0x41: {  	_ =	shalt  }
0x42: {  	_ =	shalt  }
0x43: {  	_ =	shalt  }
0x44: {  	_ =	shalt  }
0x45: {  	_ =	shalt  }
0x46: {  	_ =	shalt  }
0x47: {  	_ =	shalt  }
0x48: {  	_ =	shalt  }
0x49: {  	_ =	shalt  }
0x4a: {  	_ =	shalt  }
0x4b: {  	_ =	shalt  }
0x4c: {  	_ =	shalt  }
0x4d: {  	_ =	shalt  }
0x4e: {  	_ =	shalt  }
0x4f: {  	_ =	shalt  }
0x50: {  	_ =	shalt  }
0x51: {  	_ =	shalt  }
0x52: {  	_ =	shalt  }
0x53: {  	_ =	shalt  }
0x54: {  	_ =	shalt  }
0x55: {  	_ =	shalt  }
0x56: {  	_ =	shalt  }
0x57: {  	_ =	shalt  }
0x58: {  	_ =	shalt  }
0x59: {  	_ =	shalt  }
0x5a: {  	_ =	shalt  }
0x5b: {  	_ =	shalt  }
0x5c: {  	_ =	shalt  }
0x5d: {  	_ =	shalt  }
0x5e: {  	_ =	shalt  }
0x5f: {  	_ =	shalt  }
0x60: {  	_ =	shalt  }
0x61: {  	_ =	shalt  }
0x62: {  	_ =	shalt  }
0x63: {  	_ =	shalt  }
0x64: {  	_ =	shalt  }
0x65: {  	_ =	shalt  }
0x66: {  	_ =	shalt  }
0x67: {  	_ =	shalt  }
0x68: {  	_ =	shalt  }
0x69: {  	_ =	shalt  }
0x6a: {  	_ =	shalt  }
0x6b: {  	_ =	shalt  }
0x6c: {  	_ =	shalt  }
0x6d: {  	_ =	shalt  }
0x6e: {  	_ =	shalt  }
0x6f: {  	_ =	shalt  }
0x70: {  	_ =	shalt  }
0x71: {  	_ =	shalt  }
0x72: {  	_ =	shalt  }
0x73: {  	_ =	shalt  }
0x74: {  	_ =	shalt  }
0x75: {  	_ =	shalt  }
0x76: {  	_ =	shalt  }
0x77: {  	_ =	shalt  }
0x78: {  	_ =	shalt  }
0x79: {  	_ =	shalt  }
0x7a: {  	_ =	shalt  }
0x7b: {  	_ =	shalt  }
0x7c: {  	_ =	shalt  }
0x7d: {  	_ =	shalt  }
0x7e: {  	_ =	shalt  }
0x7f: {  	_ =	shalt  }
0x80: {  	_ =	shalt  }
0x81: {  	_ =	shalt  }
0x82: {  	_ =	shalt  }
0x83: {  	_ =	shalt  }
0x84: {  	_ =	shalt  }
0x85: {  	_ =	shalt  }
0x86: {  	_ =	shalt  }
0x87: {  	_ =	shalt  }
.Lfunc_end0:
.L_simem_size_0:
called_computation.2_lowered:
.L_overlay_start_0:
0x88: {  	s2 =	sld [smem:$0x3FD9]  }
0x89: {  	s3 =	sld [smem:$0x3FFE];
	_ =	sdelay $0x1  }
0x8a: {  	s1 =	srdreg.scid  }
0x8b: {  	s0 =	sand.u32 $0x1, s1  }
0x8c: {  	s15 =	sshll.u32 s0, $0xA;
	s2 =	sadd.s32 s3, s2  }
0x8d: {  	s2 =	sadd.s32 s2, s15  }
0x8e: {  	[smem:$0x3FBD] =	sst s2  }
0x8f: {  	_ = 	snop  }
0x90: {  	s2 =	sld [smem:$0x3FD0];
	_ =	sdelay $0x2  }
0x91: {  	s16 =	simm.s32 $0xD;
	s4 =	simm.s32 $0x10  }
0x92: {  	[smem:s4], [sflag:s16] =	dma.local [hbm:s2], $0x1  }
0x93: {  	_ =	swait.eq [sflag:s16], $0x1  }
0x94: {  	[sflag:s16] =	ssyncset.done $0x0  }
0x95: {  	[sflag:s16] =	ssyncadd.s32 $0xFFFFFFFF  }
0x96: {  	s17 =	sld [smem:$0x11];
	(tm) =	ssettm $0x1  }
0x97: {  	s18 =	sld [smem:$0x3FFB];
	_ =	sdelay $0x3  }
0x98: {  	_ =	strace s18  }
0x99: {  	s2 =	sld [smem:$0x3FFC];
	_ =	sdelay $0x3  }
0x9a: {  	_ =	strace s2  }
0x9b: {  	s2 =	sld [smem:$0x3FFD];
	_ =	sdelay $0x3  }
0x9c: {  	_ =	strace s2  }
0x9d: {  	_ =	strace $0x8FFFFFFF  }
0x9e: {  	s19 =	sld [smem:$0x3FDB];
	_ =	sdelay $0x1  }
0x9f: {  	s20 =	simm.s32 $_scs_section_size  }
0xa0: {  	s5 =	simm.s32 $_size__tile_overlayer_lowered;
	s6 =	simm.s32 $_tile_overlayer_lowered  }
0xa1: {  	s7 =	simm.s32 $0x1BFF;
	s21 =	sshll.u32 s6, $0x1;
	s4 =	sadd.s32 s20, s19  }
0xa2: {  	s22 =	simm.s32 $0x0;
	s5 =	sshll.u32 s5, $0x1;
	s6 =	sadd.s32 s21, s4  }
0xa3: {  	[timem:s22], [sflag:s7] =	dma.local [hbm:s6], s5  }
0xa4: {  	_ =	swait.ge [sflag:s7], s5  }
0xa5: {  	s5 =	ssub.s32 $0x0, s5;
	[sflag:s7] =	ssyncset.done $0x0  }
0xa6: {  	[sflag:s7] =	ssyncadd.s32 s5;
	_ =	sdelay $0x1  }
0xa7: {  	s23 =	simm.s32 $0x1B8B  }
0xa8: {  	_ =	swait.ge [sflag:s23], $0x1  }
0xa9: {  	[sflag:s23] =	ssyncset.done $0x0  }
0xaa: {  	[sflag:s23] =	ssyncadd.s32 $0xFFFFFFFF  }
0xab: {  	s5 =	sld [smem:$0x0]  }
0xac: {  	s6 =	sand.u32 $0xFFFFFFFE, s1  }
0xad: {  	p0 =	sne.s32 s1, s6  }
0xae: {  	s6 =	sshll.u32 @p0 s6, $0xE  }
0xaf: {  	s6 =	sadd.s32 @p0 $0x11B8D, s6;
	s7 =	sshll.u32 @p0 s5, $0x11  }
0xb0: {  	s6 =	sor.u32 @p0 s7, s6  }
0xb1: {  	[sflag:s6] =	ssyncadd.remote.s32 @p0 $0x1;
	_ =	sdelay $0x1  }
0xb2: {  	s6 =	simm.s32 @p0 $0x1B8D  }
0xb3: {  	_ =	swait.eq @p0 [sflag:s6], $0x1  }
0xb4: {  	[sflag:s6] =	ssyncadd.s32 @p0 $0xFFFFFFFF  }
0xb5: {  	s7 =	sshll.u32 @!p0 s1, $0xE  }
0xb6: {  	s7 =	sor.u32 @!p0 $0x4000, s7;
	s6 =	simm.s32 @!p0 $0x1B8D  }
0xb7: {  	s5 =	sshll.u32 @!p0 s5, $0x11;
	s7 =	sadd.s32 @!p0 $0x11B8D, s7;
	_ =	swait.eq @!p0 [sflag:s6], $0x1  }
0xb8: {  	s5 =	sor.u32 @!p0 s5, s7;
	[sflag:s6] =	ssyncadd.s32 @!p0 $0xFFFFFFFF  }
0xb9: {  	s25 =	simm.s32 $0x1B8E;
	s24 =	sld [smem:$0x3FFE];
	[sflag:s5] =	ssyncadd.remote.s32 @!p0 $0x1  }
0xba: {  	s26 =	simm.s32 $execute0_lowered;
	[smem:$0x3FD2] =	sst s25  }
0xbb: {  	s6 =	sshll.u32 s26, $0x1;
	_ =	strace $0x8000004C;
	[dreg:$0x1] =	wrdreg $0xFFFFFFFF  }
0xbc: {  	s28 =	simm.s32 $_size_execute0_lowered;
	s4 =	sadd.s32 s4, s6;
	[dreg:$0x0] =	wrdreg $0x0  }
0xbd: {  	s6 =	sshll.u32 s28, $0x1;
	[dreg:$0x2] =	wrdreg s4  }
0xbe: {  	[dreg:$0x3] =	wrdreg s6  }
0xbf: {  	[dreg:$0x4] =	wrdreg $0xC0  }
0xc0: {  	_ =	task [dreg:s22], $0x5FFFF  }
0xc1: {  	[dreg:$0x1] =	wrdreg $0xFFFFFFFF  }
0xc2: {  	[dreg:$0x0] =	wrdreg $0x60  }
0xc3: {  	[dreg:$0x2] =	wrdreg s24  }
0xc4: {  	[dreg:$0x3] =	wrdreg s17  }
0xc5: {  	[dreg:$0x4] =	wrdreg $0xB  }
0xc6: {  	_ =	task.clear_ibuf [dreg:s22], $0x5FFFF;
	_ =	strace $0x9000004C  }
0xc7: {  	s29 =	simm.s32 $0xB;
	_ =	strace $0x8000004E  }
0xc8: {  	_ =	swait.ge [sflag:s29], $0x1  }
0xc9: {  	[sflag:s29] =	ssyncadd.s32 $0xFFFFFFFF  }
0xca: {  	_ =	strace $0x9000004E  }
0xcb: {  	_ =	sfence  }
0xcc: {  	s30 =	sld [smem:$0x0];
	_ =	sdelay $0x2  }
0xcd: {  	s31 =	sshll.u32 s1, $0xD;
	s1 =	sshrl.u32 s1, $0x2  }
0xce: {  	s4 =	sand.u32 $0x4000, s31;
	s1 =	sadd.s32 s1, s30  }
0xcf: {  	s0 =	sor.u32 s4, s0;
	s1 =	sshll.u32 s1, $0x11  }
0xd0: {  	s0 =	sor.u32 s1, s0  }
0xd1: {  	s0 =	sadd.s32 $0x8F2B, s0  }
0xd2: {  	[sflag:s0] =	ssyncadd.remote.s32 $0x1  }
0xd3: {  	_ =	sfence.sel $0xFFFF  }
0xd4: {  	[dreg:$0x0] =	wrdreg $0xFFFFFFFF;
	(pc) =	sbr.abs _section_cstart, $3  }
0xd5: {  	[dreg:$0x1] =	wrdreg $0xFFFFFFFF  }
0xd6: {  	_ =	task.clear_ibuf [dreg:s22], $0x2FFFF;
	_ =	strace $0x9FFFFFFF  }
0xd7: {  	(tm) =	ssettm $0x7FFFFFFF  }
tec
execute0_lowered:
.L_overlay_start_1:
0x0: {  	(tag) =	ssettag $0x1  }
0x1: {  	s8 =	rddreg [dreg:$0x0]  }
0x2: {  	s2 =	rddreg [dreg:$0x1]  }
0x3: {  	s0 =	rddreg [dreg:$0x2]  }
0x4: {  	s4 =	srdreg.scid;
	s1 =	stileid.u32;
	s3 =	simm.s32 $0x0  }
0x5: {  	s14 =	simm.s32 $0x3;
	s15 =	simm.s32 $0x80;
	s16 =	simm.s32 $0x100  }
0x6: {  	s17 =	simm.s32 $0x4100;
	s18 =	simm.s32 $0x8100;
	s19 =	simm.s32 $0x8180  }
0x7: {  	s20 =	simm.s32 $0x8200;
	s21 =	simm.s32 $0xC200;
	s22 =	simm.s32 $0x1  }
0x8: {  	s23 =	simm.s32 $0x2;
	s24 =	simm.s32 $0x0;
	s7 =	sand.u32 $0x1, s4  }
0x9: {  	s31 =	sshll.u32 s1, $0x1;
	[smem:$0x7FF] =	sst s3;
	s5 =	sadd.s32 $0x30600, s8  }
0xa: {  	s6 =	sadd.s32 $0x32E00, s8;
	s11 =	sor.u32 s7, s31;
	s9 =	ssub.s32 $0x2, s7  }
0xb: {  	_ =	strace $0x8000004D;
	s4 =	smul.u32 $0xA00, s11;
	s10 =	sshrl.u32 s9, $0x1  }
0xc: {  	s7 =	sadd.s32 $0x1C00, s8;
	s8 =	sadd.s32 $0x2BA600, s8;
	s13 =	ssub.s32 s9, s10  }
0xd: {  	s11 =	smul.u32 $0x50000, s11;
	s12 =	sshrl.u32 s4, $0x3;
	s13 =	smax.u32 s13, $0x1  }
0xe: {  	s9 =	sadd.s32 s5, s12;
	s10 =	sadd.s32 s6, s12;
	s12 =	sor.u32 $0x100, s4  }
.LBB2_1:
0xf: {  	[tilespmem:s3], [sflag:$0x3] =	stream.linear.gather [hbm4b:s9+s3], $0x80, $0x38;
	[tilespmem:$0x10200] =	vst v63  }
0x10: {  	_ =	swait.ge [sflag:s14], $0x80  }
0x11: {  	[sflag:s14] =	ssyncset.done $0x0  }
0x12: {  	[sflag:s14] =	ssyncadd.s32 $0xFFFFFF80  }
0x13: {  	[tilespmem:s15], [sflag:$0x3] =	stream.linear.gather [hbm4b:s10+s3], $0x80, $0x38;
	[tilespmem:$0x10200] =	vst v63  }
0x14: {  	_ =	swait.ge [sflag:s14], $0x80  }
0x15: {  	[sflag:s14] =	ssyncset.done $0x0  }
0x16: {  	[sflag:s14] =	ssyncadd.s32 $0xFFFFFF80  }
0x17: {  	[tilespmem:s16], [sflag:$0x1] =	stream.indirect.gather [hbm4b:s2+s15], $0x80, s3, s15, $0xb8;
	[tilespmem:$0x10200] =	vst v63  }
0x18: {  	s25 =	simm.s32 $0x0  }
0x19: {  	[tilespmem:s17], [sflag:$0x1] =	stream.indirect.gather [hbm4b:s7+s15], $0x80, s15, s15, $0xb8;
	[tilespmem:$0x10200] =	vst v63  }
.LBB2_2:
0x1a: {  	s28 =	sshll.u32 s25, $0x8  }
0x1b: {  	s26 =	sadd.s32 s28, s4  }
0x1c: {  	s26 =	sadd.s32 $0x80, s26  }
0x1d: {  	s29 =	sshrl.u32 s26, $0x3  }
0x1e: {  	s31 =	simm.s32 $0x0;
	s30 =	sadd.s32 s5, s29  }
0x1f: {  	[tilespmem:s18], [sflag:$0x3] =	stream.linear.gather [hbm4b:s30+s31], $0x80, $0x38;
	[tilespmem:$0x10200] =	vst v63  }
0x20: {  	_ =	swait.ge [sflag:s14], $0x80  }
0x21: {  	[sflag:s14] =	ssyncset.done $0x0  }
0x22: {  	s29 =	sadd.s32 s6, s29;
	[sflag:s14] =	ssyncadd.s32 $0xFFFFFF80  }
0x23: {  	[tilespmem:s19], [sflag:$0x3] =	stream.linear.gather [hbm4b:s29+s31], $0x80, $0x38;
	[tilespmem:$0x10200] =	vst v63  }
0x24: {  	_ =	swait.ge [sflag:s14], $0x80  }
0x25: {  	[sflag:s14] =	ssyncset.done $0x0  }
0x26: {  	[sflag:s14] =	ssyncadd.s32 $0xFFFFFF80  }
0x27: {  	[tilespmem:s20], [sflag:$0x2] =	stream.indirect.gather [hbm4b:s2+s15], $0x80, s18, s15, $0xb8;
	[tilespmem:$0x10200] =	vst v63  }
0x28: {  	_ = 	snop  }
0x29: {  	[tilespmem:s21], [sflag:$0x2] =	stream.indirect.gather [hbm4b:s7+s15], $0x80, s19, s15, $0xb8;
	[tilespmem:$0x10200] =	vst v63  }
0x2a: {  	_ =	swait.ge [sflag:s22], $0x4000  }
0x2b: {  	[sflag:s22] =	ssyncset.done $0x0  }
0x2c: {  	[sflag:s22] =	ssyncadd.s32 $0xFFFFC000  }
0x2d: {  	_ =	swait.ge [sflag:s22], $0x4000  }
0x2e: {  	[sflag:s22] =	ssyncset.done $0x0  }
0x2f: {  	s29 =	simm.s32 $0x0;
	[sflag:s22] =	ssyncadd.s32 $0xFFFFC000  }
0x30: {  	v7 =	vld [tilespmem:s29+$0x4100]  }
0x31: {  	v11 =	vld [tilespmem:s29+$0x4110]  }
0x32: {  	v5 =	vld [tilespmem:s29+$0x4120]  }
0x33: {  	v4 =	vld [tilespmem:s29+$0x4130]  }
0x34: {  	v3 =	vld [tilespmem:s29+$0x4140]  }
0x35: {  	v2 =	vld [tilespmem:s29+$0x4150]  }
0x36: {  	v1 =	vld [tilespmem:s29+$0x4160]  }
0x37: {  	v0 =	vld [tilespmem:s29+$0x4170]  }
0x38: {  	v12 =	vld [tilespmem:s29+$0x100]  }
0x39: {  	v13 =	vld [tilespmem:s29+$0x110]  }
0x3a: {  	v10 =	vld [tilespmem:s29+$0x120]  }
0x3b: {  	v9 =	vld [tilespmem:s29+$0x130]  }
0x3c: {  	v8 =	vld [tilespmem:s29+$0x140]  }
0x3d: {  	v6 =	vld [tilespmem:s29+$0x150];
	v12 =	vadd.f32 v7, v12  }
0x3e: {  	s30 =	simm.s32 $0x200;
	v11 =	vadd.f32 v11, v13;
	v7 =	vld [tilespmem:s29+$0x160]  }
.LBB2_3:
0x3f: {  	s31 =	sshra.s32 s30, $0x2;
	p0 =	sne.s32 s30, $0xFE00;
	[tilespmem:s29+$0x100] =	vst v12;
	v5 =	vadd.f32 v5, v10;
	v10 =	vld [tilespmem:s29+$0x170]  }
0x40: {  	v12 =	vld [tilespmem:s31+$0x4100];
	[tilespmem:s29+$0x110] =	vst v11;
	v4 =	vadd.f32 v4, v9  }
0x41: {  	v11 =	vld [tilespmem:s31+$0x4110];
	[tilespmem:s29+$0x120] =	vst v5;
	v3 =	vadd.f32 v3, v8  }
0x42: {  	v5 =	vld [tilespmem:s31+$0x4120];
	[tilespmem:s29+$0x130] =	vst v4;
	v2 =	vadd.f32 v2, v6  }
0x43: {  	v4 =	vld [tilespmem:s31+$0x4130];
	[tilespmem:s29+$0x140] =	vst v3;
	v1 =	vadd.f32 v1, v7  }
0x44: {  	v3 =	vld [tilespmem:s31+$0x4140];
	[tilespmem:s29+$0x150] =	vst v2;
	v0 =	vadd.f32 v0, v10  }
0x45: {  	v2 =	vld [tilespmem:s31+$0x4150];
	[tilespmem:s29+$0x160] =	vst v1  }
0x46: {  	v1 =	vld [tilespmem:s31+$0x4160];
	[tilespmem:s29+$0x170] =	vst v0;
	s29 =	smov.u32 s31  }
0x47: {  	v0 =	vld [tilespmem:s29+$0x4170]  }
0x48: {  	v6 =	vld [tilespmem:s29+$0x100]  }
0x49: {  	v7 =	vld [tilespmem:s29+$0x110]  }
.Ltmp0:
0x4a: {  	v10 =	vld [tilespmem:s29+$0x120];
	(pc) =	sbr.rel @p0 .LBB2_3-.Ltmp0, $4  }
0x4b: {  	v9 =	vld [tilespmem:s29+$0x130]  }
0x4c: {  	v8 =	vld [tilespmem:s29+$0x140]  }
0x4d: {  	v12 =	vadd.f32 v12, v6;
	v6 =	vld [tilespmem:s29+$0x150]  }
0x4e: {  	s30 =	sadd.s32 $0x200, s30;
	v11 =	vadd.f32 v11, v7;
	v7 =	vld [tilespmem:s29+$0x160]  }
0x4f: {  	[tilespmem:s29+$0x100] =	vst v12;
	v5 =	vadd.f32 v5, v10;
	v10 =	vld [tilespmem:s29+$0x170]  }
0x50: {  	[tilespmem:s29+$0x110] =	vst v11;
	v4 =	vadd.f32 v4, v9  }
0x51: {  	[tilespmem:s29+$0x120] =	vst v5;
	v3 =	vadd.f32 v3, v8  }
0x52: {  	[tilespmem:s29+$0x130] =	vst v4;
	v2 =	vadd.f32 v2, v6  }
0x53: {  	s30 =	sshll.u32 s25, $0xF;
	[tilespmem:s29+$0x140] =	vst v3;
	v1 =	vadd.f32 v1, v7  }
0x54: {  	s30 =	sadd.s32 s11, s30;
	[tilespmem:s29+$0x150] =	vst v2;
	v0 =	vadd.f32 v0, v10  }
0x55: {  	s30 =	sshrl.u32 s30, $0x3;
	[tilespmem:s29+$0x160] =	vst v1  }
0x56: {  	p0 =	seq.s32 s25, $0x9;
	[tilespmem:s29+$0x170] =	vst v0;
	s29 =	sadd.s32 s8, s30  }
0x57: {  	[hbm4b:s29+s3] =	stream.linear.scatter [tilespmem:s16], [sflag:$0x3], $0x4000, $0x38;
	[tilespmem:$0x10200] =	vst v63  }
0x58: {  	s28 =	sadd.s32 @!p0 s28, s12;
	_ =	swait.ge [sflag:s14], $0x4000  }
0x59: {  	s28 =	sshrl.u32 @!p0 s28, $0x3;
	[sflag:s14] =	ssyncset.done $0x0  }
0x5a: {  	s30 =	simm.s32 @!p0 $0x0;
	s29 =	sadd.s32 @!p0 s5, s28;
	[sflag:s14] =	ssyncadd.s32 $0xFFFFC000  }
0x5b: {  	[tilespmem:s30], [sflag:$0x3] =	stream.linear.gather @!p0 [hbm4b:s29+s30], $0x80, $0x38;
	[tilespmem:$0x10200] =	vst v63  }
0x5c: {  	s29 =	simm.s32 @!p0 $0x3  }
0x5d: {  	_ =	swait.ge @!p0 [sflag:s29], $0x80  }
0x5e: {  	[sflag:s29] =	ssyncset.done @!p0 $0x0  }
0x5f: {  	s31 =	simm.s32 @!p0 $0x80;
	s28 =	sadd.s32 @!p0 s6, s28;
	[sflag:s29] =	ssyncadd.s32 @!p0 $0xFFFFFF80  }
0x60: {  	[tilespmem:s31], [sflag:$0x3] =	stream.linear.gather @!p0 [hbm4b:s28+s30], $0x80, $0x38;
	[tilespmem:$0x10200] =	vst v63  }
0x61: {  	_ =	swait.ge @!p0 [sflag:s29], $0x80  }
0x62: {  	[sflag:s29] =	ssyncset.done @!p0 $0x0  }
0x63: {  	s28 =	simm.s32 @!p0 $0x100;
	[sflag:s29] =	ssyncadd.s32 @!p0 $0xFFFFFF80  }
0x64: {  	[tilespmem:s28], [sflag:$0x1] =	stream.indirect.gather @!p0 [hbm4b:s2+s31], $0x80, s30, s31, $0xb8;
	[tilespmem:$0x10200] =	vst v63  }
0x65: {  	s28 =	simm.s32 @!p0 $0x4100  }
0x66: {  	[tilespmem:s28], [sflag:$0x1] =	stream.indirect.gather @!p0 [hbm4b:s7+s31], $0x80, s31, s31, $0xb8;
	[tilespmem:$0x10200] =	vst v63  }
0x67: {  	_ =	swait.ge [sflag:s23], $0x4000  }
0x68: {  	[sflag:s23] =	ssyncset.done $0x0  }
0x69: {  	[sflag:s23] =	ssyncadd.s32 $0xFFFFC000  }
0x6a: {  	_ =	swait.ge [sflag:s23], $0x4000  }
0x6b: {  	[sflag:s23] =	ssyncset.done $0x0  }
0x6c: {  	s28 =	simm.s32 $0x0;
	[sflag:s23] =	ssyncadd.s32 $0xFFFFC000  }
0x6d: {  	v7 =	vld [tilespmem:s28+$0xC200]  }
0x6e: {  	v11 =	vld [tilespmem:s28+$0xC210]  }
0x6f: {  	v5 =	vld [tilespmem:s28+$0xC220]  }
0x70: {  	v4 =	vld [tilespmem:s28+$0xC230]  }
0x71: {  	v3 =	vld [tilespmem:s28+$0xC240]  }
0x72: {  	v2 =	vld [tilespmem:s28+$0xC250]  }
0x73: {  	v1 =	vld [tilespmem:s28+$0xC260]  }
0x74: {  	v0 =	vld [tilespmem:s28+$0xC270]  }
0x75: {  	v12 =	vld [tilespmem:s28+$0x8200]  }
0x76: {  	v13 =	vld [tilespmem:s28+$0x8210]  }
0x77: {  	v10 =	vld [tilespmem:s28+$0x8220]  }
0x78: {  	v9 =	vld [tilespmem:s28+$0x8230]  }
0x79: {  	v8 =	vld [tilespmem:s28+$0x8240]  }
0x7a: {  	v6 =	vld [tilespmem:s28+$0x8250];
	v12 =	vadd.f32 v7, v12  }
0x7b: {  	s29 =	simm.s32 $0x200;
	v11 =	vadd.f32 v11, v13;
	v7 =	vld [tilespmem:s28+$0x8260]  }
.LBB2_5:
0x7c: {  	s30 =	sshra.s32 s29, $0x2;
	p0 =	sne.s32 s29, $0xFE00;
	[tilespmem:s28+$0x8200] =	vst v12;
	v5 =	vadd.f32 v5, v10;
	v10 =	vld [tilespmem:s28+$0x8270]  }
0x7d: {  	v12 =	vld [tilespmem:s30+$0xC200];
	[tilespmem:s28+$0x8210] =	vst v11;
	v4 =	vadd.f32 v4, v9  }
0x7e: {  	v11 =	vld [tilespmem:s30+$0xC210];
	[tilespmem:s28+$0x8220] =	vst v5;
	v3 =	vadd.f32 v3, v8  }
0x7f: {  	v5 =	vld [tilespmem:s30+$0xC220];
	[tilespmem:s28+$0x8230] =	vst v4;
	v2 =	vadd.f32 v2, v6  }
0x80: {  	v4 =	vld [tilespmem:s30+$0xC230];
	[tilespmem:s28+$0x8240] =	vst v3;
	v1 =	vadd.f32 v1, v7  }
0x81: {  	v3 =	vld [tilespmem:s30+$0xC240];
	[tilespmem:s28+$0x8250] =	vst v2;
	v0 =	vadd.f32 v0, v10  }
0x82: {  	v2 =	vld [tilespmem:s30+$0xC250];
	[tilespmem:s28+$0x8260] =	vst v1  }
0x83: {  	v1 =	vld [tilespmem:s30+$0xC260];
	[tilespmem:s28+$0x8270] =	vst v0;
	s28 =	smov.u32 s30  }
0x84: {  	v0 =	vld [tilespmem:s28+$0xC270]  }
0x85: {  	v6 =	vld [tilespmem:s28+$0x8200]  }
0x86: {  	v7 =	vld [tilespmem:s28+$0x8210]  }
.Ltmp1:
0x87: {  	v10 =	vld [tilespmem:s28+$0x8220];
	(pc) =	sbr.rel @p0 .LBB2_5-.Ltmp1, $4  }
0x88: {  	v9 =	vld [tilespmem:s28+$0x8230]  }
0x89: {  	v8 =	vld [tilespmem:s28+$0x8240]  }
0x8a: {  	v12 =	vadd.f32 v12, v6;
	v6 =	vld [tilespmem:s28+$0x8250]  }
0x8b: {  	s29 =	sadd.s32 $0x200, s29;
	v11 =	vadd.f32 v11, v7;
	v7 =	vld [tilespmem:s28+$0x8260]  }
0x8c: {  	[tilespmem:s28+$0x8200] =	vst v12;
	v5 =	vadd.f32 v5, v10;
	v63 =	vld [tilespmem:s28+$0x8270]  }
0x8d: {  	[tilespmem:s28+$0x8210] =	vst v11;
	v4 =	vadd.f32 v4, v9  }
0x8e: {  	[tilespmem:s28+$0x8220] =	vst v5;
	v3 =	vadd.f32 v3, v8  }
0x8f: {  	[tilespmem:s28+$0x8230] =	vst v4;
	v2 =	vadd.f32 v2, v6  }
0x90: {  	[tilespmem:s28+$0x8240] =	vst v3;
	v1 =	vadd.f32 v1, v7  }
0x91: {  	s25 =	sadd.s32 $0x1, s25;
	[tilespmem:s28+$0x8250] =	vst v2;
	v0 =	vadd.f32 v0, v63  }
0x92: {  	s26 =	sshll.u32 s26, $0x4;
	p0 =	sne.s32 s25, $0xA;
	[tilespmem:s28+$0x8260] =	vst v1  }
.Ltmp2:
0x93: {  	s26 =	sadd.s32 s8, s26;
	[tilespmem:s28+$0x8270] =	vst v0;
	(pc) =	sbr.rel @p0 .LBB2_2-.Ltmp2, $4  }
0x94: {  	[hbm4b:s26+s3] =	stream.linear.scatter [tilespmem:s20], [sflag:$0x3], $0x4000, $0x38;
	[tilespmem:$0x10200] =	vst v63  }
0x95: {  	_ =	swait.ge [sflag:s14], $0x4000  }
0x96: {  	[sflag:s14] =	ssyncset.done $0x0  }
0x97: {  	[sflag:s14] =	ssyncadd.s32 $0xFFFFC000  }
0x98: {  	s24 =	sadd.s32 $0x1, s24  }
0x99: {  	p0 =	sne.s32 s24, s13  }
.Ltmp3:
0x9a: {  	_ = 	snop;
	(pc) =	sbr.rel @p0 .LBB2_1-.Ltmp3, $1  }
0x9b: {  	_ =	sdelay $0x3  }
0x9c: {  	_ =	sfence.sel $0x180000  }
0x9d: {  	[bflag:$0x0] =	sbarrier.arrive $0xFFFF  }
0x9e: {  	p0 =	sne.s32 s1, $0x0;
	_ =	strace $0x9000004D  }
0x9f: {  	s0 =	sadd.s32 @!p0 $0x100000, s0;
	[bflag:$0x2] =	sbarrier.arrive $0xFFFF  }
0xa0: {  	[sflag:s0] =	ssyncadd.tile.s32 @!p0 $0x1;
	_ =	shalt  }
.Lfunc_end2:
_tile_overlayer_lowered:
.L_overlay_start_2:
0xa1: {  	(tag) =	ssettag $0x2  }
0xa2: {  	s0 =	rddreg [dreg:$0x0];
	s2 =	stileid.u32  }
0xa3: {  	s1 =	rddreg [dreg:$0x1];
	p0 =	sne.s32 s2, $0x0  }
0xa4: {  	s3 =	rddreg [dreg:$0x2];
	[bflag:$0x3] =	sbarrier.arrive $0xFFFF;
	s2 =	simm.s32 @!p0 $0x1C03  }
0xa5: {  	[timem:s3], [sflag:s2] =	dma.local @!p0 [hbm:s0], s1  }
0xa6: {  	s0 =	simm.s32 @!p0 $0x3  }
0xa7: {  	_ =	swait.ge @!p0 [sflag:s0], s1  }
0xa8: {  	s1 =	ssub.s32 @!p0 $0x0, s1;
	[sflag:s0] =	ssyncset.done @!p0 $0x0  }
0xa9: {  	[sflag:s0] =	ssyncadd.s32 @!p0 s1  }
0xaa: {  	[bflag:$0x3] =	sbarrier.arrive $0xFFFF  }
0xab: {  	_ =	shalt  }

// kernel: kernel.20.cloned.1.call-start
scs
__scs_entry_jumppad:
0x0: {  	(pc) =	sbr.rel $0x88, $3  }
0x1: {  	(tag) =	ssettag $0x0;
	lr =	simm.s32 $0x1  }
0x2: {  	[smem:$0x3F96] =	sst lr;
	_ =	strace $0xD0000000  }
0x3: {  	_ = 	snop  }
0x4: {  	_ = 	snop  }
0x5: {  	_ = 	snop  }
0x6: {  	_ = 	snop  }
0x7: {  	_ = 	snop  }
__scs_overlays_trampoline_lowered:
0x8: {  	[smem:$0x3FA5] =	sst s0  }
0x9: {  	[smem:$0x3FA6] =	sst s1  }
0xa: {  	[smem:$0x3FA7] =	sst s2  }
0xb: {  	[smem:$0x3FA8] =	sst s3  }
0xc: {  	[smem:$0x3FA9] =	sst s4  }
0xd: {  	[smem:$0x3FAA] =	sst s5  }
0xe: {  	[smem:$0x3FAB] =	sst s6  }
0xf: {  	[smem:$0x3FAC] =	sst s7  }
0x10: {  	[smem:$0x3FAD] =	sst s8  }
0x11: {  	[smem:$0x3FAE] =	sst s9;
	s0 =	simm.s32 @!p0 $0x0  }
0x12: {  	s1 =	sld [smem:$0x3F94];
	s0 =	simm.s32 @p0 $0x1  }
0x13: {  	[smem:$0x3FAF] =	sst s0;
	s0 =	simm.s32 @!p1 $0x0  }
0x14: {  	s2 =	sld [smem:$0x3F93];
	s0 =	simm.s32 @p1 $0x1  }
0x15: {  	[smem:$0x3FB0] =	sst s0;
	s0 =	simm.s32 @!p2 $0x0  }
0x16: {  	s3 =	sld [smem:$0x3FDB];
	s0 =	simm.s32 @p2 $0x1  }
0x17: {  	s4 =	simm.s32 $0x1BF5;
	[smem:$0x3FB2] =	sst s0  }
0x18: {  	s0 =	sld [smem:$0x3F95];
	_ =	swait.ge [sflag:s4], $0x0  }
0x19: {  	s7 =	sld [smem:$0x3F96]  }
0x1a: {  	s8 =	sadd.s32 $0xFFFFE003, lr  }
0x1b: {  	s9 =	sadd.s32 $0xFFFFFEF7, lr;
	s5 =	simm.s32 $0xFFFFFFFF;
	p2 =	slt.u32 s8, $0xFFFFF086  }
0x1c: {  	p1 =	slt.u32 s9, $0xF7A;
	s5 =	simm.s32 @!p2 $0x0  }
0x1d: {  	s5 =	simm.s32 @p1 $0x1;
	p0 =	seq.s32 s7, s2  }
0x1e: {  	s7 =	smul.u32 @!p0 $0xF7A, s2;
	p2 =	seq.s32 @!p0 s5, $0x0  }
0x1f: {  	s9 =	smul.u32 $0xF7A, s1;
	s8 =	simm.s32 @!p0 $0x1BF5;
	p2 =	por !p2, p0  }
0x20: {  	[sflag:s8] =	ssyncset.s32 @!p0 $0xFFFFF086;
	s6 =	sadd.s32 @!p0 s3, s7;
	s7 =	simm.s32 @!p0 $0x108  }
0x21: {  	s3 =	sadd.s32 s3, s9;
	s6 =	sadd.s32 @!p0 $0x88, s6;
	s7 =	simm.s32 @p2 $0x1082  }
0x22: {  	[simem:s7], [sflag:s8] =	dma.local @!p0 [hbm:s6], $0xF7A  }
0x23: {  	s9 =	sor.u32 $0xD0000000, s2;
	s6 =	simm.s32 $0x108;
	_ =	swait.ge @!p0 [sflag:s8], $0x0  }
0x24: {  	s3 =	sadd.s32 $0x88, s3;
	s6 =	simm.s32 @!p1 $0x1082;
	[sflag:s4] =	ssyncset.s32 $0xFFFFF086  }
0x25: {  	[simem:s6], [sflag:s4] =	dma.local [hbm:s3], $0xF7A  }
0x26: {  	[smem:$0x3F96] =	sst s1;
	(tag) =	ssettag s2;
	_ =	strace s9  }
0x27: {  	s1 =	sld [smem:$0x3FA6]  }
0x28: {  	s2 =	sld [smem:$0x3FA7]  }
0x29: {  	s4 =	sld [smem:$0x3FA9]  }
0x2a: {  	p0 =	seq.s32 s5, $0x0;
	s5 =	sld [smem:$0x3FAA]  }
0x2b: {  	s6 =	sld [smem:$0x3FAB]  }
0x2c: {  	s7 =	sld [smem:$0x3FAC]  }
0x2d: {  	s3 =	simm.s32 $0x108;
	s8 =	sld [smem:$0x3FAD]  }
0x2e: {  	s3 =	simm.s32 @!p0 $0x1082;
	s9 =	sld [smem:$0x3FAE]  }
0x2f: {  	lr =	sadd.s32 s0, s3;
	s0 =	sld [smem:$0x3FA5]  }
0x30: {  	s3 =	sld [smem:$0x3FA8]  }
0x31: {  	[smem:$0x3FB1] =	sst s10  }
0x32: {  	s10 =	sld [smem:$0x3FAF];
	_ =	sdelay $0x3  }
0x33: {  	p0 =	seq.s32 s10, $0x1;
	s10 =	sld [smem:$0x3FB1];
	_ =	sdelay $0x3  }
0x34: {  	[smem:$0x3FB1] =	sst s10  }
0x35: {  	s10 =	sld [smem:$0x3FB0];
	_ =	sdelay $0x3  }
0x36: {  	p1 =	seq.s32 s10, $0x1;
	s10 =	sld [smem:$0x3FB1];
	_ =	sdelay $0x3  }
0x37: {  	[smem:$0x3FB1] =	sst s10  }
0x38: {  	s10 =	sld [smem:$0x3FB2]  }
0x39: {  	_ = 	snop;
	(pc) =	sbr.ind lr, $3  }
0x3a: {  	_ = 	snop  }
0x3b: {  	_ = 	snop  }
0x3c: {  	p2 =	seq.s32 s10, $0x1;
	s10 =	sld [smem:$0x3FB1]  }
0x3d: {  	_ =	shalt  }
0x3e: {  	_ =	shalt  }
0x3f: {  	_ =	shalt  }
0x40: {  	_ =	shalt  }
0x41: {  	_ =	shalt  }
0x42: {  	_ =	shalt  }
0x43: {  	_ =	shalt  }
0x44: {  	_ =	shalt  }
0x45: {  	_ =	shalt  }
0x46: {  	_ =	shalt  }
0x47: {  	_ =	shalt  }
0x48: {  	_ =	shalt  }
0x49: {  	_ =	shalt  }
0x4a: {  	_ =	shalt  }
0x4b: {  	_ =	shalt  }
0x4c: {  	_ =	shalt  }
0x4d: {  	_ =	shalt  }
0x4e: {  	_ =	shalt  }
0x4f: {  	_ =	shalt  }
0x50: {  	_ =	shalt  }
0x51: {  	_ =	shalt  }
0x52: {  	_ =	shalt  }
0x53: {  	_ =	shalt  }
0x54: {  	_ =	shalt  }
0x55: {  	_ =	shalt  }
0x56: {  	_ =	shalt  }
0x57: {  	_ =	shalt  }
0x58: {  	_ =	shalt  }
0x59: {  	_ =	shalt  }
0x5a: {  	_ =	shalt  }
0x5b: {  	_ =	shalt  }
0x5c: {  	_ =	shalt  }
0x5d: {  	_ =	shalt  }
0x5e: {  	_ =	shalt  }
0x5f: {  	_ =	shalt  }
0x60: {  	_ =	shalt  }
0x61: {  	_ =	shalt  }
0x62: {  	_ =	shalt  }
0x63: {  	_ =	shalt  }
0x64: {  	_ =	shalt  }
0x65: {  	_ =	shalt  }
0x66: {  	_ =	shalt  }
0x67: {  	_ =	shalt  }
0x68: {  	_ =	shalt  }
0x69: {  	_ =	shalt  }
0x6a: {  	_ =	shalt  }
0x6b: {  	_ =	shalt  }
0x6c: {  	_ =	shalt  }
0x6d: {  	_ =	shalt  }
0x6e: {  	_ =	shalt  }
0x6f: {  	_ =	shalt  }
0x70: {  	_ =	shalt  }
0x71: {  	_ =	shalt  }
0x72: {  	_ =	shalt  }
0x73: {  	_ =	shalt  }
0x74: {  	_ =	shalt  }
0x75: {  	_ =	shalt  }
0x76: {  	_ =	shalt  }
0x77: {  	_ =	shalt  }
0x78: {  	_ =	shalt  }
0x79: {  	_ =	shalt  }
0x7a: {  	_ =	shalt  }
0x7b: {  	_ =	shalt  }
0x7c: {  	_ =	shalt  }
0x7d: {  	_ =	shalt  }
0x7e: {  	_ =	shalt  }
0x7f: {  	_ =	shalt  }
0x80: {  	_ =	shalt  }
0x81: {  	_ =	shalt  }
0x82: {  	_ =	shalt  }
0x83: {  	_ =	shalt  }
0x84: {  	_ =	shalt  }
0x85: {  	_ =	shalt  }
0x86: {  	_ =	shalt  }
0x87: {  	_ =	shalt  }
.Lfunc_end0:
.L_simem_size_0:
called_computation.3_lowered:
.L_overlay_start_0:
0x88: {  	s2 =	sld [smem:$0x3FD9]  }
0x89: {  	s3 =	sld [smem:$0x3FFE];
	_ =	sdelay $0x1  }
0x8a: {  	s1 =	srdreg.scid  }
0x8b: {  	s0 =	sand.u32 $0x1, s1  }
0x8c: {  	s15 =	sshll.u32 s0, $0xA;
	s2 =	sadd.s32 s3, s2  }
0x8d: {  	s2 =	sadd.s32 s2, s15  }
0x8e: {  	[smem:$0x3FBD] =	sst s2  }
0x8f: {  	_ = 	snop  }
0x90: {  	s2 =	sld [smem:$0x3FD0];
	_ =	sdelay $0x2  }
0x91: {  	s16 =	simm.s32 $0xD;
	s4 =	simm.s32 $0x10  }
0x92: {  	[smem:s4], [sflag:s16] =	dma.local [hbm:s2], $0x1  }
0x93: {  	_ =	swait.eq [sflag:s16], $0x1  }
0x94: {  	[sflag:s16] =	ssyncset.done $0x0  }
0x95: {  	[sflag:s16] =	ssyncadd.s32 $0xFFFFFFFF  }
0x96: {  	s17 =	sld [smem:$0x11];
	(tm) =	ssettm $0x1  }
0x97: {  	s18 =	sld [smem:$0x3FFB];
	_ =	sdelay $0x3  }
0x98: {  	_ =	strace s18  }
0x99: {  	s2 =	sld [smem:$0x3FFC];
	_ =	sdelay $0x3  }
0x9a: {  	_ =	strace s2  }
0x9b: {  	s2 =	sld [smem:$0x3FFD];
	_ =	sdelay $0x3  }
0x9c: {  	_ =	strace s2  }
0x9d: {  	_ =	strace $0x8FFFFFFF  }
0x9e: {  	s19 =	sld [smem:$0x3FDB];
	_ =	sdelay $0x1  }
0x9f: {  	s20 =	simm.s32 $_scs_section_size  }
0xa0: {  	s5 =	simm.s32 $_size__tile_overlayer_lowered;
	s6 =	simm.s32 $_tile_overlayer_lowered  }
0xa1: {  	s7 =	simm.s32 $0x1BFF;
	s21 =	sshll.u32 s6, $0x1;
	s4 =	sadd.s32 s20, s19  }
0xa2: {  	s22 =	simm.s32 $0x0;
	s5 =	sshll.u32 s5, $0x1;
	s6 =	sadd.s32 s21, s4  }
0xa3: {  	[timem:s22], [sflag:s7] =	dma.local [hbm:s6], s5  }
0xa4: {  	_ =	swait.ge [sflag:s7], s5  }
0xa5: {  	s5 =	ssub.s32 $0x0, s5;
	[sflag:s7] =	ssyncset.done $0x0  }
0xa6: {  	[sflag:s7] =	ssyncadd.s32 s5;
	_ =	sdelay $0x1  }
0xa7: {  	s23 =	simm.s32 $0x1B8B  }
0xa8: {  	_ =	swait.ge [sflag:s23], $0x1  }
0xa9: {  	[sflag:s23] =	ssyncset.done $0x0  }
0xaa: {  	[sflag:s23] =	ssyncadd.s32 $0xFFFFFFFF  }
0xab: {  	s5 =	sld [smem:$0x0]  }
0xac: {  	s6 =	sand.u32 $0xFFFFFFFE, s1  }
0xad: {  	p0 =	sne.s32 s1, s6  }
0xae: {  	s6 =	sshll.u32 @p0 s6, $0xE  }
0xaf: {  	s6 =	sadd.s32 @p0 $0x11B8D, s6;
	s7 =	sshll.u32 @p0 s5, $0x11  }
0xb0: {  	s6 =	sor.u32 @p0 s7, s6  }
0xb1: {  	[sflag:s6] =	ssyncadd.remote.s32 @p0 $0x1;
	_ =	sdelay $0x1  }
0xb2: {  	s6 =	simm.s32 @p0 $0x1B8D  }
0xb3: {  	_ =	swait.eq @p0 [sflag:s6], $0x1  }
0xb4: {  	[sflag:s6] =	ssyncadd.s32 @p0 $0xFFFFFFFF  }
0xb5: {  	s7 =	sshll.u32 @!p0 s1, $0xE  }
0xb6: {  	s7 =	sor.u32 @!p0 $0x4000, s7;
	s6 =	simm.s32 @!p0 $0x1B8D  }
0xb7: {  	s5 =	sshll.u32 @!p0 s5, $0x11;
	s7 =	sadd.s32 @!p0 $0x11B8D, s7;
	_ =	swait.eq @!p0 [sflag:s6], $0x1  }
0xb8: {  	s5 =	sor.u32 @!p0 s5, s7;
	[sflag:s6] =	ssyncadd.s32 @!p0 $0xFFFFFFFF  }
0xb9: {  	s25 =	simm.s32 $0x1B8E;
	s24 =	sld [smem:$0x3FFE];
	[sflag:s5] =	ssyncadd.remote.s32 @!p0 $0x1  }
0xba: {  	s26 =	simm.s32 $execute0_lowered;
	[smem:$0x3FD2] =	sst s25  }
0xbb: {  	s6 =	sshll.u32 s26, $0x1;
	_ =	strace $0x8000004F;
	[dreg:$0x1] =	wrdreg $0xFFFFFFFF  }
0xbc: {  	s28 =	simm.s32 $_size_execute0_lowered;
	s4 =	sadd.s32 s4, s6;
	[dreg:$0x0] =	wrdreg $0x0  }
0xbd: {  	s6 =	sshll.u32 s28, $0x1;
	[dreg:$0x2] =	wrdreg s4  }
0xbe: {  	[dreg:$0x3] =	wrdreg s6  }
0xbf: {  	[dreg:$0x4] =	wrdreg $0xC0  }
0xc0: {  	_ =	task [dreg:s22], $0x5FFFF  }
0xc1: {  	[dreg:$0x1] =	wrdreg $0xFFFFFFFF  }
0xc2: {  	[dreg:$0x0] =	wrdreg $0x60  }
0xc3: {  	[dreg:$0x2] =	wrdreg s24  }
0xc4: {  	[dreg:$0x3] =	wrdreg s17  }
0xc5: {  	[dreg:$0x4] =	wrdreg $0xC  }
0xc6: {  	_ =	task.clear_ibuf [dreg:s22], $0x5FFFF;
	_ =	strace $0x9000004F  }
0xc7: {  	s29 =	simm.s32 $0xC;
	_ =	strace $0x80000051  }
0xc8: {  	_ =	swait.ge [sflag:s29], $0x1  }
0xc9: {  	[sflag:s29] =	ssyncadd.s32 $0xFFFFFFFF  }
0xca: {  	_ =	strace $0x90000051  }
0xcb: {  	_ =	sfence  }
0xcc: {  	s30 =	sld [smem:$0x0];
	_ =	sdelay $0x2  }
0xcd: {  	s31 =	sshll.u32 s1, $0xD;
	s1 =	sshrl.u32 s1, $0x2  }
0xce: {  	s4 =	sand.u32 $0x4000, s31;
	s1 =	sadd.s32 s1, s30  }
0xcf: {  	s0 =	sor.u32 s4, s0;
	s1 =	sshll.u32 s1, $0x11  }
0xd0: {  	s0 =	sor.u32 s1, s0  }
0xd1: {  	s0 =	sadd.s32 $0x8F2B, s0  }
0xd2: {  	[sflag:s0] =	ssyncadd.remote.s32 $0x1  }
0xd3: {  	_ =	sfence.sel $0xFFFF  }
0xd4: {  	[dreg:$0x0] =	wrdreg $0xFFFFFFFF;
	(pc) =	sbr.abs _section_cstart, $3  }
0xd5: {  	[dreg:$0x1] =	wrdreg $0xFFFFFFFF  }
0xd6: {  	_ =	task.clear_ibuf [dreg:s22], $0x2FFFF;
	_ =	strace $0x9FFFFFFF  }
0xd7: {  	(tm) =	ssettm $0x7FFFFFFF  }
tec
execute0_lowered:
.L_overlay_start_1:
0x0: {  	(tag) =	ssettag $0x1  }
0x1: {  	s8 =	rddreg [dreg:$0x0]  }
0x2: {  	s2 =	rddreg [dreg:$0x1]  }
0x3: {  	s0 =	rddreg [dreg:$0x2]  }
0x4: {  	s4 =	srdreg.scid;
	s1 =	stileid.u32;
	s3 =	simm.s32 $0x0  }
0x5: {  	s14 =	simm.s32 $0x3;
	s15 =	simm.s32 $0x80;
	s16 =	simm.s32 $0x100  }
0x6: {  	s17 =	simm.s32 $0x4100;
	s18 =	simm.s32 $0x8100;
	s19 =	simm.s32 $0x8180  }
0x7: {  	s20 =	simm.s32 $0x8200;
	s21 =	simm.s32 $0xC200;
	s22 =	simm.s32 $0x1  }
0x8: {  	s23 =	simm.s32 $0x2;
	s24 =	simm.s32 $0x0;
	s7 =	sand.u32 $0x1, s4  }
0x9: {  	s31 =	sshll.u32 s1, $0x1;
	[smem:$0x7FF] =	sst s3;
	s5 =	sadd.s32 $0x37E00, s8  }
0xa: {  	s6 =	sadd.s32 $0x35600, s8;
	s11 =	sor.u32 s7, s31;
	s9 =	ssub.s32 $0x2, s7  }
0xb: {  	_ =	strace $0x80000050;
	s4 =	smul.u32 $0xA00, s11;
	s10 =	sshrl.u32 s9, $0x1  }
0xc: {  	s7 =	sadd.s32 $0x1C00, s8;
	s8 =	sadd.s32 $0x3FA600, s8;
	s13 =	ssub.s32 s9, s10  }
0xd: {  	s11 =	smul.u32 $0x50000, s11;
	s12 =	sshrl.u32 s4, $0x3;
	s13 =	smax.u32 s13, $0x1  }
0xe: {  	s9 =	sadd.s32 s5, s12;
	s10 =	sadd.s32 s6, s12;
	s12 =	sor.u32 $0x100, s4  }
.LBB2_1:
0xf: {  	[tilespmem:s3], [sflag:$0x3] =	stream.linear.gather [hbm4b:s9+s3], $0x80, $0x38;
	[tilespmem:$0x10200] =	vst v63  }
0x10: {  	_ =	swait.ge [sflag:s14], $0x80  }
0x11: {  	[sflag:s14] =	ssyncset.done $0x0  }
0x12: {  	[sflag:s14] =	ssyncadd.s32 $0xFFFFFF80  }
0x13: {  	[tilespmem:s15], [sflag:$0x3] =	stream.linear.gather [hbm4b:s10+s3], $0x80, $0x38;
	[tilespmem:$0x10200] =	vst v63  }
0x14: {  	_ =	swait.ge [sflag:s14], $0x80  }
0x15: {  	[sflag:s14] =	ssyncset.done $0x0  }
0x16: {  	[sflag:s14] =	ssyncadd.s32 $0xFFFFFF80  }
0x17: {  	[tilespmem:s16], [sflag:$0x1] =	stream.indirect.gather [hbm4b:s2+s15], $0x80, s3, s15, $0xb8;
	[tilespmem:$0x10200] =	vst v63  }
0x18: {  	s25 =	simm.s32 $0x0  }
0x19: {  	[tilespmem:s17], [sflag:$0x1] =	stream.indirect.gather [hbm4b:s7+s15], $0x80, s15, s15, $0xb8;
	[tilespmem:$0x10200] =	vst v63  }
.LBB2_2:
0x1a: {  	s28 =	sshll.u32 s25, $0x8  }
0x1b: {  	s26 =	sadd.s32 s28, s4  }
0x1c: {  	s26 =	sadd.s32 $0x80, s26  }
0x1d: {  	s29 =	sshrl.u32 s26, $0x3  }
0x1e: {  	s31 =	simm.s32 $0x0;
	s30 =	sadd.s32 s5, s29  }
0x1f: {  	[tilespmem:s18], [sflag:$0x3] =	stream.linear.gather [hbm4b:s30+s31], $0x80, $0x38;
	[tilespmem:$0x10200] =	vst v63  }
0x20: {  	_ =	swait.ge [sflag:s14], $0x80  }
0x21: {  	[sflag:s14] =	ssyncset.done $0x0  }
0x22: {  	s29 =	sadd.s32 s6, s29;
	[sflag:s14] =	ssyncadd.s32 $0xFFFFFF80  }
0x23: {  	[tilespmem:s19], [sflag:$0x3] =	stream.linear.gather [hbm4b:s29+s31], $0x80, $0x38;
	[tilespmem:$0x10200] =	vst v63  }
0x24: {  	_ =	swait.ge [sflag:s14], $0x80  }
0x25: {  	[sflag:s14] =	ssyncset.done $0x0  }
0x26: {  	[sflag:s14] =	ssyncadd.s32 $0xFFFFFF80  }
0x27: {  	[tilespmem:s20], [sflag:$0x2] =	stream.indirect.gather [hbm4b:s2+s15], $0x80, s18, s15, $0xb8;
	[tilespmem:$0x10200] =	vst v63  }
0x28: {  	_ = 	snop  }
0x29: {  	[tilespmem:s21], [sflag:$0x2] =	stream.indirect.gather [hbm4b:s7+s15], $0x80, s19, s15, $0xb8;
	[tilespmem:$0x10200] =	vst v63  }
0x2a: {  	_ =	swait.ge [sflag:s22], $0x4000  }
0x2b: {  	[sflag:s22] =	ssyncset.done $0x0  }
0x2c: {  	[sflag:s22] =	ssyncadd.s32 $0xFFFFC000  }
0x2d: {  	_ =	swait.ge [sflag:s22], $0x4000  }
0x2e: {  	[sflag:s22] =	ssyncset.done $0x0  }
0x2f: {  	s29 =	simm.s32 $0x0;
	[sflag:s22] =	ssyncadd.s32 $0xFFFFC000  }
0x30: {  	v7 =	vld [tilespmem:s29+$0x4100]  }
0x31: {  	v11 =	vld [tilespmem:s29+$0x4110]  }
0x32: {  	v5 =	vld [tilespmem:s29+$0x4120]  }
0x33: {  	v4 =	vld [tilespmem:s29+$0x4130]  }
0x34: {  	v3 =	vld [tilespmem:s29+$0x4140]  }
0x35: {  	v2 =	vld [tilespmem:s29+$0x4150]  }
0x36: {  	v1 =	vld [tilespmem:s29+$0x4160]  }
0x37: {  	v0 =	vld [tilespmem:s29+$0x4170]  }
0x38: {  	v12 =	vld [tilespmem:s29+$0x100]  }
0x39: {  	v13 =	vld [tilespmem:s29+$0x110]  }
0x3a: {  	v10 =	vld [tilespmem:s29+$0x120]  }
0x3b: {  	v9 =	vld [tilespmem:s29+$0x130]  }
0x3c: {  	v8 =	vld [tilespmem:s29+$0x140]  }
0x3d: {  	v6 =	vld [tilespmem:s29+$0x150];
	v12 =	vadd.f32 v7, v12  }
0x3e: {  	s30 =	simm.s32 $0x200;
	v11 =	vadd.f32 v11, v13;
	v7 =	vld [tilespmem:s29+$0x160]  }
.LBB2_3:
0x3f: {  	s31 =	sshra.s32 s30, $0x2;
	p0 =	sne.s32 s30, $0xFE00;
	[tilespmem:s29+$0x100] =	vst v12;
	v5 =	vadd.f32 v5, v10;
	v10 =	vld [tilespmem:s29+$0x170]  }
0x40: {  	v12 =	vld [tilespmem:s31+$0x4100];
	[tilespmem:s29+$0x110] =	vst v11;
	v4 =	vadd.f32 v4, v9  }
0x41: {  	v11 =	vld [tilespmem:s31+$0x4110];
	[tilespmem:s29+$0x120] =	vst v5;
	v3 =	vadd.f32 v3, v8  }
0x42: {  	v5 =	vld [tilespmem:s31+$0x4120];
	[tilespmem:s29+$0x130] =	vst v4;
	v2 =	vadd.f32 v2, v6  }
0x43: {  	v4 =	vld [tilespmem:s31+$0x4130];
	[tilespmem:s29+$0x140] =	vst v3;
	v1 =	vadd.f32 v1, v7  }
0x44: {  	v3 =	vld [tilespmem:s31+$0x4140];
	[tilespmem:s29+$0x150] =	vst v2;
	v0 =	vadd.f32 v0, v10  }
0x45: {  	v2 =	vld [tilespmem:s31+$0x4150];
	[tilespmem:s29+$0x160] =	vst v1  }
0x46: {  	v1 =	vld [tilespmem:s31+$0x4160];
	[tilespmem:s29+$0x170] =	vst v0;
	s29 =	smov.u32 s31  }
0x47: {  	v0 =	vld [tilespmem:s29+$0x4170]  }
0x48: {  	v6 =	vld [tilespmem:s29+$0x100]  }
0x49: {  	v7 =	vld [tilespmem:s29+$0x110]  }
.Ltmp0:
0x4a: {  	v10 =	vld [tilespmem:s29+$0x120];
	(pc) =	sbr.rel @p0 .LBB2_3-.Ltmp0, $4  }
0x4b: {  	v9 =	vld [tilespmem:s29+$0x130]  }
0x4c: {  	v8 =	vld [tilespmem:s29+$0x140]  }
0x4d: {  	v12 =	vadd.f32 v12, v6;
	v6 =	vld [tilespmem:s29+$0x150]  }
0x4e: {  	s30 =	sadd.s32 $0x200, s30;
	v11 =	vadd.f32 v11, v7;
	v7 =	vld [tilespmem:s29+$0x160]  }
0x4f: {  	[tilespmem:s29+$0x100] =	vst v12;
	v5 =	vadd.f32 v5, v10;
	v10 =	vld [tilespmem:s29+$0x170]  }
0x50: {  	[tilespmem:s29+$0x110] =	vst v11;
	v4 =	vadd.f32 v4, v9  }
0x51: {  	[tilespmem:s29+$0x120] =	vst v5;
	v3 =	vadd.f32 v3, v8  }
0x52: {  	[tilespmem:s29+$0x130] =	vst v4;
	v2 =	vadd.f32 v2, v6  }
0x53: {  	s30 =	sshll.u32 s25, $0xF;
	[tilespmem:s29+$0x140] =	vst v3;
	v1 =	vadd.f32 v1, v7  }
0x54: {  	s30 =	sadd.s32 s11, s30;
	[tilespmem:s29+$0x150] =	vst v2;
	v0 =	vadd.f32 v0, v10  }
0x55: {  	s30 =	sshrl.u32 s30, $0x3;
	[tilespmem:s29+$0x160] =	vst v1  }
0x56: {  	p0 =	seq.s32 s25, $0x9;
	[tilespmem:s29+$0x170] =	vst v0;
	s29 =	sadd.s32 s8, s30  }
0x57: {  	[hbm4b:s29+s3] =	stream.linear.scatter [tilespmem:s16], [sflag:$0x3], $0x4000, $0x38;
	[tilespmem:$0x10200] =	vst v63  }
0x58: {  	s28 =	sadd.s32 @!p0 s28, s12;
	_ =	swait.ge [sflag:s14], $0x4000  }
0x59: {  	s28 =	sshrl.u32 @!p0 s28, $0x3;
	[sflag:s14] =	ssyncset.done $0x0  }
0x5a: {  	s30 =	simm.s32 @!p0 $0x0;
	s29 =	sadd.s32 @!p0 s5, s28;
	[sflag:s14] =	ssyncadd.s32 $0xFFFFC000  }
0x5b: {  	[tilespmem:s30], [sflag:$0x3] =	stream.linear.gather @!p0 [hbm4b:s29+s30], $0x80, $0x38;
	[tilespmem:$0x10200] =	vst v63  }
0x5c: {  	s29 =	simm.s32 @!p0 $0x3  }
0x5d: {  	_ =	swait.ge @!p0 [sflag:s29], $0x80  }
0x5e: {  	[sflag:s29] =	ssyncset.done @!p0 $0x0  }
0x5f: {  	s31 =	simm.s32 @!p0 $0x80;
	s28 =	sadd.s32 @!p0 s6, s28;
	[sflag:s29] =	ssyncadd.s32 @!p0 $0xFFFFFF80  }
0x60: {  	[tilespmem:s31], [sflag:$0x3] =	stream.linear.gather @!p0 [hbm4b:s28+s30], $0x80, $0x38;
	[tilespmem:$0x10200] =	vst v63  }
0x61: {  	_ =	swait.ge @!p0 [sflag:s29], $0x80  }
0x62: {  	[sflag:s29] =	ssyncset.done @!p0 $0x0  }
0x63: {  	s28 =	simm.s32 @!p0 $0x100;
	[sflag:s29] =	ssyncadd.s32 @!p0 $0xFFFFFF80  }
0x64: {  	[tilespmem:s28], [sflag:$0x1] =	stream.indirect.gather @!p0 [hbm4b:s2+s31], $0x80, s30, s31, $0xb8;
	[tilespmem:$0x10200] =	vst v63  }
0x65: {  	s28 =	simm.s32 @!p0 $0x4100  }
0x66: {  	[tilespmem:s28], [sflag:$0x1] =	stream.indirect.gather @!p0 [hbm4b:s7+s31], $0x80, s31, s31, $0xb8;
	[tilespmem:$0x10200] =	vst v63  }
0x67: {  	_ =	swait.ge [sflag:s23], $0x4000  }
0x68: {  	[sflag:s23] =	ssyncset.done $0x0  }
0x69: {  	[sflag:s23] =	ssyncadd.s32 $0xFFFFC000  }
0x6a: {  	_ =	swait.ge [sflag:s23], $0x4000  }
0x6b: {  	[sflag:s23] =	ssyncset.done $0x0  }
0x6c: {  	s28 =	simm.s32 $0x0;
	[sflag:s23] =	ssyncadd.s32 $0xFFFFC000  }
0x6d: {  	v7 =	vld [tilespmem:s28+$0xC200]  }
0x6e: {  	v11 =	vld [tilespmem:s28+$0xC210]  }
0x6f: {  	v5 =	vld [tilespmem:s28+$0xC220]  }
0x70: {  	v4 =	vld [tilespmem:s28+$0xC230]  }
0x71: {  	v3 =	vld [tilespmem:s28+$0xC240]  }
0x72: {  	v2 =	vld [tilespmem:s28+$0xC250]  }
0x73: {  	v1 =	vld [tilespmem:s28+$0xC260]  }
0x74: {  	v0 =	vld [tilespmem:s28+$0xC270]  }
0x75: {  	v12 =	vld [tilespmem:s28+$0x8200]  }
0x76: {  	v13 =	vld [tilespmem:s28+$0x8210]  }
0x77: {  	v10 =	vld [tilespmem:s28+$0x8220]  }
0x78: {  	v9 =	vld [tilespmem:s28+$0x8230]  }
0x79: {  	v8 =	vld [tilespmem:s28+$0x8240]  }
0x7a: {  	v6 =	vld [tilespmem:s28+$0x8250];
	v12 =	vadd.f32 v7, v12  }
0x7b: {  	s29 =	simm.s32 $0x200;
	v11 =	vadd.f32 v11, v13;
	v7 =	vld [tilespmem:s28+$0x8260]  }
.LBB2_5:
0x7c: {  	s30 =	sshra.s32 s29, $0x2;
	p0 =	sne.s32 s29, $0xFE00;
	[tilespmem:s28+$0x8200] =	vst v12;
	v5 =	vadd.f32 v5, v10;
	v10 =	vld [tilespmem:s28+$0x8270]  }
0x7d: {  	v12 =	vld [tilespmem:s30+$0xC200];
	[tilespmem:s28+$0x8210] =	vst v11;
	v4 =	vadd.f32 v4, v9  }
0x7e: {  	v11 =	vld [tilespmem:s30+$0xC210];
	[tilespmem:s28+$0x8220] =	vst v5;
	v3 =	vadd.f32 v3, v8  }
0x7f: {  	v5 =	vld [tilespmem:s30+$0xC220];
	[tilespmem:s28+$0x8230] =	vst v4;
	v2 =	vadd.f32 v2, v6  }
0x80: {  	v4 =	vld [tilespmem:s30+$0xC230];
	[tilespmem:s28+$0x8240] =	vst v3;
	v1 =	vadd.f32 v1, v7  }
0x81: {  	v3 =	vld [tilespmem:s30+$0xC240];
	[tilespmem:s28+$0x8250] =	vst v2;
	v0 =	vadd.f32 v0, v10  }
0x82: {  	v2 =	vld [tilespmem:s30+$0xC250];
	[tilespmem:s28+$0x8260] =	vst v1  }
0x83: {  	v1 =	vld [tilespmem:s30+$0xC260];
	[tilespmem:s28+$0x8270] =	vst v0;
	s28 =	smov.u32 s30  }
0x84: {  	v0 =	vld [tilespmem:s28+$0xC270]  }
0x85: {  	v6 =	vld [tilespmem:s28+$0x8200]  }
0x86: {  	v7 =	vld [tilespmem:s28+$0x8210]  }
.Ltmp1:
0x87: {  	v10 =	vld [tilespmem:s28+$0x8220];
	(pc) =	sbr.rel @p0 .LBB2_5-.Ltmp1, $4  }
0x88: {  	v9 =	vld [tilespmem:s28+$0x8230]  }
0x89: {  	v8 =	vld [tilespmem:s28+$0x8240]  }
0x8a: {  	v12 =	vadd.f32 v12, v6;
	v6 =	vld [tilespmem:s28+$0x8250]  }
0x8b: {  	s29 =	sadd.s32 $0x200, s29;
	v11 =	vadd.f32 v11, v7;
	v7 =	vld [tilespmem:s28+$0x8260]  }
0x8c: {  	[tilespmem:s28+$0x8200] =	vst v12;
	v5 =	vadd.f32 v5, v10;
	v63 =	vld [tilespmem:s28+$0x8270]  }
0x8d: {  	[tilespmem:s28+$0x8210] =	vst v11;
	v4 =	vadd.f32 v4, v9  }
0x8e: {  	[tilespmem:s28+$0x8220] =	vst v5;
	v3 =	vadd.f32 v3, v8  }
0x8f: {  	[tilespmem:s28+$0x8230] =	vst v4;
	v2 =	vadd.f32 v2, v6  }
0x90: {  	[tilespmem:s28+$0x8240] =	vst v3;
	v1 =	vadd.f32 v1, v7  }
0x91: {  	s25 =	sadd.s32 $0x1, s25;
	[tilespmem:s28+$0x8250] =	vst v2;
	v0 =	vadd.f32 v0, v63  }
0x92: {  	s26 =	sshll.u32 s26, $0x4;
	p0 =	sne.s32 s25, $0xA;
	[tilespmem:s28+$0x8260] =	vst v1  }
.Ltmp2:
0x93: {  	s26 =	sadd.s32 s8, s26;
	[tilespmem:s28+$0x8270] =	vst v0;
	(pc) =	sbr.rel @p0 .LBB2_2-.Ltmp2, $4  }
0x94: {  	[hbm4b:s26+s3] =	stream.linear.scatter [tilespmem:s20], [sflag:$0x3], $0x4000, $0x38;
	[tilespmem:$0x10200] =	vst v63  }
0x95: {  	_ =	swait.ge [sflag:s14], $0x4000  }
0x96: {  	[sflag:s14] =	ssyncset.done $0x0  }
0x97: {  	[sflag:s14] =	ssyncadd.s32 $0xFFFFC000  }
0x98: {  	s24 =	sadd.s32 $0x1, s24  }
0x99: {  	p0 =	sne.s32 s24, s13  }
.Ltmp3:
0x9a: {  	_ = 	snop;
	(pc) =	sbr.rel @p0 .LBB2_1-.Ltmp3, $1  }
0x9b: {  	_ =	sdelay $0x3  }
0x9c: {  	_ =	sfence.sel $0x180000  }
0x9d: {  	[bflag:$0x0] =	sbarrier.arrive $0xFFFF  }
0x9e: {  	p0 =	sne.s32 s1, $0x0;
	_ =	strace $0x90000050  }
0x9f: {  	s0 =	sadd.s32 @!p0 $0x100000, s0;
	[bflag:$0x2] =	sbarrier.arrive $0xFFFF  }
0xa0: {  	[sflag:s0] =	ssyncadd.tile.s32 @!p0 $0x1;
	_ =	shalt  }
.Lfunc_end2:
_tile_overlayer_lowered:
.L_overlay_start_2:
0xa1: {  	(tag) =	ssettag $0x2  }
0xa2: {  	s0 =	rddreg [dreg:$0x0];
	s2 =	stileid.u32  }
0xa3: {  	s1 =	rddreg [dreg:$0x1];
	p0 =	sne.s32 s2, $0x0  }
0xa4: {  	s3 =	rddreg [dreg:$0x2];
	[bflag:$0x3] =	sbarrier.arrive $0xFFFF;
	s2 =	simm.s32 @!p0 $0x1C03  }
0xa5: {  	[timem:s3], [sflag:s2] =	dma.local @!p0 [hbm:s0], s1  }
0xa6: {  	s0 =	simm.s32 @!p0 $0x3  }
0xa7: {  	_ =	swait.ge @!p0 [sflag:s0], s1  }
0xa8: {  	s1 =	ssub.s32 @!p0 $0x0, s1;
	[sflag:s0] =	ssyncset.done @!p0 $0x0  }
0xa9: {  	[sflag:s0] =	ssyncadd.s32 @!p0 s1  }
0xaa: {  	[bflag:$0x3] =	sbarrier.arrive $0xFFFF  }
0xab: {  	_ =	shalt  }

</sc_bundles>
